<compile_context>
chip_gen: v7x
topology: tpu7x:2x2x1
jax: 0.10.2.dev20260603
libtpu: 0.0.44.dev20260713+nightly
codegen_flags: <defaults>
</compile_context>

<pallas_src>
import functools

import jax
import jax.numpy as jnp
from jax import lax
from jax.experimental import pallas as pl
from jax.experimental.pallas import tpu as pltpu
from jax.experimental.pallas import tpu_sc as plsc

NC = 2
NS = 16
NW = NC * NS
EB = 125


def _acc_rows(n_nodes):
    rpt = (-(-n_nodes // NS) + 7) // 8 * 8
    return rpt, NS * rpt


NB = 4


def _make_sc_agg(n_nodes, d, n_edges, with_deg):
    k_steps = n_edges // (NW * EB)
    n_groups = k_steps // NB
    rpt, n_pad = _acc_rows(n_nodes)
    mesh = plsc.VectorSubcoreMesh(core_axis_name="c", subcore_axis_name="s")

    outs = [jax.ShapeDtypeStruct((NC, n_pad, d), jnp.float32)]
    scratch = [
        pltpu.VMEM((k_steps, EB), jnp.int32),
        pltpu.VMEM((k_steps, EB), jnp.int32),
        pltpu.VMEM((2 * NB, EB, d), jnp.float32),
        pltpu.VMEM_SHARED((n_pad, d), jnp.float32),
        [pltpu.SemaphoreType.DMA] * 2,
        [pltpu.SemaphoreType.DMA] * 2,
    ]
    if with_deg:
        outs.append(jax.ShapeDtypeStruct((NC, n_pad, d), jnp.float32))
        scratch += [
            pltpu.VMEM((EB, d), jnp.float32),
            pltpu.VMEM_SHARED((n_pad, d), jnp.float32),
        ]

    def body(*refs):
        if with_deg:
            (p_hbm, src_hbm, dst_hbm, zeros_hbm, ones_hbm,
             acc_out, deg_out,
             src_v, dst_v, msg_v, acc_sh, sem_g, sem_s, ones_v, deg_sh) = refs
        else:
            (p_hbm, src_hbm, dst_hbm, zeros_hbm,
             acc_out,
             src_v, dst_v, msg_v, acc_sh, sem_g, sem_s) = refs

        c = lax.axis_index("c")
        s = lax.axis_index("s")
        w = c * NS + s
        row0 = s * rpt

        pltpu.sync_copy(zeros_hbm, acc_sh.at[pl.ds(row0, rpt)])
        if with_deg:
            pltpu.sync_copy(zeros_hbm, deg_sh.at[pl.ds(row0, rpt)])
            pltpu.sync_copy(ones_hbm, ones_v)
        pltpu.sync_copy(src_hbm.at[pl.ds(w * k_steps, k_steps)], src_v)
        pltpu.sync_copy(dst_hbm.at[pl.ds(w * k_steps, k_steps)], dst_v)
        plsc.subcore_barrier()

        def fire_gathers(g, half):
            for b in range(NB):
                pltpu.async_copy(p_hbm.at[src_v.at[g * NB + b]],
                                 msg_v.at[half * NB + b], sem_g[half])

        def drain(sem, count):
            for _ in range(count):
                pltpu.make_async_copy(p_hbm.at[pl.ds(0, EB)],
                                      msg_v.at[0], sem).wait()

        def fire_scatters(g, half):
            for b in range(NB):
                pltpu.async_copy(msg_v.at[half * NB + b],
                                 acc_sh.at[dst_v.at[g * NB + b]],
                                 sem_s[half], add=True)
                if with_deg:
                    pltpu.async_copy(ones_v,
                                     deg_sh.at[dst_v.at[g * NB + b]],
                                     sem_s[half], add=True)

        fire_gathers(0, 0)

        def group_steps(g, half):
            drain(sem_g[half], NB)
            fire_scatters(g, half)

            @pl.when(g + 1 < n_groups)
            def _():
                fire_gathers(g + 1, 1 - half)

            drain(sem_s[half], NB * (2 if with_deg else 1))

        def body2(j2, carry):
            group_steps(j2 * 2, 0)
            group_steps(j2 * 2 + 1, 1)
            return carry

        lax.fori_loop(0, n_groups // 2, body2, 0)
        plsc.subcore_barrier()

        pltpu.sync_copy(acc_sh.at[pl.ds(row0, rpt)],
                        acc_out.at[c, pl.ds(row0, rpt)])
        if with_deg:
            pltpu.sync_copy(deg_sh.at[pl.ds(row0, rpt)],
                            deg_out.at[c, pl.ds(row0, rpt)])

    return pl.kernel(
        body, out_type=outs, mesh=mesh, scratch_types=scratch,
        compiler_params=pltpu.CompilerParams(use_tc_tiling_on_sc=False))


def _proj2(x, w_self, w_neigh):
    n, din = x.shape
    d = w_self.shape[1]
    blk = 2000

    def body(x_ref, ws_ref, wn_ref, s_ref, p_ref):
        xb = x_ref[...]
        s_ref[...] = jnp.dot(xb, ws_ref[...], preferred_element_type=jnp.float32)
        p_ref[...] = jnp.dot(xb, wn_ref[...], preferred_element_type=jnp.float32)

    return pl.pallas_call(
        body,
        grid=(n // blk,),
        in_specs=[
            pl.BlockSpec((blk, din), lambda i: (i, 0)),
            pl.BlockSpec((din, d), lambda i: (0, 0)),
            pl.BlockSpec((din, d), lambda i: (0, 0)),
        ],
        out_specs=[
            pl.BlockSpec((blk, d), lambda i: (i, 0)),
            pl.BlockSpec((blk, d), lambda i: (i, 0)),
        ],
        out_shape=[jax.ShapeDtypeStruct((n, d), jnp.float32)] * 2,
    )(x, w_self, w_neigh)


def _combine1(s1, acc, deg, b1):
    n, d = s1.shape
    blk = 2000

    def body(s_ref, a_ref, g_ref, b_ref, h_ref, r_ref):
        agg = a_ref[0] + a_ref[1]
        dg = g_ref[0] + g_ref[1]
        r = 1.0 / jnp.maximum(dg, 1.0)
        h_ref[...] = jnp.maximum(s_ref[...] + agg * r + b_ref[...], 0.0)
        r_ref[...] = r

    return pl.pallas_call(
        body,
        grid=(n // blk,),
        in_specs=[
            pl.BlockSpec((blk, d), lambda i: (i, 0)),
            pl.BlockSpec((NC, blk, d), lambda i: (0, i, 0)),
            pl.BlockSpec((NC, blk, d), lambda i: (0, i, 0)),
            pl.BlockSpec((1, d), lambda i: (0, 0)),
        ],
        out_specs=[
            pl.BlockSpec((blk, d), lambda i: (i, 0)),
            pl.BlockSpec((blk, d), lambda i: (i, 0)),
        ],
        out_shape=[jax.ShapeDtypeStruct((n, d), jnp.float32)] * 2,
    )(s1, acc, deg, b1)


def _out_layer(h, acc2, rdeg, w2s, w2n, b2):
    n, d = h.shape
    dout = w2s.shape[1]
    blk = 2000

    def body(h_ref, a_ref, r_ref, ws_ref, wn_ref, b_ref, o_ref):
        m = (a_ref[0] + a_ref[1]) * r_ref[...]
        o_ref[...] = (
            jnp.dot(h_ref[...], ws_ref[...], preferred_element_type=jnp.float32)
            + jnp.dot(m, wn_ref[...], preferred_element_type=jnp.float32)
            + b_ref[...]
        )

    return pl.pallas_call(
        body,
        grid=(n // blk,),
        in_specs=[
            pl.BlockSpec((blk, d), lambda i: (i, 0)),
            pl.BlockSpec((NC, blk, d), lambda i: (0, i, 0)),
            pl.BlockSpec((blk, d), lambda i: (i, 0)),
            pl.BlockSpec((d, dout), lambda i: (0, 0)),
            pl.BlockSpec((d, dout), lambda i: (0, 0)),
            pl.BlockSpec((1, dout), lambda i: (0, 0)),
        ],
        out_specs=pl.BlockSpec((blk, dout), lambda i: (i, 0)),
        out_shape=jax.ShapeDtypeStruct((n, dout), jnp.float32),
    )(h, acc2, rdeg, w2s, w2n, b2)


def kernel(x, edge_index, W1_self, W1_neigh, b1, W2_self, W2_neigh, b2):
    n, _ = x.shape
    d = W1_self.shape[1]
    e = edge_index.shape[1]
    k_rows = e // EB

    src = edge_index[0].astype(jnp.int32).reshape(k_rows, EB)
    dst = edge_index[1].astype(jnp.int32).reshape(k_rows, EB)
    rpt, _ = _acc_rows(n)
    zeros = jnp.zeros((rpt, d), jnp.float32)
    ones = jnp.ones((EB, d), jnp.float32)

    s1, p1 = _proj2(x, W1_self, W1_neigh)
    agg1, deg = _make_sc_agg(n, d, e, True)(p1, src, dst, zeros, ones)
    h, rdeg = _combine1(s1, agg1, deg, b1.reshape(1, d))
    (agg2,) = _make_sc_agg(n, d, e, False)(h, src, dst, zeros)
    return _out_layer(h, agg2, rdeg, W2_self, W2_neigh,
                      b2.reshape(1, W2_self.shape[1]))

# --- scband reference (transcript-rebuilt; emitter-appended) ---
"""Pipeline reference for scband-sage-472446402719 (READ-ONLY COPY).

The authoritative reference and input builder live on the scoring server;
editing this copy changes nothing except your own understanding.
"""

import jax, jax.numpy as jnp
import numpy as np

N_NODES = 10000
N_EDGES = 320000
D_IN = 128
D_HID = 16
D_OUT = 128


def setup_inputs(seed: int = 0) -> dict:
    key = jax.random.key(seed)
    ks = jax.random.split(key, 8)
    x = jax.random.normal(ks[0], (N_NODES, D_IN), dtype=jnp.float32)
    edge_index = jax.random.randint(ks[1], (2, N_EDGES), 0, N_NODES, dtype=jnp.int64)
    # SAGEConv 'mean' params: fc_self and fc_neigh per layer, plus bias
    W1_self = jax.random.normal(ks[2], (D_IN, D_HID), dtype=jnp.float32) * (1.0 / np.sqrt(D_IN))
    W1_neigh = jax.random.normal(ks[3], (D_IN, D_HID), dtype=jnp.float32) * (1.0 / np.sqrt(D_IN))
    b1 = jnp.zeros((D_HID,), dtype=jnp.float32)
    W2_self = jax.random.normal(ks[4], (D_HID, D_OUT), dtype=jnp.float32) * (1.0 / np.sqrt(D_HID))
    W2_neigh = jax.random.normal(ks[5], (D_HID, D_OUT), dtype=jnp.float32) * (1.0 / np.sqrt(D_HID))
    b2 = jnp.zeros((D_OUT,), dtype=jnp.float32)
    return {
        "x": x,
        "edge_index": edge_index,
        "W1_self": W1_self,
        "W1_neigh": W1_neigh,
        "b1": b1,
        "W2_self": W2_self,
        "W2_neigh": W2_neigh,
        "b2": b2,
    }


def _sage_conv_mean(h, src, dst, n_nodes, W_self, W_neigh, b):
    # DGL SAGEConv(aggregator='mean'): h_neigh = mean over in-neighbors,
    # out = fc_self(h) + fc_neigh(h_neigh) + bias
    msg = h[src]  # gather along edges
    neigh_sum = jax.ops.segment_sum(msg, dst, num_segments=n_nodes)
    deg = jax.ops.segment_sum(jnp.ones((src.shape[0],), dtype=h.dtype), dst, num_segments=n_nodes)
    neigh_mean = neigh_sum / jnp.clip(deg, 1.0, None)[:, None]
    return h @ W_self + neigh_mean @ W_neigh + b


def reference(x, edge_index, W1_self, W1_neigh, b1, W2_self, W2_neigh, b2):
    src = edge_index[0]
    dst = edge_index[1]
    n_nodes = x.shape[0]
    h = _sage_conv_mean(x, src, dst, n_nodes, W1_self, W1_neigh, b1)
    h = jax.nn.relu(h)
    # dropout is identity in eval mode / deterministic reference
    h = _sage_conv_mean(h, src, dst, n_nodes, W2_self, W2_neigh, b2)
    return h

if __name__ == "__main__":
    import jax
    _d = setup_inputs()
    print(jax.jit(kernel)(*tuple(_d.values())))

</pallas_src>

<mosaic_0001>
#map = affine_map<(d0, d1) -> (0, 0)>
#map1 = affine_map<(d0, d1) -> (0, 0, 0)>
module attributes {stable_mosaic.version = 14 : i64} {
  func.func @body(%arg0: i32, %arg1: i32, %arg2: memref<10000x16xf32, #tpu.memory_space<hbm>>, %arg3: memref<2560x125xi32, #tpu.memory_space<hbm>>, %arg4: memref<2560x125xi32, #tpu.memory_space<hbm>>, %arg5: memref<632x16xf32, #tpu.memory_space<hbm>>, %arg6: memref<125x16xf32, #tpu.memory_space<hbm>>, %arg7: memref<2x10112x16xf32, #tpu.memory_space<hbm>>, %arg8: memref<2x10112x16xf32, #tpu.memory_space<hbm>>, %arg9: memref<80x125xi32, #tpu.memory_space<vmem>>, %arg10: memref<80x125xi32, #tpu.memory_space<vmem>>, %arg11: memref<8x125x16xf32, #tpu.memory_space<vmem>>, %arg12: memref<10112x16xf32, #tpu.memory_space<vmem_shared>>, %arg13: memref<!tpu.dma_semaphore, #tpu.memory_space<semaphore_mem>>, %arg14: memref<!tpu.dma_semaphore, #tpu.memory_space<semaphore_mem>>, %arg15: memref<!tpu.dma_semaphore, #tpu.memory_space<semaphore_mem>>, %arg16: memref<!tpu.dma_semaphore, #tpu.memory_space<semaphore_mem>>, %arg17: memref<125x16xf32, #tpu.memory_space<vmem>>, %arg18: memref<10112x16xf32, #tpu.memory_space<vmem_shared>>) attributes {dimension_semantics = [#tpu.dimension_semantics<core_parallel>, #tpu.dimension_semantics<subcore_parallel>], iteration_bounds = array<i64: 2, 16>, scalar_prefetch = 0 : i64, scratch_operands = 10 : i64, tpu.core_type = #tpu.core_type<sc_vector_subcore>, window_params = [{transform_indices = #map}, {transform_indices = #map}, {transform_indices = #map}, {transform_indices = #map}, {transform_indices = #map}, {transform_indices = #map1}, {transform_indices = #map1}]} {
    %mul3A = arith.constant 16 : i32
    %mul3A_0 = arith.muli %arg0, %mul3A : i32
    %add3A = arith.addi %mul3A_0, %arg1 : i32
    %mul3A_1 = arith.constant 632 : i32
    %mul3A_2 = arith.muli %arg1, %mul3A_1 : i32
    "tpu.region"() ({
      %run_scoped3A = tpu.sem_alloc : memref<!tpu.dma_semaphore, #tpu.memory_space<semaphore_mem>>
      %dma_start3A_60 = arith.constant 0 : i32
      %dma_start3A_61 = tpu.memref_slice %arg12[%mul3A_2, %dma_start3A_60] : memref<10112x16xf32, #tpu.memory_space<vmem_shared>> -> memref<632x16xf32, #tpu.memory_space<vmem_shared>>
      tpu.enqueue_dma source(%arg5 : memref<632x16xf32, #tpu.memory_space<hbm>>) target(%dma_start3A_61 : memref<632x16xf32, #tpu.memory_space<vmem_shared>>) target_semaphore(%run_scoped3A : memref<!tpu.dma_semaphore, #tpu.memory_space<semaphore_mem>>)
      %dma_wait3A = arith.constant 0 : i32
      %dma_wait3A_62 = tpu.memref_slice %arg12[%mul3A_2, %dma_wait3A] : memref<10112x16xf32, #tpu.memory_space<vmem_shared>> -> memref<632x16xf32, #tpu.memory_space<vmem_shared>>
      tpu.wait_dma2 semaphore(%run_scoped3A : memref<!tpu.dma_semaphore, #tpu.memory_space<semaphore_mem>>) src(%arg5 : memref<632x16xf32, #tpu.memory_space<hbm>>) dst(%dma_wait3A_62 : memref<632x16xf32, #tpu.memory_space<vmem_shared>>)
      tpu.yield
    }) : () -> ()
    "tpu.region"() ({
      %run_scoped3A = tpu.sem_alloc : memref<!tpu.dma_semaphore, #tpu.memory_space<semaphore_mem>>
      %dma_start3A_60 = arith.constant 0 : i32
      %dma_start3A_61 = tpu.memref_slice %arg18[%mul3A_2, %dma_start3A_60] : memref<10112x16xf32, #tpu.memory_space<vmem_shared>> -> memref<632x16xf32, #tpu.memory_space<vmem_shared>>
      tpu.enqueue_dma source(%arg5 : memref<632x16xf32, #tpu.memory_space<hbm>>) target(%dma_start3A_61 : memref<632x16xf32, #tpu.memory_space<vmem_shared>>) target_semaphore(%run_scoped3A : memref<!tpu.dma_semaphore, #tpu.memory_space<semaphore_mem>>)
      %dma_wait3A = arith.constant 0 : i32
      %dma_wait3A_62 = tpu.memref_slice %arg18[%mul3A_2, %dma_wait3A] : memref<10112x16xf32, #tpu.memory_space<vmem_shared>> -> memref<632x16xf32, #tpu.memory_space<vmem_shared>>
      tpu.wait_dma2 semaphore(%run_scoped3A : memref<!tpu.dma_semaphore, #tpu.memory_space<semaphore_mem>>) src(%arg5 : memref<632x16xf32, #tpu.memory_space<hbm>>) dst(%dma_wait3A_62 : memref<632x16xf32, #tpu.memory_space<vmem_shared>>)
      tpu.yield
    }) : () -> ()
    "tpu.region"() ({
      %run_scoped3A = tpu.sem_alloc : memref<!tpu.dma_semaphore, #tpu.memory_space<semaphore_mem>>
      tpu.enqueue_dma source(%arg6 : memref<125x16xf32, #tpu.memory_space<hbm>>) target(%arg17 : memref<125x16xf32, #tpu.memory_space<vmem>>) target_semaphore(%run_scoped3A : memref<!tpu.dma_semaphore, #tpu.memory_space<semaphore_mem>>)
      tpu.wait_dma2 semaphore(%run_scoped3A : memref<!tpu.dma_semaphore, #tpu.memory_space<semaphore_mem>>) src(%arg6 : memref<125x16xf32, #tpu.memory_space<hbm>>) dst(%arg17 : memref<125x16xf32, #tpu.memory_space<vmem>>)
      tpu.yield
    }) : () -> ()
    %mul3A_3 = arith.constant 80 : i32
    %mul3A_4 = arith.muli %add3A, %mul3A_3 : i32
    "tpu.region"() ({
      %run_scoped3A = tpu.sem_alloc : memref<!tpu.dma_semaphore, #tpu.memory_space<semaphore_mem>>
      %dma_start3A_60 = arith.constant 0 : i32
      %dma_start3A_61 = tpu.memref_slice %arg3[%mul3A_4, %dma_start3A_60] : memref<2560x125xi32, #tpu.memory_space<hbm>> -> memref<80x125xi32, #tpu.memory_space<hbm>>
      %dma_start3A_62 = arith.constant 0 : i32
      %dma_start3A_63 = tpu.memref_slice %arg3[%mul3A_4, %dma_start3A_62] : memref<2560x125xi32, #tpu.memory_space<hbm>> -> memref<80x125xi32, #tpu.memory_space<hbm>>
      tpu.enqueue_dma source(%dma_start3A_63 : memref<80x125xi32, #tpu.memory_space<hbm>>) target(%arg9 : memref<80x125xi32, #tpu.memory_space<vmem>>) target_semaphore(%run_scoped3A : memref<!tpu.dma_semaphore, #tpu.memory_space<semaphore_mem>>)
      %dma_wait3A = arith.constant 0 : i32
      %dma_wait3A_64 = tpu.memref_slice %arg3[%mul3A_4, %dma_wait3A] : memref<2560x125xi32, #tpu.memory_space<hbm>> -> memref<80x125xi32, #tpu.memory_space<hbm>>
      %dma_wait3A_65 = arith.constant 0 : i32
      %dma_wait3A_66 = tpu.memref_slice %arg3[%mul3A_4, %dma_wait3A_65] : memref<2560x125xi32, #tpu.memory_space<hbm>> -> memref<80x125xi32, #tpu.memory_space<hbm>>
      tpu.wait_dma2 semaphore(%run_scoped3A : memref<!tpu.dma_semaphore, #tpu.memory_space<semaphore_mem>>) src(%dma_wait3A_66 : memref<80x125xi32, #tpu.memory_space<hbm>>) dst(%arg9 : memref<80x125xi32, #tpu.memory_space<vmem>>)
      tpu.yield
    }) : () -> ()
    %mul3A_5 = arith.constant 80 : i32
    %mul3A_6 = arith.muli %add3A, %mul3A_5 : i32
    "tpu.region"() ({
      %run_scoped3A = tpu.sem_alloc : memref<!tpu.dma_semaphore, #tpu.memory_space<semaphore_mem>>
      %dma_start3A_60 = arith.constant 0 : i32
      %dma_start3A_61 = tpu.memref_slice %arg4[%mul3A_6, %dma_start3A_60] : memref<2560x125xi32, #tpu.memory_space<hbm>> -> memref<80x125xi32, #tpu.memory_space<hbm>>
      %dma_start3A_62 = arith.constant 0 : i32
      %dma_start3A_63 = tpu.memref_slice %arg4[%mul3A_6, %dma_start3A_62] : memref<2560x125xi32, #tpu.memory_space<hbm>> -> memref<80x125xi32, #tpu.memory_space<hbm>>
      tpu.enqueue_dma source(%dma_start3A_63 : memref<80x125xi32, #tpu.memory_space<hbm>>) target(%arg10 : memref<80x125xi32, #tpu.memory_space<vmem>>) target_semaphore(%run_scoped3A : memref<!tpu.dma_semaphore, #tpu.memory_space<semaphore_mem>>)
      %dma_wait3A = arith.constant 0 : i32
      %dma_wait3A_64 = tpu.memref_slice %arg4[%mul3A_6, %dma_wait3A] : memref<2560x125xi32, #tpu.memory_space<hbm>> -> memref<80x125xi32, #tpu.memory_space<hbm>>
      %dma_wait3A_65 = arith.constant 0 : i32
      %dma_wait3A_66 = tpu.memref_slice %arg4[%mul3A_6, %dma_wait3A_65] : memref<2560x125xi32, #tpu.memory_space<hbm>> -> memref<80x125xi32, #tpu.memory_space<hbm>>
      tpu.wait_dma2 semaphore(%run_scoped3A : memref<!tpu.dma_semaphore, #tpu.memory_space<semaphore_mem>>) src(%dma_wait3A_66 : memref<80x125xi32, #tpu.memory_space<hbm>>) dst(%arg10 : memref<80x125xi32, #tpu.memory_space<vmem>>)
      tpu.yield
    }) : () -> ()
    %barrier3A = arith.constant 0 : index
    tpu.barrier barrier_id(%barrier3A)
    %dma_start3A = arith.constant 0 : i32
    %dma_start3A_7 = arith.constant 0 : i32
    %dma_start3A_8 = arith.constant 0 : i32
    %dma_start3A_9 = arith.constant 0 : i32
    %dma_start3A_10 = tpu.memref_slice %arg11[%dma_start3A_7, %dma_start3A_8, %dma_start3A_9] : memref<8x125x16xf32, #tpu.memory_space<vmem>> -> memref<1x125x16xf32, #tpu.memory_space<vmem>>
    %dma_start3A_11 = tpu.memref_squeeze %dma_start3A_10 : memref<1x125x16xf32, #tpu.memory_space<vmem>> -> memref<125x16xf32, #tpu.memory_space<vmem>>
    %dma_start3A_12 = arith.constant 0 : i32
    %dma_start3A_13 = tpu.memref_slice %arg9[%dma_start3A, %dma_start3A_12] : memref<80x125xi32, #tpu.memory_space<vmem>> -> memref<1x125xi32, #tpu.memory_space<vmem>>
    %dma_start3A_14 = tpu.memref_squeeze %dma_start3A_13 : memref<1x125xi32, #tpu.memory_space<vmem>> -> memref<125xi32, #tpu.memory_space<vmem>>
    %dma_start3A_15 = arith.constant 0 : i32
    %dma_start3A_16 = arith.constant 0 : i32
    %dma_start3A_17 = tpu.memref_slice %arg2[%dma_start3A_15, %dma_start3A_16] : memref<10000x16xf32, #tpu.memory_space<hbm>> -> memref<10000x16xf32, #tpu.memory_space<hbm>>
    tpu.enqueue_indirect_dma source(%dma_start3A_17 : memref<10000x16xf32, #tpu.memory_space<hbm>>) target(%dma_start3A_11 : memref<125x16xf32, #tpu.memory_space<vmem>>) offsets(%dma_start3A_14 : memref<125xi32, #tpu.memory_space<vmem>>) semaphore(%arg13 : memref<!tpu.dma_semaphore, #tpu.memory_space<semaphore_mem>>)
    %dma_start3A_18 = arith.constant 1 : i32
    %dma_start3A_19 = arith.constant 1 : i32
    %dma_start3A_20 = arith.constant 0 : i32
    %dma_start3A_21 = arith.constant 0 : i32
    %dma_start3A_22 = tpu.memref_slice %arg11[%dma_start3A_19, %dma_start3A_20, %dma_start3A_21] : memref<8x125x16xf32, #tpu.memory_space<vmem>> -> memref<1x125x16xf32, #tpu.memory_space<vmem>>
    %dma_start3A_23 = tpu.memref_squeeze %dma_start3A_22 : memref<1x125x16xf32, #tpu.memory_space<vmem>> -> memref<125x16xf32, #tpu.memory_space<vmem>>
    %dma_start3A_24 = arith.constant 0 : i32
    %dma_start3A_25 = tpu.memref_slice %arg9[%dma_start3A_18, %dma_start3A_24] : memref<80x125xi32, #tpu.memory_space<vmem>> -> memref<1x125xi32, #tpu.memory_space<vmem>>
    %dma_start3A_26 = tpu.memref_squeeze %dma_start3A_25 : memref<1x125xi32, #tpu.memory_space<vmem>> -> memref<125xi32, #tpu.memory_space<vmem>>
    %dma_start3A_27 = arith.constant 0 : i32
    %dma_start3A_28 = arith.constant 0 : i32
    %dma_start3A_29 = tpu.memref_slice %arg2[%dma_start3A_27, %dma_start3A_28] : memref<10000x16xf32, #tpu.memory_space<hbm>> -> memref<10000x16xf32, #tpu.memory_space<hbm>>
    tpu.enqueue_indirect_dma source(%dma_start3A_29 : memref<10000x16xf32, #tpu.memory_space<hbm>>) target(%dma_start3A_23 : memref<125x16xf32, #tpu.memory_space<vmem>>) offsets(%dma_start3A_26 : memref<125xi32, #tpu.memory_space<vmem>>) semaphore(%arg13 : memref<!tpu.dma_semaphore, #tpu.memory_space<semaphore_mem>>)
    %dma_start3A_30 = arith.constant 2 : i32
    %dma_start3A_31 = arith.constant 2 : i32
    %dma_start3A_32 = arith.constant 0 : i32
    %dma_start3A_33 = arith.constant 0 : i32
    %dma_start3A_34 = tpu.memref_slice %arg11[%dma_start3A_31, %dma_start3A_32, %dma_start3A_33] : memref<8x125x16xf32, #tpu.memory_space<vmem>> -> memref<1x125x16xf32, #tpu.memory_space<vmem>>
    %dma_start3A_35 = tpu.memref_squeeze %dma_start3A_34 : memref<1x125x16xf32, #tpu.memory_space<vmem>> -> memref<125x16xf32, #tpu.memory_space<vmem>>
    %dma_start3A_36 = arith.constant 0 : i32
    %dma_start3A_37 = tpu.memref_slice %arg9[%dma_start3A_30, %dma_start3A_36] : memref<80x125xi32, #tpu.memory_space<vmem>> -> memref<1x125xi32, #tpu.memory_space<vmem>>
    %dma_start3A_38 = tpu.memref_squeeze %dma_start3A_37 : memref<1x125xi32, #tpu.memory_space<vmem>> -> memref<125xi32, #tpu.memory_space<vmem>>
    %dma_start3A_39 = arith.constant 0 : i32
    %dma_start3A_40 = arith.constant 0 : i32
    %dma_start3A_41 = tpu.memref_slice %arg2[%dma_start3A_39, %dma_start3A_40] : memref<10000x16xf32, #tpu.memory_space<hbm>> -> memref<10000x16xf32, #tpu.memory_space<hbm>>
    tpu.enqueue_indirect_dma source(%dma_start3A_41 : memref<10000x16xf32, #tpu.memory_space<hbm>>) target(%dma_start3A_35 : memref<125x16xf32, #tpu.memory_space<vmem>>) offsets(%dma_start3A_38 : memref<125xi32, #tpu.memory_space<vmem>>) semaphore(%arg13 : memref<!tpu.dma_semaphore, #tpu.memory_space<semaphore_mem>>)
    %dma_start3A_42 = arith.constant 3 : i32
    %dma_start3A_43 = arith.constant 3 : i32
    %dma_start3A_44 = arith.constant 0 : i32
    %dma_start3A_45 = arith.constant 0 : i32
    %dma_start3A_46 = tpu.memref_slice %arg11[%dma_start3A_43, %dma_start3A_44, %dma_start3A_45] : memref<8x125x16xf32, #tpu.memory_space<vmem>> -> memref<1x125x16xf32, #tpu.memory_space<vmem>>
    %dma_start3A_47 = tpu.memref_squeeze %dma_start3A_46 : memref<1x125x16xf32, #tpu.memory_space<vmem>> -> memref<125x16xf32, #tpu.memory_space<vmem>>
    %dma_start3A_48 = arith.constant 0 : i32
    %dma_start3A_49 = tpu.memref_slice %arg9[%dma_start3A_42, %dma_start3A_48] : memref<80x125xi32, #tpu.memory_space<vmem>> -> memref<1x125xi32, #tpu.memory_space<vmem>>
    %dma_start3A_50 = tpu.memref_squeeze %dma_start3A_49 : memref<1x125xi32, #tpu.memory_space<vmem>> -> memref<125xi32, #tpu.memory_space<vmem>>
    %dma_start3A_51 = arith.constant 0 : i32
    %dma_start3A_52 = arith.constant 0 : i32
    %dma_start3A_53 = tpu.memref_slice %arg2[%dma_start3A_51, %dma_start3A_52] : memref<10000x16xf32, #tpu.memory_space<hbm>> -> memref<10000x16xf32, #tpu.memory_space<hbm>>
    tpu.enqueue_indirect_dma source(%dma_start3A_53 : memref<10000x16xf32, #tpu.memory_space<hbm>>) target(%dma_start3A_47 : memref<125x16xf32, #tpu.memory_space<vmem>>) offsets(%dma_start3A_50 : memref<125xi32, #tpu.memory_space<vmem>>) semaphore(%arg13 : memref<!tpu.dma_semaphore, #tpu.memory_space<semaphore_mem>>)
    %scan3A = arith.constant 0 : i32
    %scan3A_54 = arith.constant 0 : i32
    %scan3A_55 = arith.constant 10 : i32
    %scan3A_56 = arith.addi %scan3A_54, %scan3A_55 : i32
    %scan3A_57 = arith.constant 1 : i32
    scf.for %scan3A_60 = %scan3A_54 to %scan3A_56 step %scan3A_57  : i32 {
      %mul3A_61 = arith.constant 2 : i32
      %mul3A_62 = arith.muli %scan3A_60, %mul3A_61 : i32
      %dma_wait3A = arith.constant 0 : i32
      %dma_wait3A_63 = arith.constant 0 : i32
      %dma_wait3A_64 = arith.constant 0 : i32
      %dma_wait3A_65 = tpu.memref_slice %arg11[%dma_wait3A, %dma_wait3A_63, %dma_wait3A_64] : memref<8x125x16xf32, #tpu.memory_space<vmem>> -> memref<1x125x16xf32, #tpu.memory_space<vmem>>
      %dma_wait3A_66 = tpu.memref_squeeze %dma_wait3A_65 : memref<1x125x16xf32, #tpu.memory_space<vmem>> -> memref<125x16xf32, #tpu.memory_space<vmem>>
      %dma_wait3A_67 = arith.constant 0 : i32
      %dma_wait3A_68 = arith.constant 0 : i32
      %dma_wait3A_69 = tpu.memref_slice %arg2[%dma_wait3A_67, %dma_wait3A_68] : memref<10000x16xf32, #tpu.memory_space<hbm>> -> memref<125x16xf32, #tpu.memory_space<hbm>>
      %dma_wait3A_70 = arith.constant 0 : i32
      %dma_wait3A_71 = arith.constant 0 : i32
      %dma_wait3A_72 = tpu.memref_slice %arg11[%dma_wait3A, %dma_wait3A_70, %dma_wait3A_71] : memref<8x125x16xf32, #tpu.memory_space<vmem>> -> memref<1x125x16xf32, #tpu.memory_space<vmem>>
      %dma_wait3A_73 = tpu.memref_squeeze %dma_wait3A_72 : memref<1x125x16xf32, #tpu.memory_space<vmem>> -> memref<125x16xf32, #tpu.memory_space<vmem>>
      %dma_wait3A_74 = arith.constant 0 : i32
      %dma_wait3A_75 = arith.constant 0 : i32
      %dma_wait3A_76 = tpu.memref_slice %arg2[%dma_wait3A_74, %dma_wait3A_75] : memref<10000x16xf32, #tpu.memory_space<hbm>> -> memref<125x16xf32, #tpu.memory_space<hbm>>
      tpu.wait_dma2 semaphore(%arg13 : memref<!tpu.dma_semaphore, #tpu.memory_space<semaphore_mem>>) src(%dma_wait3A_76 : memref<125x16xf32, #tpu.memory_space<hbm>>) dst(%dma_wait3A_73 : memref<125x16xf32, #tpu.memory_space<vmem>>)
      %dma_wait3A_77 = arith.constant 0 : i32
      %dma_wait3A_78 = arith.constant 0 : i32
      %dma_wait3A_79 = arith.constant 0 : i32
      %dma_wait3A_80 = tpu.memref_slice %arg11[%dma_wait3A_77, %dma_wait3A_78, %dma_wait3A_79] : memref<8x125x16xf32, #tpu.memory_space<vmem>> -> memref<1x125x16xf32, #tpu.memory_space<vmem>>
      %dma_wait3A_81 = tpu.memref_squeeze %dma_wait3A_80 : memref<1x125x16xf32, #tpu.memory_space<vmem>> -> memref<125x16xf32, #tpu.memory_space<vmem>>
      %dma_wait3A_82 = arith.constant 0 : i32
      %dma_wait3A_83 = arith.constant 0 : i32
      %dma_wait3A_84 = tpu.memref_slice %arg2[%dma_wait3A_82, %dma_wait3A_83] : memref<10000x16xf32, #tpu.memory_space<hbm>> -> memref<125x16xf32, #tpu.memory_space<hbm>>
      %dma_wait3A_85 = arith.constant 0 : i32
      %dma_wait3A_86 = arith.constant 0 : i32
      %dma_wait3A_87 = tpu.memref_slice %arg11[%dma_wait3A_77, %dma_wait3A_85, %dma_wait3A_86] : memref<8x125x16xf32, #tpu.memory_space<vmem>> -> memref<1x125x16xf32, #tpu.memory_space<vmem>>
      %dma_wait3A_88 = tpu.memref_squeeze %dma_wait3A_87 : memref<1x125x16xf32, #tpu.memory_space<vmem>> -> memref<125x16xf32, #tpu.memory_space<vmem>>
      %dma_wait3A_89 = arith.constant 0 : i32
      %dma_wait3A_90 = arith.constant 0 : i32
      %dma_wait3A_91 = tpu.memref_slice %arg2[%dma_wait3A_89, %dma_wait3A_90] : memref<10000x16xf32, #tpu.memory_space<hbm>> -> memref<125x16xf32, #tpu.memory_space<hbm>>
      tpu.wait_dma2 semaphore(%arg13 : memref<!tpu.dma_semaphore, #tpu.memory_space<semaphore_mem>>) src(%dma_wait3A_91 : memref<125x16xf32, #tpu.memory_space<hbm>>) dst(%dma_wait3A_88 : memref<125x16xf32, #tpu.memory_space<vmem>>)
      %dma_wait3A_92 = arith.constant 0 : i32
      %dma_wait3A_93 = arith.constant 0 : i32
      %dma_wait3A_94 = arith.constant 0 : i32
      %dma_wait3A_95 = tpu.memref_slice %arg11[%dma_wait3A_92, %dma_wait3A_93, %dma_wait3A_94] : memref<8x125x16xf32, #tpu.memory_space<vmem>> -> memref<1x125x16xf32, #tpu.memory_space<vmem>>
      %dma_wait3A_96 = tpu.memref_squeeze %dma_wait3A_95 : memref<1x125x16xf32, #tpu.memory_space<vmem>> -> memref<125x16xf32, #tpu.memory_space<vmem>>
      %dma_wait3A_97 = arith.constant 0 : i32
      %dma_wait3A_98 = arith.constant 0 : i32
      %dma_wait3A_99 = tpu.memref_slice %arg2[%dma_wait3A_97, %dma_wait3A_98] : memref<10000x16xf32, #tpu.memory_space<hbm>> -> memref<125x16xf32, #tpu.memory_space<hbm>>
      %dma_wait3A_100 = arith.constant 0 : i32
      %dma_wait3A_101 = arith.constant 0 : i32
      %dma_wait3A_102 = tpu.memref_slice %arg11[%dma_wait3A_92, %dma_wait3A_100, %dma_wait3A_101] : memref<8x125x16xf32, #tpu.memory_space<vmem>> -> memref<1x125x16xf32, #tpu.memory_space<vmem>>
      %dma_wait3A_103 = tpu.memref_squeeze %dma_wait3A_102 : memref<1x125x16xf32, #tpu.memory_space<vmem>> -> memref<125x16xf32, #tpu.memory_space<vmem>>
      %dma_wait3A_104 = arith.constant 0 : i32
      %dma_wait3A_105 = arith.constant 0 : i32
      %dma_wait3A_106 = tpu.memref_slice %arg2[%dma_wait3A_104, %dma_wait3A_105] : memref<10000x16xf32, #tpu.memory_space<hbm>> -> memref<125x16xf32, #tpu.memory_space<hbm>>
      tpu.wait_dma2 semaphore(%arg13 : memref<!tpu.dma_semaphore, #tpu.memory_space<semaphore_mem>>) src(%dma_wait3A_106 : memref<125x16xf32, #tpu.memory_space<hbm>>) dst(%dma_wait3A_103 : memref<125x16xf32, #tpu.memory_space<vmem>>)
      %dma_wait3A_107 = arith.constant 0 : i32
      %dma_wait3A_108 = arith.constant 0 : i32
      %dma_wait3A_109 = arith.constant 0 : i32
      %dma_wait3A_110 = tpu.memref_slice %arg11[%dma_wait3A_107, %dma_wait3A_108, %dma_wait3A_109] : memref<8x125x16xf32, #tpu.memory_space<vmem>> -> memref<1x125x16xf32, #tpu.memory_space<vmem>>
      %dma_wait3A_111 = tpu.memref_squeeze %dma_wait3A_110 : memref<1x125x16xf32, #tpu.memory_space<vmem>> -> memref<125x16xf32, #tpu.memory_space<vmem>>
      %dma_wait3A_112 = arith.constant 0 : i32
      %dma_wait3A_113 = arith.constant 0 : i32
      %dma_wait3A_114 = tpu.memref_slice %arg2[%dma_wait3A_112, %dma_wait3A_113] : memref<10000x16xf32, #tpu.memory_space<hbm>> -> memref<125x16xf32, #tpu.memory_space<hbm>>
      %dma_wait3A_115 = arith.constant 0 : i32
      %dma_wait3A_116 = arith.constant 0 : i32
      %dma_wait3A_117 = tpu.memref_slice %arg11[%dma_wait3A_107, %dma_wait3A_115, %dma_wait3A_116] : memref<8x125x16xf32, #tpu.memory_space<vmem>> -> memref<1x125x16xf32, #tpu.memory_space<vmem>>
      %dma_wait3A_118 = tpu.memref_squeeze %dma_wait3A_117 : memref<1x125x16xf32, #tpu.memory_space<vmem>> -> memref<125x16xf32, #tpu.memory_space<vmem>>
      %dma_wait3A_119 = arith.constant 0 : i32
      %dma_wait3A_120 = arith.constant 0 : i32
      %dma_wait3A_121 = tpu.memref_slice %arg2[%dma_wait3A_119, %dma_wait3A_120] : memref<10000x16xf32, #tpu.memory_space<hbm>> -> memref<125x16xf32, #tpu.memory_space<hbm>>
      tpu.wait_dma2 semaphore(%arg13 : memref<!tpu.dma_semaphore, #tpu.memory_space<semaphore_mem>>) src(%dma_wait3A_121 : memref<125x16xf32, #tpu.memory_space<hbm>>) dst(%dma_wait3A_118 : memref<125x16xf32, #tpu.memory_space<vmem>>)
      %mul3A_122 = arith.constant 4 : i32
      %mul3A_123 = arith.muli %mul3A_62, %mul3A_122 : i32
      %add3A_124 = arith.constant 0 : i32
      %add3A_125 = arith.addi %mul3A_123, %add3A_124 : i32
      %dma_start3A_126 = arith.constant 0 : i32
      %dma_start3A_127 = arith.constant 0 : i32
      %dma_start3A_128 = arith.constant 0 : i32
      %dma_start3A_129 = tpu.memref_slice %arg11[%dma_start3A_126, %dma_start3A_127, %dma_start3A_128] : memref<8x125x16xf32, #tpu.memory_space<vmem>> -> memref<1x125x16xf32, #tpu.memory_space<vmem>>
      %dma_start3A_130 = tpu.memref_squeeze %dma_start3A_129 : memref<1x125x16xf32, #tpu.memory_space<vmem>> -> memref<125x16xf32, #tpu.memory_space<vmem>>
      %dma_start3A_131 = arith.constant 0 : i32
      %dma_start3A_132 = tpu.memref_slice %arg10[%add3A_125, %dma_start3A_131] : memref<80x125xi32, #tpu.memory_space<vmem>> -> memref<1x125xi32, #tpu.memory_space<vmem>>
      %dma_start3A_133 = tpu.memref_squeeze %dma_start3A_132 : memref<1x125xi32, #tpu.memory_space<vmem>> -> memref<125xi32, #tpu.memory_space<vmem>>
      %dma_start3A_134 = arith.constant 0 : i32
      %dma_start3A_135 = arith.constant 0 : i32
      %dma_start3A_136 = tpu.memref_slice %arg12[%dma_start3A_134, %dma_start3A_135] : memref<10112x16xf32, #tpu.memory_space<vmem_shared>> -> memref<10112x16xf32, #tpu.memory_space<vmem_shared>>
      tpu.enqueue_indirect_dma source(%dma_start3A_130 : memref<125x16xf32, #tpu.memory_space<vmem>>) target(%dma_start3A_136 : memref<10112x16xf32, #tpu.memory_space<vmem_shared>>) offsets(%dma_start3A_133 : memref<125xi32, #tpu.memory_space<vmem>>) semaphore(%arg15 : memref<!tpu.dma_semaphore, #tpu.memory_space<semaphore_mem>>) {add = true}
      %mul3A_137 = arith.constant 4 : i32
      %mul3A_138 = arith.muli %mul3A_62, %mul3A_137 : i32
      %add3A_139 = arith.constant 0 : i32
      %add3A_140 = arith.addi %mul3A_138, %add3A_139 : i32
      %dma_start3A_141 = arith.constant 0 : i32
      %dma_start3A_142 = tpu.memref_slice %arg10[%add3A_140, %dma_start3A_141] : memref<80x125xi32, #tpu.memory_space<vmem>> -> memref<1x125xi32, #tpu.memory_space<vmem>>
      %dma_start3A_143 = tpu.memref_squeeze %dma_start3A_142 : memref<1x125xi32, #tpu.memory_space<vmem>> -> memref<125xi32, #tpu.memory_space<vmem>>
      %dma_start3A_144 = arith.constant 0 : i32
      %dma_start3A_145 = arith.constant 0 : i32
      %dma_start3A_146 = tpu.memref_slice %arg18[%dma_start3A_144, %dma_start3A_145] : memref<10112x16xf32, #tpu.memory_space<vmem_shared>> -> memref<10112x16xf32, #tpu.memory_space<vmem_shared>>
      tpu.enqueue_indirect_dma source(%arg17 : memref<125x16xf32, #tpu.memory_space<vmem>>) target(%dma_start3A_146 : memref<10112x16xf32, #tpu.memory_space<vmem_shared>>) offsets(%dma_start3A_143 : memref<125xi32, #tpu.memory_space<vmem>>) semaphore(%arg15 : memref<!tpu.dma_semaphore, #tpu.memory_space<semaphore_mem>>) {add = true}
      %mul3A_147 = arith.constant 4 : i32
      %mul3A_148 = arith.muli %mul3A_62, %mul3A_147 : i32
      %add3A_149 = arith.constant 1 : i32
      %add3A_150 = arith.addi %mul3A_148, %add3A_149 : i32
      %dma_start3A_151 = arith.constant 1 : i32
      %dma_start3A_152 = arith.constant 0 : i32
      %dma_start3A_153 = arith.constant 0 : i32
      %dma_start3A_154 = tpu.memref_slice %arg11[%dma_start3A_151, %dma_start3A_152, %dma_start3A_153] : memref<8x125x16xf32, #tpu.memory_space<vmem>> -> memref<1x125x16xf32, #tpu.memory_space<vmem>>
      %dma_start3A_155 = tpu.memref_squeeze %dma_start3A_154 : memref<1x125x16xf32, #tpu.memory_space<vmem>> -> memref<125x16xf32, #tpu.memory_space<vmem>>
      %dma_start3A_156 = arith.constant 0 : i32
      %dma_start3A_157 = tpu.memref_slice %arg10[%add3A_150, %dma_start3A_156] : memref<80x125xi32, #tpu.memory_space<vmem>> -> memref<1x125xi32, #tpu.memory_space<vmem>>
      %dma_start3A_158 = tpu.memref_squeeze %dma_start3A_157 : memref<1x125xi32, #tpu.memory_space<vmem>> -> memref<125xi32, #tpu.memory_space<vmem>>
      %dma_start3A_159 = arith.constant 0 : i32
      %dma_start3A_160 = arith.constant 0 : i32
      %dma_start3A_161 = tpu.memref_slice %arg12[%dma_start3A_159, %dma_start3A_160] : memref<10112x16xf32, #tpu.memory_space<vmem_shared>> -> memref<10112x16xf32, #tpu.memory_space<vmem_shared>>
      tpu.enqueue_indirect_dma source(%dma_start3A_155 : memref<125x16xf32, #tpu.memory_space<vmem>>) target(%dma_start3A_161 : memref<10112x16xf32, #tpu.memory_space<vmem_shared>>) offsets(%dma_start3A_158 : memref<125xi32, #tpu.memory_space<vmem>>) semaphore(%arg15 : memref<!tpu.dma_semaphore, #tpu.memory_space<semaphore_mem>>) {add = true}
      %mul3A_162 = arith.constant 4 : i32
      %mul3A_163 = arith.muli %mul3A_62, %mul3A_162 : i32
      %add3A_164 = arith.constant 1 : i32
      %add3A_165 = arith.addi %mul3A_163, %add3A_164 : i32
      %dma_start3A_166 = arith.constant 0 : i32
      %dma_start3A_167 = tpu.memref_slice %arg10[%add3A_165, %dma_start3A_166] : memref<80x125xi32, #tpu.memory_space<vmem>> -> memref<1x125xi32, #tpu.memory_space<vmem>>
      %dma_start3A_168 = tpu.memref_squeeze %dma_start3A_167 : memref<1x125xi32, #tpu.memory_space<vmem>> -> memref<125xi32, #tpu.memory_space<vmem>>
      %dma_start3A_169 = arith.constant 0 : i32
      %dma_start3A_170 = arith.constant 0 : i32
      %dma_start3A_171 = tpu.memref_slice %arg18[%dma_start3A_169, %dma_start3A_170] : memref<10112x16xf32, #tpu.memory_space<vmem_shared>> -> memref<10112x16xf32, #tpu.memory_space<vmem_shared>>
      tpu.enqueue_indirect_dma source(%arg17 : memref<125x16xf32, #tpu.memory_space<vmem>>) target(%dma_start3A_171 : memref<10112x16xf32, #tpu.memory_space<vmem_shared>>) offsets(%dma_start3A_168 : memref<125xi32, #tpu.memory_space<vmem>>) semaphore(%arg15 : memref<!tpu.dma_semaphore, #tpu.memory_space<semaphore_mem>>) {add = true}
      %mul3A_172 = arith.constant 4 : i32
      %mul3A_173 = arith.muli %mul3A_62, %mul3A_172 : i32
      %add3A_174 = arith.constant 2 : i32
      %add3A_175 = arith.addi %mul3A_173, %add3A_174 : i32
      %dma_start3A_176 = arith.constant 2 : i32
      %dma_start3A_177 = arith.constant 0 : i32
      %dma_start3A_178 = arith.constant 0 : i32
      %dma_start3A_179 = tpu.memref_slice %arg11[%dma_start3A_176, %dma_start3A_177, %dma_start3A_178] : memref<8x125x16xf32, #tpu.memory_space<vmem>> -> memref<1x125x16xf32, #tpu.memory_space<vmem>>
      %dma_start3A_180 = tpu.memref_squeeze %dma_start3A_179 : memref<1x125x16xf32, #tpu.memory_space<vmem>> -> memref<125x16xf32, #tpu.memory_space<vmem>>
      %dma_start3A_181 = arith.constant 0 : i32
      %dma_start3A_182 = tpu.memref_slice %arg10[%add3A_175, %dma_start3A_181] : memref<80x125xi32, #tpu.memory_space<vmem>> -> memref<1x125xi32, #tpu.memory_space<vmem>>
      %dma_start3A_183 = tpu.memref_squeeze %dma_start3A_182 : memref<1x125xi32, #tpu.memory_space<vmem>> -> memref<125xi32, #tpu.memory_space<vmem>>
      %dma_start3A_184 = arith.constant 0 : i32
      %dma_start3A_185 = arith.constant 0 : i32
      %dma_start3A_186 = tpu.memref_slice %arg12[%dma_start3A_184, %dma_start3A_185] : memref<10112x16xf32, #tpu.memory_space<vmem_shared>> -> memref<10112x16xf32, #tpu.memory_space<vmem_shared>>
      tpu.enqueue_indirect_dma source(%dma_start3A_180 : memref<125x16xf32, #tpu.memory_space<vmem>>) target(%dma_start3A_186 : memref<10112x16xf32, #tpu.memory_space<vmem_shared>>) offsets(%dma_start3A_183 : memref<125xi32, #tpu.memory_space<vmem>>) semaphore(%arg15 : memref<!tpu.dma_semaphore, #tpu.memory_space<semaphore_mem>>) {add = true}
      %mul3A_187 = arith.constant 4 : i32
      %mul3A_188 = arith.muli %mul3A_62, %mul3A_187 : i32
      %add3A_189 = arith.constant 2 : i32
      %add3A_190 = arith.addi %mul3A_188, %add3A_189 : i32
      %dma_start3A_191 = arith.constant 0 : i32
      %dma_start3A_192 = tpu.memref_slice %arg10[%add3A_190, %dma_start3A_191] : memref<80x125xi32, #tpu.memory_space<vmem>> -> memref<1x125xi32, #tpu.memory_space<vmem>>
      %dma_start3A_193 = tpu.memref_squeeze %dma_start3A_192 : memref<1x125xi32, #tpu.memory_space<vmem>> -> memref<125xi32, #tpu.memory_space<vmem>>
      %dma_start3A_194 = arith.constant 0 : i32
      %dma_start3A_195 = arith.constant 0 : i32
      %dma_start3A_196 = tpu.memref_slice %arg18[%dma_start3A_194, %dma_start3A_195] : memref<10112x16xf32, #tpu.memory_space<vmem_shared>> -> memref<10112x16xf32, #tpu.memory_space<vmem_shared>>
      tpu.enqueue_indirect_dma source(%arg17 : memref<125x16xf32, #tpu.memory_space<vmem>>) target(%dma_start3A_196 : memref<10112x16xf32, #tpu.memory_space<vmem_shared>>) offsets(%dma_start3A_193 : memref<125xi32, #tpu.memory_space<vmem>>) semaphore(%arg15 : memref<!tpu.dma_semaphore, #tpu.memory_space<semaphore_mem>>) {add = true}
      %mul3A_197 = arith.constant 4 : i32
      %mul3A_198 = arith.muli %mul3A_62, %mul3A_197 : i32
      %add3A_199 = arith.constant 3 : i32
      %add3A_200 = arith.addi %mul3A_198, %add3A_199 : i32
      %dma_start3A_201 = arith.constant 3 : i32
      %dma_start3A_202 = arith.constant 0 : i32
      %dma_start3A_203 = arith.constant 0 : i32
      %dma_start3A_204 = tpu.memref_slice %arg11[%dma_start3A_201, %dma_start3A_202, %dma_start3A_203] : memref<8x125x16xf32, #tpu.memory_space<vmem>> -> memref<1x125x16xf32, #tpu.memory_space<vmem>>
      %dma_start3A_205 = tpu.memref_squeeze %dma_start3A_204 : memref<1x125x16xf32, #tpu.memory_space<vmem>> -> memref<125x16xf32, #tpu.memory_space<vmem>>
      %dma_start3A_206 = arith.constant 0 : i32
      %dma_start3A_207 = tpu.memref_slice %arg10[%add3A_200, %dma_start3A_206] : memref<80x125xi32, #tpu.memory_space<vmem>> -> memref<1x125xi32, #tpu.memory_space<vmem>>
      %dma_start3A_208 = tpu.memref_squeeze %dma_start3A_207 : memref<1x125xi32, #tpu.memory_space<vmem>> -> memref<125xi32, #tpu.memory_space<vmem>>
      %dma_start3A_209 = arith.constant 0 : i32
      %dma_start3A_210 = arith.constant 0 : i32
      %dma_start3A_211 = tpu.memref_slice %arg12[%dma_start3A_209, %dma_start3A_210] : memref<10112x16xf32, #tpu.memory_space<vmem_shared>> -> memref<10112x16xf32, #tpu.memory_space<vmem_shared>>
      tpu.enqueue_indirect_dma source(%dma_start3A_205 : memref<125x16xf32, #tpu.memory_space<vmem>>) target(%dma_start3A_211 : memref<10112x16xf32, #tpu.memory_space<vmem_shared>>) offsets(%dma_start3A_208 : memref<125xi32, #tpu.memory_space<vmem>>) semaphore(%arg15 : memref<!tpu.dma_semaphore, #tpu.memory_space<semaphore_mem>>) {add = true}
      %mul3A_212 = arith.constant 4 : i32
      %mul3A_213 = arith.muli %mul3A_62, %mul3A_212 : i32
      %add3A_214 = arith.constant 3 : i32
      %add3A_215 = arith.addi %mul3A_213, %add3A_214 : i32
      %dma_start3A_216 = arith.constant 0 : i32
      %dma_start3A_217 = tpu.memref_slice %arg10[%add3A_215, %dma_start3A_216] : memref<80x125xi32, #tpu.memory_space<vmem>> -> memref<1x125xi32, #tpu.memory_space<vmem>>
      %dma_start3A_218 = tpu.memref_squeeze %dma_start3A_217 : memref<1x125xi32, #tpu.memory_space<vmem>> -> memref<125xi32, #tpu.memory_space<vmem>>
      %dma_start3A_219 = arith.constant 0 : i32
      %dma_start3A_220 = arith.constant 0 : i32
      %dma_start3A_221 = tpu.memref_slice %arg18[%dma_start3A_219, %dma_start3A_220] : memref<10112x16xf32, #tpu.memory_space<vmem_shared>> -> memref<10112x16xf32, #tpu.memory_space<vmem_shared>>
      tpu.enqueue_indirect_dma source(%arg17 : memref<125x16xf32, #tpu.memory_space<vmem>>) target(%dma_start3A_221 : memref<10112x16xf32, #tpu.memory_space<vmem_shared>>) offsets(%dma_start3A_218 : memref<125xi32, #tpu.memory_space<vmem>>) semaphore(%arg15 : memref<!tpu.dma_semaphore, #tpu.memory_space<semaphore_mem>>) {add = true}
      %add3A_222 = arith.constant 1 : i32
      %add3A_223 = arith.addi %mul3A_62, %add3A_222 : i32
      %lt3A = arith.constant 20 : i32
      %lt3A_224 = arith.cmpi slt, %add3A_223, %lt3A : i32
      %convert_element_type3A = arith.extui %lt3A_224 : i1 to i32
      %cond3A = arith.constant 0 : i32
      %cond3A_225 = arith.cmpi ne, %convert_element_type3A, %cond3A : i32
      scf.if %cond3A_225 {
        %add3A_637 = arith.constant 1 : i32
        %add3A_638 = arith.addi %mul3A_62, %add3A_637 : i32
        %mul3A_639 = arith.constant 4 : i32
        %mul3A_640 = arith.muli %add3A_638, %mul3A_639 : i32
        %add3A_641 = arith.constant 0 : i32
        %add3A_642 = arith.addi %mul3A_640, %add3A_641 : i32
        %dma_start3A_643 = arith.constant 4 : i32
        %dma_start3A_644 = arith.constant 0 : i32
        %dma_start3A_645 = arith.constant 0 : i32
        %dma_start3A_646 = tpu.memref_slice %arg11[%dma_start3A_643, %dma_start3A_644, %dma_start3A_645] : memref<8x125x16xf32, #tpu.memory_space<vmem>> -> memref<1x125x16xf32, #tpu.memory_space<vmem>>
        %dma_start3A_647 = tpu.memref_squeeze %dma_start3A_646 : memref<1x125x16xf32, #tpu.memory_space<vmem>> -> memref<125x16xf32, #tpu.memory_space<vmem>>
        %dma_start3A_648 = arith.constant 0 : i32
        %dma_start3A_649 = tpu.memref_slice %arg9[%add3A_642, %dma_start3A_648] : memref<80x125xi32, #tpu.memory_space<vmem>> -> memref<1x125xi32, #tpu.memory_space<vmem>>
        %dma_start3A_650 = tpu.memref_squeeze %dma_start3A_649 : memref<1x125xi32, #tpu.memory_space<vmem>> -> memref<125xi32, #tpu.memory_space<vmem>>
        %dma_start3A_651 = arith.constant 0 : i32
        %dma_start3A_652 = arith.constant 0 : i32
        %dma_start3A_653 = tpu.memref_slice %arg2[%dma_start3A_651, %dma_start3A_652] : memref<10000x16xf32, #tpu.memory_space<hbm>> -> memref<10000x16xf32, #tpu.memory_space<hbm>>
        tpu.enqueue_indirect_dma source(%dma_start3A_653 : memref<10000x16xf32, #tpu.memory_space<hbm>>) target(%dma_start3A_647 : memref<125x16xf32, #tpu.memory_space<vmem>>) offsets(%dma_start3A_650 : memref<125xi32, #tpu.memory_space<vmem>>) semaphore(%arg14 : memref<!tpu.dma_semaphore, #tpu.memory_space<semaphore_mem>>)
        %mul3A_654 = arith.constant 4 : i32
        %mul3A_655 = arith.muli %add3A_638, %mul3A_654 : i32
        %add3A_656 = arith.constant 1 : i32
        %add3A_657 = arith.addi %mul3A_655, %add3A_656 : i32
        %dma_start3A_658 = arith.constant 5 : i32
        %dma_start3A_659 = arith.constant 0 : i32
        %dma_start3A_660 = arith.constant 0 : i32
        %dma_start3A_661 = tpu.memref_slice %arg11[%dma_start3A_658, %dma_start3A_659, %dma_start3A_660] : memref<8x125x16xf32, #tpu.memory_space<vmem>> -> memref<1x125x16xf32, #tpu.memory_space<vmem>>
        %dma_start3A_662 = tpu.memref_squeeze %dma_start3A_661 : memref<1x125x16xf32, #tpu.memory_space<vmem>> -> memref<125x16xf32, #tpu.memory_space<vmem>>
        %dma_start3A_663 = arith.constant 0 : i32
        %dma_start3A_664 = tpu.memref_slice %arg9[%add3A_657, %dma_start3A_663] : memref<80x125xi32, #tpu.memory_space<vmem>> -> memref<1x125xi32, #tpu.memory_space<vmem>>
        %dma_start3A_665 = tpu.memref_squeeze %dma_start3A_664 : memref<1x125xi32, #tpu.memory_space<vmem>> -> memref<125xi32, #tpu.memory_space<vmem>>
        %dma_start3A_666 = arith.constant 0 : i32
        %dma_start3A_667 = arith.constant 0 : i32
        %dma_start3A_668 = tpu.memref_slice %arg2[%dma_start3A_666, %dma_start3A_667] : memref<10000x16xf32, #tpu.memory_space<hbm>> -> memref<10000x16xf32, #tpu.memory_space<hbm>>
        tpu.enqueue_indirect_dma source(%dma_start3A_668 : memref<10000x16xf32, #tpu.memory_space<hbm>>) target(%dma_start3A_662 : memref<125x16xf32, #tpu.memory_space<vmem>>) offsets(%dma_start3A_665 : memref<125xi32, #tpu.memory_space<vmem>>) semaphore(%arg14 : memref<!tpu.dma_semaphore, #tpu.memory_space<semaphore_mem>>)
        %mul3A_669 = arith.constant 4 : i32
        %mul3A_670 = arith.muli %add3A_638, %mul3A_669 : i32
        %add3A_671 = arith.constant 2 : i32
        %add3A_672 = arith.addi %mul3A_670, %add3A_671 : i32
        %dma_start3A_673 = arith.constant 6 : i32
        %dma_start3A_674 = arith.constant 0 : i32
        %dma_start3A_675 = arith.constant 0 : i32
        %dma_start3A_676 = tpu.memref_slice %arg11[%dma_start3A_673, %dma_start3A_674, %dma_start3A_675] : memref<8x125x16xf32, #tpu.memory_space<vmem>> -> memref<1x125x16xf32, #tpu.memory_space<vmem>>
        %dma_start3A_677 = tpu.memref_squeeze %dma_start3A_676 : memref<1x125x16xf32, #tpu.memory_space<vmem>> -> memref<125x16xf32, #tpu.memory_space<vmem>>
        %dma_start3A_678 = arith.constant 0 : i32
        %dma_start3A_679 = tpu.memref_slice %arg9[%add3A_672, %dma_start3A_678] : memref<80x125xi32, #tpu.memory_space<vmem>> -> memref<1x125xi32, #tpu.memory_space<vmem>>
        %dma_start3A_680 = tpu.memref_squeeze %dma_start3A_679 : memref<1x125xi32, #tpu.memory_space<vmem>> -> memref<125xi32, #tpu.memory_space<vmem>>
        %dma_start3A_681 = arith.constant 0 : i32
        %dma_start3A_682 = arith.constant 0 : i32
        %dma_start3A_683 = tpu.memref_slice %arg2[%dma_start3A_681, %dma_start3A_682] : memref<10000x16xf32, #tpu.memory_space<hbm>> -> memref<10000x16xf32, #tpu.memory_space<hbm>>
        tpu.enqueue_indirect_dma source(%dma_start3A_683 : memref<10000x16xf32, #tpu.memory_space<hbm>>) target(%dma_start3A_677 : memref<125x16xf32, #tpu.memory_space<vmem>>) offsets(%dma_start3A_680 : memref<125xi32, #tpu.memory_space<vmem>>) semaphore(%arg14 : memref<!tpu.dma_semaphore, #tpu.memory_space<semaphore_mem>>)
        %mul3A_684 = arith.constant 4 : i32
        %mul3A_685 = arith.muli %add3A_638, %mul3A_684 : i32
        %add3A_686 = arith.constant 3 : i32
        %add3A_687 = arith.addi %mul3A_685, %add3A_686 : i32
        %dma_start3A_688 = arith.constant 7 : i32
        %dma_start3A_689 = arith.constant 0 : i32
        %dma_start3A_690 = arith.constant 0 : i32
        %dma_start3A_691 = tpu.memref_slice %arg11[%dma_start3A_688, %dma_start3A_689, %dma_start3A_690] : memref<8x125x16xf32, #tpu.memory_space<vmem>> -> memref<1x125x16xf32, #tpu.memory_space<vmem>>
        %dma_start3A_692 = tpu.memref_squeeze %dma_start3A_691 : memref<1x125x16xf32, #tpu.memory_space<vmem>> -> memref<125x16xf32, #tpu.memory_space<vmem>>
        %dma_start3A_693 = arith.constant 0 : i32
        %dma_start3A_694 = tpu.memref_slice %arg9[%add3A_687, %dma_start3A_693] : memref<80x125xi32, #tpu.memory_space<vmem>> -> memref<1x125xi32, #tpu.memory_space<vmem>>
        %dma_start3A_695 = tpu.memref_squeeze %dma_start3A_694 : memref<1x125xi32, #tpu.memory_space<vmem>> -> memref<125xi32, #tpu.memory_space<vmem>>
        %dma_start3A_696 = arith.constant 0 : i32
        %dma_start3A_697 = arith.constant 0 : i32
        %dma_start3A_698 = tpu.memref_slice %arg2[%dma_start3A_696, %dma_start3A_697] : memref<10000x16xf32, #tpu.memory_space<hbm>> -> memref<10000x16xf32, #tpu.memory_space<hbm>>
        tpu.enqueue_indirect_dma source(%dma_start3A_698 : memref<10000x16xf32, #tpu.memory_space<hbm>>) target(%dma_start3A_692 : memref<125x16xf32, #tpu.memory_space<vmem>>) offsets(%dma_start3A_695 : memref<125xi32, #tpu.memory_space<vmem>>) semaphore(%arg14 : memref<!tpu.dma_semaphore, #tpu.memory_space<semaphore_mem>>)
      } else {
      }
      %dma_wait3A_226 = arith.constant 0 : i32
      %dma_wait3A_227 = arith.constant 0 : i32
      %dma_wait3A_228 = arith.constant 0 : i32
      %dma_wait3A_229 = tpu.memref_slice %arg11[%dma_wait3A_226, %dma_wait3A_227, %dma_wait3A_228] : memref<8x125x16xf32, #tpu.memory_space<vmem>> -> memref<1x125x16xf32, #tpu.memory_space<vmem>>
      %dma_wait3A_230 = tpu.memref_squeeze %dma_wait3A_229 : memref<1x125x16xf32, #tpu.memory_space<vmem>> -> memref<125x16xf32, #tpu.memory_space<vmem>>
      %dma_wait3A_231 = arith.constant 0 : i32
      %dma_wait3A_232 = arith.constant 0 : i32
      %dma_wait3A_233 = tpu.memref_slice %arg2[%dma_wait3A_231, %dma_wait3A_232] : memref<10000x16xf32, #tpu.memory_space<hbm>> -> memref<125x16xf32, #tpu.memory_space<hbm>>
      %dma_wait3A_234 = arith.constant 0 : i32
      %dma_wait3A_235 = arith.constant 0 : i32
      %dma_wait3A_236 = tpu.memref_slice %arg11[%dma_wait3A_226, %dma_wait3A_234, %dma_wait3A_235] : memref<8x125x16xf32, #tpu.memory_space<vmem>> -> memref<1x125x16xf32, #tpu.memory_space<vmem>>
      %dma_wait3A_237 = tpu.memref_squeeze %dma_wait3A_236 : memref<1x125x16xf32, #tpu.memory_space<vmem>> -> memref<125x16xf32, #tpu.memory_space<vmem>>
      %dma_wait3A_238 = arith.constant 0 : i32
      %dma_wait3A_239 = arith.constant 0 : i32
      %dma_wait3A_240 = tpu.memref_slice %arg2[%dma_wait3A_238, %dma_wait3A_239] : memref<10000x16xf32, #tpu.memory_space<hbm>> -> memref<125x16xf32, #tpu.memory_space<hbm>>
      tpu.wait_dma2 semaphore(%arg15 : memref<!tpu.dma_semaphore, #tpu.memory_space<semaphore_mem>>) src(%dma_wait3A_240 : memref<125x16xf32, #tpu.memory_space<hbm>>) dst(%dma_wait3A_237 : memref<125x16xf32, #tpu.memory_space<vmem>>)
      %dma_wait3A_241 = arith.constant 0 : i32
      %dma_wait3A_242 = arith.constant 0 : i32
      %dma_wait3A_243 = arith.constant 0 : i32
      %dma_wait3A_244 = tpu.memref_slice %arg11[%dma_wait3A_241, %dma_wait3A_242, %dma_wait3A_243] : memref<8x125x16xf32, #tpu.memory_space<vmem>> -> memref<1x125x16xf32, #tpu.memory_space<vmem>>
      %dma_wait3A_245 = tpu.memref_squeeze %dma_wait3A_244 : memref<1x125x16xf32, #tpu.memory_space<vmem>> -> memref<125x16xf32, #tpu.memory_space<vmem>>
      %dma_wait3A_246 = arith.constant 0 : i32
      %dma_wait3A_247 = arith.constant 0 : i32
      %dma_wait3A_248 = tpu.memref_slice %arg2[%dma_wait3A_246, %dma_wait3A_247] : memref<10000x16xf32, #tpu.memory_space<hbm>> -> memref<125x16xf32, #tpu.memory_space<hbm>>
      %dma_wait3A_249 = arith.constant 0 : i32
      %dma_wait3A_250 = arith.constant 0 : i32
      %dma_wait3A_251 = tpu.memref_slice %arg11[%dma_wait3A_241, %dma_wait3A_249, %dma_wait3A_250] : memref<8x125x16xf32, #tpu.memory_space<vmem>> -> memref<1x125x16xf32, #tpu.memory_space<vmem>>
      %dma_wait3A_252 = tpu.memref_squeeze %dma_wait3A_251 : memref<1x125x16xf32, #tpu.memory_space<vmem>> -> memref<125x16xf32, #tpu.memory_space<vmem>>
      %dma_wait3A_253 = arith.constant 0 : i32
      %dma_wait3A_254 = arith.constant 0 : i32
      %dma_wait3A_255 = tpu.memref_slice %arg2[%dma_wait3A_253, %dma_wait3A_254] : memref<10000x16xf32, #tpu.memory_space<hbm>> -> memref<125x16xf32, #tpu.memory_space<hbm>>
      tpu.wait_dma2 semaphore(%arg15 : memref<!tpu.dma_semaphore, #tpu.memory_space<semaphore_mem>>) src(%dma_wait3A_255 : memref<125x16xf32, #tpu.memory_space<hbm>>) dst(%dma_wait3A_252 : memref<125x16xf32, #tpu.memory_space<vmem>>)
      %dma_wait3A_256 = arith.constant 0 : i32
      %dma_wait3A_257 = arith.constant 0 : i32
      %dma_wait3A_258 = arith.constant 0 : i32
      %dma_wait3A_259 = tpu.memref_slice %arg11[%dma_wait3A_256, %dma_wait3A_257, %dma_wait3A_258] : memref<8x125x16xf32, #tpu.memory_space<vmem>> -> memref<1x125x16xf32, #tpu.memory_space<vmem>>
      %dma_wait3A_260 = tpu.memref_squeeze %dma_wait3A_259 : memref<1x125x16xf32, #tpu.memory_space<vmem>> -> memref<125x16xf32, #tpu.memory_space<vmem>>
      %dma_wait3A_261 = arith.constant 0 : i32
      %dma_wait3A_262 = arith.constant 0 : i32
      %dma_wait3A_263 = tpu.memref_slice %arg2[%dma_wait3A_261, %dma_wait3A_262] : memref<10000x16xf32, #tpu.memory_space<hbm>> -> memref<125x16xf32, #tpu.memory_space<hbm>>
      %dma_wait3A_264 = arith.constant 0 : i32
      %dma_wait3A_265 = arith.constant 0 : i32
      %dma_wait3A_266 = tpu.memref_slice %arg11[%dma_wait3A_256, %dma_wait3A_264, %dma_wait3A_265] : memref<8x125x16xf32, #tpu.memory_space<vmem>> -> memref<1x125x16xf32, #tpu.memory_space<vmem>>
      %dma_wait3A_267 = tpu.memref_squeeze %dma_wait3A_266 : memref<1x125x16xf32, #tpu.memory_space<vmem>> -> memref<125x16xf32, #tpu.memory_space<vmem>>
      %dma_wait3A_268 = arith.constant 0 : i32
      %dma_wait3A_269 = arith.constant 0 : i32
      %dma_wait3A_270 = tpu.memref_slice %arg2[%dma_wait3A_268, %dma_wait3A_269] : memref<10000x16xf32, #tpu.memory_space<hbm>> -> memref<125x16xf32, #tpu.memory_space<hbm>>
      tpu.wait_dma2 semaphore(%arg15 : memref<!tpu.dma_semaphore, #tpu.memory_space<semaphore_mem>>) src(%dma_wait3A_270 : memref<125x16xf32, #tpu.memory_space<hbm>>) dst(%dma_wait3A_267 : memref<125x16xf32, #tpu.memory_space<vmem>>)
      %dma_wait3A_271 = arith.constant 0 : i32
      %dma_wait3A_272 = arith.constant 0 : i32
      %dma_wait3A_273 = arith.constant 0 : i32
      %dma_wait3A_274 = tpu.memref_slice %arg11[%dma_wait3A_271, %dma_wait3A_272, %dma_wait3A_273] : memref<8x125x16xf32, #tpu.memory_space<vmem>> -> memref<1x125x16xf32, #tpu.memory_space<vmem>>
      %dma_wait3A_275 = tpu.memref_squeeze %dma_wait3A_274 : memref<1x125x16xf32, #tpu.memory_space<vmem>> -> memref<125x16xf32, #tpu.memory_space<vmem>>
      %dma_wait3A_276 = arith.constant 0 : i32
      %dma_wait3A_277 = arith.constant 0 : i32
      %dma_wait3A_278 = tpu.memref_slice %arg2[%dma_wait3A_276, %dma_wait3A_277] : memref<10000x16xf32, #tpu.memory_space<hbm>> -> memref<125x16xf32, #tpu.memory_space<hbm>>
      %dma_wait3A_279 = arith.constant 0 : i32
      %dma_wait3A_280 = arith.constant 0 : i32
      %dma_wait3A_281 = tpu.memref_slice %arg11[%dma_wait3A_271, %dma_wait3A_279, %dma_wait3A_280] : memref<8x125x16xf32, #tpu.memory_space<vmem>> -> memref<1x125x16xf32, #tpu.memory_space<vmem>>
      %dma_wait3A_282 = tpu.memref_squeeze %dma_wait3A_281 : memref<1x125x16xf32, #tpu.memory_space<vmem>> -> memref<125x16xf32, #tpu.memory_space<vmem>>
      %dma_wait3A_283 = arith.constant 0 : i32
      %dma_wait3A_284 = arith.constant 0 : i32
      %dma_wait3A_285 = tpu.memref_slice %arg2[%dma_wait3A_283, %dma_wait3A_284] : memref<10000x16xf32, #tpu.memory_space<hbm>> -> memref<125x16xf32, #tpu.memory_space<hbm>>
      tpu.wait_dma2 semaphore(%arg15 : memref<!tpu.dma_semaphore, #tpu.memory_space<semaphore_mem>>) src(%dma_wait3A_285 : memref<125x16xf32, #tpu.memory_space<hbm>>) dst(%dma_wait3A_282 : memref<125x16xf32, #tpu.memory_space<vmem>>)
      %dma_wait3A_286 = arith.constant 0 : i32
      %dma_wait3A_287 = arith.constant 0 : i32
      %dma_wait3A_288 = arith.constant 0 : i32
      %dma_wait3A_289 = tpu.memref_slice %arg11[%dma_wait3A_286, %dma_wait3A_287, %dma_wait3A_288] : memref<8x125x16xf32, #tpu.memory_space<vmem>> -> memref<1x125x16xf32, #tpu.memory_space<vmem>>
      %dma_wait3A_290 = tpu.memref_squeeze %dma_wait3A_289 : memref<1x125x16xf32, #tpu.memory_space<vmem>> -> memref<125x16xf32, #tpu.memory_space<vmem>>
      %dma_wait3A_291 = arith.constant 0 : i32
      %dma_wait3A_292 = arith.constant 0 : i32
      %dma_wait3A_293 = tpu.memref_slice %arg2[%dma_wait3A_291, %dma_wait3A_292] : memref<10000x16xf32, #tpu.memory_space<hbm>> -> memref<125x16xf32, #tpu.memory_space<hbm>>
      %dma_wait3A_294 = arith.constant 0 : i32
      %dma_wait3A_295 = arith.constant 0 : i32
      %dma_wait3A_296 = tpu.memref_slice %arg11[%dma_wait3A_286, %dma_wait3A_294, %dma_wait3A_295] : memref<8x125x16xf32, #tpu.memory_space<vmem>> -> memref<1x125x16xf32, #tpu.memory_space<vmem>>
      %dma_wait3A_297 = tpu.memref_squeeze %dma_wait3A_296 : memref<1x125x16xf32, #tpu.memory_space<vmem>> -> memref<125x16xf32, #tpu.memory_space<vmem>>
      %dma_wait3A_298 = arith.constant 0 : i32
      %dma_wait3A_299 = arith.constant 0 : i32
      %dma_wait3A_300 = tpu.memref_slice %arg2[%dma_wait3A_298, %dma_wait3A_299] : memref<10000x16xf32, #tpu.memory_space<hbm>> -> memref<125x16xf32, #tpu.memory_space<hbm>>
      tpu.wait_dma2 semaphore(%arg15 : memref<!tpu.dma_semaphore, #tpu.memory_space<semaphore_mem>>) src(%dma_wait3A_300 : memref<125x16xf32, #tpu.memory_space<hbm>>) dst(%dma_wait3A_297 : memref<125x16xf32, #tpu.memory_space<vmem>>)
      %dma_wait3A_301 = arith.constant 0 : i32
      %dma_wait3A_302 = arith.constant 0 : i32
      %dma_wait3A_303 = arith.constant 0 : i32
      %dma_wait3A_304 = tpu.memref_slice %arg11[%dma_wait3A_301, %dma_wait3A_302, %dma_wait3A_303] : memref<8x125x16xf32, #tpu.memory_space<vmem>> -> memref<1x125x16xf32, #tpu.memory_space<vmem>>
      %dma_wait3A_305 = tpu.memref_squeeze %dma_wait3A_304 : memref<1x125x16xf32, #tpu.memory_space<vmem>> -> memref<125x16xf32, #tpu.memory_space<vmem>>
      %dma_wait3A_306 = arith.constant 0 : i32
      %dma_wait3A_307 = arith.constant 0 : i32
      %dma_wait3A_308 = tpu.memref_slice %arg2[%dma_wait3A_306, %dma_wait3A_307] : memref<10000x16xf32, #tpu.memory_space<hbm>> -> memref<125x16xf32, #tpu.memory_space<hbm>>
      %dma_wait3A_309 = arith.constant 0 : i32
      %dma_wait3A_310 = arith.constant 0 : i32
      %dma_wait3A_311 = tpu.memref_slice %arg11[%dma_wait3A_301, %dma_wait3A_309, %dma_wait3A_310] : memref<8x125x16xf32, #tpu.memory_space<vmem>> -> memref<1x125x16xf32, #tpu.memory_space<vmem>>
      %dma_wait3A_312 = tpu.memref_squeeze %dma_wait3A_311 : memref<1x125x16xf32, #tpu.memory_space<vmem>> -> memref<125x16xf32, #tpu.memory_space<vmem>>
      %dma_wait3A_313 = arith.constant 0 : i32
      %dma_wait3A_314 = arith.constant 0 : i32
      %dma_wait3A_315 = tpu.memref_slice %arg2[%dma_wait3A_313, %dma_wait3A_314] : memref<10000x16xf32, #tpu.memory_space<hbm>> -> memref<125x16xf32, #tpu.memory_space<hbm>>
      tpu.wait_dma2 semaphore(%arg15 : memref<!tpu.dma_semaphore, #tpu.memory_space<semaphore_mem>>) src(%dma_wait3A_315 : memref<125x16xf32, #tpu.memory_space<hbm>>) dst(%dma_wait3A_312 : memref<125x16xf32, #tpu.memory_space<vmem>>)
      %dma_wait3A_316 = arith.constant 0 : i32
      %dma_wait3A_317 = arith.constant 0 : i32
      %dma_wait3A_318 = arith.constant 0 : i32
      %dma_wait3A_319 = tpu.memref_slice %arg11[%dma_wait3A_316, %dma_wait3A_317, %dma_wait3A_318] : memref<8x125x16xf32, #tpu.memory_space<vmem>> -> memref<1x125x16xf32, #tpu.memory_space<vmem>>
      %dma_wait3A_320 = tpu.memref_squeeze %dma_wait3A_319 : memref<1x125x16xf32, #tpu.memory_space<vmem>> -> memref<125x16xf32, #tpu.memory_space<vmem>>
      %dma_wait3A_321 = arith.constant 0 : i32
      %dma_wait3A_322 = arith.constant 0 : i32
      %dma_wait3A_323 = tpu.memref_slice %arg2[%dma_wait3A_321, %dma_wait3A_322] : memref<10000x16xf32, #tpu.memory_space<hbm>> -> memref<125x16xf32, #tpu.memory_space<hbm>>
      %dma_wait3A_324 = arith.constant 0 : i32
      %dma_wait3A_325 = arith.constant 0 : i32
      %dma_wait3A_326 = tpu.memref_slice %arg11[%dma_wait3A_316, %dma_wait3A_324, %dma_wait3A_325] : memref<8x125x16xf32, #tpu.memory_space<vmem>> -> memref<1x125x16xf32, #tpu.memory_space<vmem>>
      %dma_wait3A_327 = tpu.memref_squeeze %dma_wait3A_326 : memref<1x125x16xf32, #tpu.memory_space<vmem>> -> memref<125x16xf32, #tpu.memory_space<vmem>>
      %dma_wait3A_328 = arith.constant 0 : i32
      %dma_wait3A_329 = arith.constant 0 : i32
      %dma_wait3A_330 = tpu.memref_slice %arg2[%dma_wait3A_328, %dma_wait3A_329] : memref<10000x16xf32, #tpu.memory_space<hbm>> -> memref<125x16xf32, #tpu.memory_space<hbm>>
      tpu.wait_dma2 semaphore(%arg15 : memref<!tpu.dma_semaphore, #tpu.memory_space<semaphore_mem>>) src(%dma_wait3A_330 : memref<125x16xf32, #tpu.memory_space<hbm>>) dst(%dma_wait3A_327 : memref<125x16xf32, #tpu.memory_space<vmem>>)
      %dma_wait3A_331 = arith.constant 0 : i32
      %dma_wait3A_332 = arith.constant 0 : i32
      %dma_wait3A_333 = arith.constant 0 : i32
      %dma_wait3A_334 = tpu.memref_slice %arg11[%dma_wait3A_331, %dma_wait3A_332, %dma_wait3A_333] : memref<8x125x16xf32, #tpu.memory_space<vmem>> -> memref<1x125x16xf32, #tpu.memory_space<vmem>>
      %dma_wait3A_335 = tpu.memref_squeeze %dma_wait3A_334 : memref<1x125x16xf32, #tpu.memory_space<vmem>> -> memref<125x16xf32, #tpu.memory_space<vmem>>
      %dma_wait3A_336 = arith.constant 0 : i32
      %dma_wait3A_337 = arith.constant 0 : i32
      %dma_wait3A_338 = tpu.memref_slice %arg2[%dma_wait3A_336, %dma_wait3A_337] : memref<10000x16xf32, #tpu.memory_space<hbm>> -> memref<125x16xf32, #tpu.memory_space<hbm>>
      %dma_wait3A_339 = arith.constant 0 : i32
      %dma_wait3A_340 = arith.constant 0 : i32
      %dma_wait3A_341 = tpu.memref_slice %arg11[%dma_wait3A_331, %dma_wait3A_339, %dma_wait3A_340] : memref<8x125x16xf32, #tpu.memory_space<vmem>> -> memref<1x125x16xf32, #tpu.memory_space<vmem>>
      %dma_wait3A_342 = tpu.memref_squeeze %dma_wait3A_341 : memref<1x125x16xf32, #tpu.memory_space<vmem>> -> memref<125x16xf32, #tpu.memory_space<vmem>>
      %dma_wait3A_343 = arith.constant 0 : i32
      %dma_wait3A_344 = arith.constant 0 : i32
      %dma_wait3A_345 = tpu.memref_slice %arg2[%dma_wait3A_343, %dma_wait3A_344] : memref<10000x16xf32, #tpu.memory_space<hbm>> -> memref<125x16xf32, #tpu.memory_space<hbm>>
      tpu.wait_dma2 semaphore(%arg15 : memref<!tpu.dma_semaphore, #tpu.memory_space<semaphore_mem>>) src(%dma_wait3A_345 : memref<125x16xf32, #tpu.memory_space<hbm>>) dst(%dma_wait3A_342 : memref<125x16xf32, #tpu.memory_space<vmem>>)
      %mul3A_346 = arith.constant 2 : i32
      %mul3A_347 = arith.muli %scan3A_60, %mul3A_346 : i32
      %add3A_348 = arith.constant 1 : i32
      %add3A_349 = arith.addi %mul3A_347, %add3A_348 : i32
      %dma_wait3A_350 = arith.constant 0 : i32
      %dma_wait3A_351 = arith.constant 0 : i32
      %dma_wait3A_352 = arith.constant 0 : i32
      %dma_wait3A_353 = tpu.memref_slice %arg11[%dma_wait3A_350, %dma_wait3A_351, %dma_wait3A_352] : memref<8x125x16xf32, #tpu.memory_space<vmem>> -> memref<1x125x16xf32, #tpu.memory_space<vmem>>
      %dma_wait3A_354 = tpu.memref_squeeze %dma_wait3A_353 : memref<1x125x16xf32, #tpu.memory_space<vmem>> -> memref<125x16xf32, #tpu.memory_space<vmem>>
      %dma_wait3A_355 = arith.constant 0 : i32
      %dma_wait3A_356 = arith.constant 0 : i32
      %dma_wait3A_357 = tpu.memref_slice %arg2[%dma_wait3A_355, %dma_wait3A_356] : memref<10000x16xf32, #tpu.memory_space<hbm>> -> memref<125x16xf32, #tpu.memory_space<hbm>>
      %dma_wait3A_358 = arith.constant 0 : i32
      %dma_wait3A_359 = arith.constant 0 : i32
      %dma_wait3A_360 = tpu.memref_slice %arg11[%dma_wait3A_350, %dma_wait3A_358, %dma_wait3A_359] : memref<8x125x16xf32, #tpu.memory_space<vmem>> -> memref<1x125x16xf32, #tpu.memory_space<vmem>>
      %dma_wait3A_361 = tpu.memref_squeeze %dma_wait3A_360 : memref<1x125x16xf32, #tpu.memory_space<vmem>> -> memref<125x16xf32, #tpu.memory_space<vmem>>
      %dma_wait3A_362 = arith.constant 0 : i32
      %dma_wait3A_363 = arith.constant 0 : i32
      %dma_wait3A_364 = tpu.memref_slice %arg2[%dma_wait3A_362, %dma_wait3A_363] : memref<10000x16xf32, #tpu.memory_space<hbm>> -> memref<125x16xf32, #tpu.memory_space<hbm>>
      tpu.wait_dma2 semaphore(%arg14 : memref<!tpu.dma_semaphore, #tpu.memory_space<semaphore_mem>>) src(%dma_wait3A_364 : memref<125x16xf32, #tpu.memory_space<hbm>>) dst(%dma_wait3A_361 : memref<125x16xf32, #tpu.memory_space<vmem>>)
      %dma_wait3A_365 = arith.constant 0 : i32
      %dma_wait3A_366 = arith.constant 0 : i32
      %dma_wait3A_367 = arith.constant 0 : i32
      %dma_wait3A_368 = tpu.memref_slice %arg11[%dma_wait3A_365, %dma_wait3A_366, %dma_wait3A_367] : memref<8x125x16xf32, #tpu.memory_space<vmem>> -> memref<1x125x16xf32, #tpu.memory_space<vmem>>
      %dma_wait3A_369 = tpu.memref_squeeze %dma_wait3A_368 : memref<1x125x16xf32, #tpu.memory_space<vmem>> -> memref<125x16xf32, #tpu.memory_space<vmem>>
      %dma_wait3A_370 = arith.constant 0 : i32
      %dma_wait3A_371 = arith.constant 0 : i32
      %dma_wait3A_372 = tpu.memref_slice %arg2[%dma_wait3A_370, %dma_wait3A_371] : memref<10000x16xf32, #tpu.memory_space<hbm>> -> memref<125x16xf32, #tpu.memory_space<hbm>>
      %dma_wait3A_373 = arith.constant 0 : i32
      %dma_wait3A_374 = arith.constant 0 : i32
      %dma_wait3A_375 = tpu.memref_slice %arg11[%dma_wait3A_365, %dma_wait3A_373, %dma_wait3A_374] : memref<8x125x16xf32, #tpu.memory_space<vmem>> -> memref<1x125x16xf32, #tpu.memory_space<vmem>>
      %dma_wait3A_376 = tpu.memref_squeeze %dma_wait3A_375 : memref<1x125x16xf32, #tpu.memory_space<vmem>> -> memref<125x16xf32, #tpu.memory_space<vmem>>
      %dma_wait3A_377 = arith.constant 0 : i32
      %dma_wait3A_378 = arith.constant 0 : i32
      %dma_wait3A_379 = tpu.memref_slice %arg2[%dma_wait3A_377, %dma_wait3A_378] : memref<10000x16xf32, #tpu.memory_space<hbm>> -> memref<125x16xf32, #tpu.memory_space<hbm>>
      tpu.wait_dma2 semaphore(%arg14 : memref<!tpu.dma_semaphore, #tpu.memory_space<semaphore_mem>>) src(%dma_wait3A_379 : memref<125x16xf32, #tpu.memory_space<hbm>>) dst(%dma_wait3A_376 : memref<125x16xf32, #tpu.memory_space<vmem>>)
      %dma_wait3A_380 = arith.constant 0 : i32
      %dma_wait3A_381 = arith.constant 0 : i32
      %dma_wait3A_382 = arith.constant 0 : i32
      %dma_wait3A_383 = tpu.memref_slice %arg11[%dma_wait3A_380, %dma_wait3A_381, %dma_wait3A_382] : memref<8x125x16xf32, #tpu.memory_space<vmem>> -> memref<1x125x16xf32, #tpu.memory_space<vmem>>
      %dma_wait3A_384 = tpu.memref_squeeze %dma_wait3A_383 : memref<1x125x16xf32, #tpu.memory_space<vmem>> -> memref<125x16xf32, #tpu.memory_space<vmem>>
      %dma_wait3A_385 = arith.constant 0 : i32
      %dma_wait3A_386 = arith.constant 0 : i32
      %dma_wait3A_387 = tpu.memref_slice %arg2[%dma_wait3A_385, %dma_wait3A_386] : memref<10000x16xf32, #tpu.memory_space<hbm>> -> memref<125x16xf32, #tpu.memory_space<hbm>>
      %dma_wait3A_388 = arith.constant 0 : i32
      %dma_wait3A_389 = arith.constant 0 : i32
      %dma_wait3A_390 = tpu.memref_slice %arg11[%dma_wait3A_380, %dma_wait3A_388, %dma_wait3A_389] : memref<8x125x16xf32, #tpu.memory_space<vmem>> -> memref<1x125x16xf32, #tpu.memory_space<vmem>>
      %dma_wait3A_391 = tpu.memref_squeeze %dma_wait3A_390 : memref<1x125x16xf32, #tpu.memory_space<vmem>> -> memref<125x16xf32, #tpu.memory_space<vmem>>
      %dma_wait3A_392 = arith.constant 0 : i32
      %dma_wait3A_393 = arith.constant 0 : i32
      %dma_wait3A_394 = tpu.memref_slice %arg2[%dma_wait3A_392, %dma_wait3A_393] : memref<10000x16xf32, #tpu.memory_space<hbm>> -> memref<125x16xf32, #tpu.memory_space<hbm>>
      tpu.wait_dma2 semaphore(%arg14 : memref<!tpu.dma_semaphore, #tpu.memory_space<semaphore_mem>>) src(%dma_wait3A_394 : memref<125x16xf32, #tpu.memory_space<hbm>>) dst(%dma_wait3A_391 : memref<125x16xf32, #tpu.memory_space<vmem>>)
      %dma_wait3A_395 = arith.constant 0 : i32
      %dma_wait3A_396 = arith.constant 0 : i32
      %dma_wait3A_397 = arith.constant 0 : i32
      %dma_wait3A_398 = tpu.memref_slice %arg11[%dma_wait3A_395, %dma_wait3A_396, %dma_wait3A_397] : memref<8x125x16xf32, #tpu.memory_space<vmem>> -> memref<1x125x16xf32, #tpu.memory_space<vmem>>
      %dma_wait3A_399 = tpu.memref_squeeze %dma_wait3A_398 : memref<1x125x16xf32, #tpu.memory_space<vmem>> -> memref<125x16xf32, #tpu.memory_space<vmem>>
      %dma_wait3A_400 = arith.constant 0 : i32
      %dma_wait3A_401 = arith.constant 0 : i32
      %dma_wait3A_402 = tpu.memref_slice %arg2[%dma_wait3A_400, %dma_wait3A_401] : memref<10000x16xf32, #tpu.memory_space<hbm>> -> memref<125x16xf32, #tpu.memory_space<hbm>>
      %dma_wait3A_403 = arith.constant 0 : i32
      %dma_wait3A_404 = arith.constant 0 : i32
      %dma_wait3A_405 = tpu.memref_slice %arg11[%dma_wait3A_395, %dma_wait3A_403, %dma_wait3A_404] : memref<8x125x16xf32, #tpu.memory_space<vmem>> -> memref<1x125x16xf32, #tpu.memory_space<vmem>>
      %dma_wait3A_406 = tpu.memref_squeeze %dma_wait3A_405 : memref<1x125x16xf32, #tpu.memory_space<vmem>> -> memref<125x16xf32, #tpu.memory_space<vmem>>
      %dma_wait3A_407 = arith.constant 0 : i32
      %dma_wait3A_408 = arith.constant 0 : i32
      %dma_wait3A_409 = tpu.memref_slice %arg2[%dma_wait3A_407, %dma_wait3A_408] : memref<10000x16xf32, #tpu.memory_space<hbm>> -> memref<125x16xf32, #tpu.memory_space<hbm>>
      tpu.wait_dma2 semaphore(%arg14 : memref<!tpu.dma_semaphore, #tpu.memory_space<semaphore_mem>>) src(%dma_wait3A_409 : memref<125x16xf32, #tpu.memory_space<hbm>>) dst(%dma_wait3A_406 : memref<125x16xf32, #tpu.memory_space<vmem>>)
      %mul3A_410 = arith.constant 4 : i32
      %mul3A_411 = arith.muli %add3A_349, %mul3A_410 : i32
      %add3A_412 = arith.constant 0 : i32
      %add3A_413 = arith.addi %mul3A_411, %add3A_412 : i32
      %dma_start3A_414 = arith.constant 4 : i32
      %dma_start3A_415 = arith.constant 0 : i32
      %dma_start3A_416 = arith.constant 0 : i32
      %dma_start3A_417 = tpu.memref_slice %arg11[%dma_start3A_414, %dma_start3A_415, %dma_start3A_416] : memref<8x125x16xf32, #tpu.memory_space<vmem>> -> memref<1x125x16xf32, #tpu.memory_space<vmem>>
      %dma_start3A_418 = tpu.memref_squeeze %dma_start3A_417 : memref<1x125x16xf32, #tpu.memory_space<vmem>> -> memref<125x16xf32, #tpu.memory_space<vmem>>
      %dma_start3A_419 = arith.constant 0 : i32
      %dma_start3A_420 = tpu.memref_slice %arg10[%add3A_413, %dma_start3A_419] : memref<80x125xi32, #tpu.memory_space<vmem>> -> memref<1x125xi32, #tpu.memory_space<vmem>>
      %dma_start3A_421 = tpu.memref_squeeze %dma_start3A_420 : memref<1x125xi32, #tpu.memory_space<vmem>> -> memref<125xi32, #tpu.memory_space<vmem>>
      %dma_start3A_422 = arith.constant 0 : i32
      %dma_start3A_423 = arith.constant 0 : i32
      %dma_start3A_424 = tpu.memref_slice %arg12[%dma_start3A_422, %dma_start3A_423] : memref<10112x16xf32, #tpu.memory_space<vmem_shared>> -> memref<10112x16xf32, #tpu.memory_space<vmem_shared>>
      tpu.enqueue_indirect_dma source(%dma_start3A_418 : memref<125x16xf32, #tpu.memory_space<vmem>>) target(%dma_start3A_424 : memref<10112x16xf32, #tpu.memory_space<vmem_shared>>) offsets(%dma_start3A_421 : memref<125xi32, #tpu.memory_space<vmem>>) semaphore(%arg16 : memref<!tpu.dma_semaphore, #tpu.memory_space<semaphore_mem>>) {add = true}
      %mul3A_425 = arith.constant 4 : i32
      %mul3A_426 = arith.muli %add3A_349, %mul3A_425 : i32
      %add3A_427 = arith.constant 0 : i32
      %add3A_428 = arith.addi %mul3A_426, %add3A_427 : i32
      %dma_start3A_429 = arith.constant 0 : i32
      %dma_start3A_430 = tpu.memref_slice %arg10[%add3A_428, %dma_start3A_429] : memref<80x125xi32, #tpu.memory_space<vmem>> -> memref<1x125xi32, #tpu.memory_space<vmem>>
      %dma_start3A_431 = tpu.memref_squeeze %dma_start3A_430 : memref<1x125xi32, #tpu.memory_space<vmem>> -> memref<125xi32, #tpu.memory_space<vmem>>
      %dma_start3A_432 = arith.constant 0 : i32
      %dma_start3A_433 = arith.constant 0 : i32
      %dma_start3A_434 = tpu.memref_slice %arg18[%dma_start3A_432, %dma_start3A_433] : memref<10112x16xf32, #tpu.memory_space<vmem_shared>> -> memref<10112x16xf32, #tpu.memory_space<vmem_shared>>
      tpu.enqueue_indirect_dma source(%arg17 : memref<125x16xf32, #tpu.memory_space<vmem>>) target(%dma_start3A_434 : memref<10112x16xf32, #tpu.memory_space<vmem_shared>>) offsets(%dma_start3A_431 : memref<125xi32, #tpu.memory_space<vmem>>) semaphore(%arg16 : memref<!tpu.dma_semaphore, #tpu.memory_space<semaphore_mem>>) {add = true}
      %mul3A_435 = arith.constant 4 : i32
      %mul3A_436 = arith.muli %add3A_349, %mul3A_435 : i32
      %add3A_437 = arith.constant 1 : i32
      %add3A_438 = arith.addi %mul3A_436, %add3A_437 : i32
      %dma_start3A_439 = arith.constant 5 : i32
      %dma_start3A_440 = arith.constant 0 : i32
      %dma_start3A_441 = arith.constant 0 : i32
      %dma_start3A_442 = tpu.memref_slice %arg11[%dma_start3A_439, %dma_start3A_440, %dma_start3A_441] : memref<8x125x16xf32, #tpu.memory_space<vmem>> -> memref<1x125x16xf32, #tpu.memory_space<vmem>>
      %dma_start3A_443 = tpu.memref_squeeze %dma_start3A_442 : memref<1x125x16xf32, #tpu.memory_space<vmem>> -> memref<125x16xf32, #tpu.memory_space<vmem>>
      %dma_start3A_444 = arith.constant 0 : i32
      %dma_start3A_445 = tpu.memref_slice %arg10[%add3A_438, %dma_start3A_444] : memref<80x125xi32, #tpu.memory_space<vmem>> -> memref<1x125xi32, #tpu.memory_space<vmem>>
      %dma_start3A_446 = tpu.memref_squeeze %dma_start3A_445 : memref<1x125xi32, #tpu.memory_space<vmem>> -> memref<125xi32, #tpu.memory_space<vmem>>
      %dma_start3A_447 = arith.constant 0 : i32
      %dma_start3A_448 = arith.constant 0 : i32
      %dma_start3A_449 = tpu.memref_slice %arg12[%dma_start3A_447, %dma_start3A_448] : memref<10112x16xf32, #tpu.memory_space<vmem_shared>> -> memref<10112x16xf32, #tpu.memory_space<vmem_shared>>
      tpu.enqueue_indirect_dma source(%dma_start3A_443 : memref<125x16xf32, #tpu.memory_space<vmem>>) target(%dma_start3A_449 : memref<10112x16xf32, #tpu.memory_space<vmem_shared>>) offsets(%dma_start3A_446 : memref<125xi32, #tpu.memory_space<vmem>>) semaphore(%arg16 : memref<!tpu.dma_semaphore, #tpu.memory_space<semaphore_mem>>) {add = true}
      %mul3A_450 = arith.constant 4 : i32
      %mul3A_451 = arith.muli %add3A_349, %mul3A_450 : i32
      %add3A_452 = arith.constant 1 : i32
      %add3A_453 = arith.addi %mul3A_451, %add3A_452 : i32
      %dma_start3A_454 = arith.constant 0 : i32
      %dma_start3A_455 = tpu.memref_slice %arg10[%add3A_453, %dma_start3A_454] : memref<80x125xi32, #tpu.memory_space<vmem>> -> memref<1x125xi32, #tpu.memory_space<vmem>>
      %dma_start3A_456 = tpu.memref_squeeze %dma_start3A_455 : memref<1x125xi32, #tpu.memory_space<vmem>> -> memref<125xi32, #tpu.memory_space<vmem>>
      %dma_start3A_457 = arith.constant 0 : i32
      %dma_start3A_458 = arith.constant 0 : i32
      %dma_start3A_459 = tpu.memref_slice %arg18[%dma_start3A_457, %dma_start3A_458] : memref<10112x16xf32, #tpu.memory_space<vmem_shared>> -> memref<10112x16xf32, #tpu.memory_space<vmem_shared>>
      tpu.enqueue_indirect_dma source(%arg17 : memref<125x16xf32, #tpu.memory_space<vmem>>) target(%dma_start3A_459 : memref<10112x16xf32, #tpu.memory_space<vmem_shared>>) offsets(%dma_start3A_456 : memref<125xi32, #tpu.memory_space<vmem>>) semaphore(%arg16 : memref<!tpu.dma_semaphore, #tpu.memory_space<semaphore_mem>>) {add = true}
      %mul3A_460 = arith.constant 4 : i32
      %mul3A_461 = arith.muli %add3A_349, %mul3A_460 : i32
      %add3A_462 = arith.constant 2 : i32
      %add3A_463 = arith.addi %mul3A_461, %add3A_462 : i32
      %dma_start3A_464 = arith.constant 6 : i32
      %dma_start3A_465 = arith.constant 0 : i32
      %dma_start3A_466 = arith.constant 0 : i32
      %dma_start3A_467 = tpu.memref_slice %arg11[%dma_start3A_464, %dma_start3A_465, %dma_start3A_466] : memref<8x125x16xf32, #tpu.memory_space<vmem>> -> memref<1x125x16xf32, #tpu.memory_space<vmem>>
      %dma_start3A_468 = tpu.memref_squeeze %dma_start3A_467 : memref<1x125x16xf32, #tpu.memory_space<vmem>> -> memref<125x16xf32, #tpu.memory_space<vmem>>
      %dma_start3A_469 = arith.constant 0 : i32
      %dma_start3A_470 = tpu.memref_slice %arg10[%add3A_463, %dma_start3A_469] : memref<80x125xi32, #tpu.memory_space<vmem>> -> memref<1x125xi32, #tpu.memory_space<vmem>>
      %dma_start3A_471 = tpu.memref_squeeze %dma_start3A_470 : memref<1x125xi32, #tpu.memory_space<vmem>> -> memref<125xi32, #tpu.memory_space<vmem>>
      %dma_start3A_472 = arith.constant 0 : i32
      %dma_start3A_473 = arith.constant 0 : i32
      %dma_start3A_474 = tpu.memref_slice %arg12[%dma_start3A_472, %dma_start3A_473] : memref<10112x16xf32, #tpu.memory_space<vmem_shared>> -> memref<10112x16xf32, #tpu.memory_space<vmem_shared>>
      tpu.enqueue_indirect_dma source(%dma_start3A_468 : memref<125x16xf32, #tpu.memory_space<vmem>>) target(%dma_start3A_474 : memref<10112x16xf32, #tpu.memory_space<vmem_shared>>) offsets(%dma_start3A_471 : memref<125xi32, #tpu.memory_space<vmem>>) semaphore(%arg16 : memref<!tpu.dma_semaphore, #tpu.memory_space<semaphore_mem>>) {add = true}
      %mul3A_475 = arith.constant 4 : i32
      %mul3A_476 = arith.muli %add3A_349, %mul3A_475 : i32
      %add3A_477 = arith.constant 2 : i32
      %add3A_478 = arith.addi %mul3A_476, %add3A_477 : i32
      %dma_start3A_479 = arith.constant 0 : i32
      %dma_start3A_480 = tpu.memref_slice %arg10[%add3A_478, %dma_start3A_479] : memref<80x125xi32, #tpu.memory_space<vmem>> -> memref<1x125xi32, #tpu.memory_space<vmem>>
      %dma_start3A_481 = tpu.memref_squeeze %dma_start3A_480 : memref<1x125xi32, #tpu.memory_space<vmem>> -> memref<125xi32, #tpu.memory_space<vmem>>
      %dma_start3A_482 = arith.constant 0 : i32
      %dma_start3A_483 = arith.constant 0 : i32
      %dma_start3A_484 = tpu.memref_slice %arg18[%dma_start3A_482, %dma_start3A_483] : memref<10112x16xf32, #tpu.memory_space<vmem_shared>> -> memref<10112x16xf32, #tpu.memory_space<vmem_shared>>
      tpu.enqueue_indirect_dma source(%arg17 : memref<125x16xf32, #tpu.memory_space<vmem>>) target(%dma_start3A_484 : memref<10112x16xf32, #tpu.memory_space<vmem_shared>>) offsets(%dma_start3A_481 : memref<125xi32, #tpu.memory_space<vmem>>) semaphore(%arg16 : memref<!tpu.dma_semaphore, #tpu.memory_space<semaphore_mem>>) {add = true}
      %mul3A_485 = arith.constant 4 : i32
      %mul3A_486 = arith.muli %add3A_349, %mul3A_485 : i32
      %add3A_487 = arith.constant 3 : i32
      %add3A_488 = arith.addi %mul3A_486, %add3A_487 : i32
      %dma_start3A_489 = arith.constant 7 : i32
      %dma_start3A_490 = arith.constant 0 : i32
      %dma_start3A_491 = arith.constant 0 : i32
      %dma_start3A_492 = tpu.memref_slice %arg11[%dma_start3A_489, %dma_start3A_490, %dma_start3A_491] : memref<8x125x16xf32, #tpu.memory_space<vmem>> -> memref<1x125x16xf32, #tpu.memory_space<vmem>>
      %dma_start3A_493 = tpu.memref_squeeze %dma_start3A_492 : memref<1x125x16xf32, #tpu.memory_space<vmem>> -> memref<125x16xf32, #tpu.memory_space<vmem>>
      %dma_start3A_494 = arith.constant 0 : i32
      %dma_start3A_495 = tpu.memref_slice %arg10[%add3A_488, %dma_start3A_494] : memref<80x125xi32, #tpu.memory_space<vmem>> -> memref<1x125xi32, #tpu.memory_space<vmem>>
      %dma_start3A_496 = tpu.memref_squeeze %dma_start3A_495 : memref<1x125xi32, #tpu.memory_space<vmem>> -> memref<125xi32, #tpu.memory_space<vmem>>
      %dma_start3A_497 = arith.constant 0 : i32
      %dma_start3A_498 = arith.constant 0 : i32
      %dma_start3A_499 = tpu.memref_slice %arg12[%dma_start3A_497, %dma_start3A_498] : memref<10112x16xf32, #tpu.memory_space<vmem_shared>> -> memref<10112x16xf32, #tpu.memory_space<vmem_shared>>
      tpu.enqueue_indirect_dma source(%dma_start3A_493 : memref<125x16xf32, #tpu.memory_space<vmem>>) target(%dma_start3A_499 : memref<10112x16xf32, #tpu.memory_space<vmem_shared>>) offsets(%dma_start3A_496 : memref<125xi32, #tpu.memory_space<vmem>>) semaphore(%arg16 : memref<!tpu.dma_semaphore, #tpu.memory_space<semaphore_mem>>) {add = true}
      %mul3A_500 = arith.constant 4 : i32
      %mul3A_501 = arith.muli %add3A_349, %mul3A_500 : i32
      %add3A_502 = arith.constant 3 : i32
      %add3A_503 = arith.addi %mul3A_501, %add3A_502 : i32
      %dma_start3A_504 = arith.constant 0 : i32
      %dma_start3A_505 = tpu.memref_slice %arg10[%add3A_503, %dma_start3A_504] : memref<80x125xi32, #tpu.memory_space<vmem>> -> memref<1x125xi32, #tpu.memory_space<vmem>>
      %dma_start3A_506 = tpu.memref_squeeze %dma_start3A_505 : memref<1x125xi32, #tpu.memory_space<vmem>> -> memref<125xi32, #tpu.memory_space<vmem>>
      %dma_start3A_507 = arith.constant 0 : i32
      %dma_start3A_508 = arith.constant 0 : i32
      %dma_start3A_509 = tpu.memref_slice %arg18[%dma_start3A_507, %dma_start3A_508] : memref<10112x16xf32, #tpu.memory_space<vmem_shared>> -> memref<10112x16xf32, #tpu.memory_space<vmem_shared>>
      tpu.enqueue_indirect_dma source(%arg17 : memref<125x16xf32, #tpu.memory_space<vmem>>) target(%dma_start3A_509 : memref<10112x16xf32, #tpu.memory_space<vmem_shared>>) offsets(%dma_start3A_506 : memref<125xi32, #tpu.memory_space<vmem>>) semaphore(%arg16 : memref<!tpu.dma_semaphore, #tpu.memory_space<semaphore_mem>>) {add = true}
      %add3A_510 = arith.constant 1 : i32
      %add3A_511 = arith.addi %add3A_349, %add3A_510 : i32
      %lt3A_512 = arith.constant 20 : i32
      %lt3A_513 = arith.cmpi slt, %add3A_511, %lt3A_512 : i32
      %convert_element_type3A_514 = arith.extui %lt3A_513 : i1 to i32
      %cond3A_515 = arith.constant 0 : i32
      %cond3A_516 = arith.cmpi ne, %convert_element_type3A_514, %cond3A_515 : i32
      scf.if %cond3A_516 {
        %add3A_637 = arith.constant 1 : i32
        %add3A_638 = arith.addi %add3A_349, %add3A_637 : i32
        %mul3A_639 = arith.constant 4 : i32
        %mul3A_640 = arith.muli %add3A_638, %mul3A_639 : i32
        %add3A_641 = arith.constant 0 : i32
        %add3A_642 = arith.addi %mul3A_640, %add3A_641 : i32
        %dma_start3A_643 = arith.constant 0 : i32
        %dma_start3A_644 = arith.constant 0 : i32
        %dma_start3A_645 = arith.constant 0 : i32
        %dma_start3A_646 = tpu.memref_slice %arg11[%dma_start3A_643, %dma_start3A_644, %dma_start3A_645] : memref<8x125x16xf32, #tpu.memory_space<vmem>> -> memref<1x125x16xf32, #tpu.memory_space<vmem>>
        %dma_start3A_647 = tpu.memref_squeeze %dma_start3A_646 : memref<1x125x16xf32, #tpu.memory_space<vmem>> -> memref<125x16xf32, #tpu.memory_space<vmem>>
        %dma_start3A_648 = arith.constant 0 : i32
        %dma_start3A_649 = tpu.memref_slice %arg9[%add3A_642, %dma_start3A_648] : memref<80x125xi32, #tpu.memory_space<vmem>> -> memref<1x125xi32, #tpu.memory_space<vmem>>
        %dma_start3A_650 = tpu.memref_squeeze %dma_start3A_649 : memref<1x125xi32, #tpu.memory_space<vmem>> -> memref<125xi32, #tpu.memory_space<vmem>>
        %dma_start3A_651 = arith.constant 0 : i32
        %dma_start3A_652 = arith.constant 0 : i32
        %dma_start3A_653 = tpu.memref_slice %arg2[%dma_start3A_651, %dma_start3A_652] : memref<10000x16xf32, #tpu.memory_space<hbm>> -> memref<10000x16xf32, #tpu.memory_space<hbm>>
        tpu.enqueue_indirect_dma source(%dma_start3A_653 : memref<10000x16xf32, #tpu.memory_space<hbm>>) target(%dma_start3A_647 : memref<125x16xf32, #tpu.memory_space<vmem>>) offsets(%dma_start3A_650 : memref<125xi32, #tpu.memory_space<vmem>>) semaphore(%arg13 : memref<!tpu.dma_semaphore, #tpu.memory_space<semaphore_mem>>)
        %mul3A_654 = arith.constant 4 : i32
        %mul3A_655 = arith.muli %add3A_638, %mul3A_654 : i32
        %add3A_656 = arith.constant 1 : i32
        %add3A_657 = arith.addi %mul3A_655, %add3A_656 : i32
        %dma_start3A_658 = arith.constant 1 : i32
        %dma_start3A_659 = arith.constant 0 : i32
        %dma_start3A_660 = arith.constant 0 : i32
        %dma_start3A_661 = tpu.memref_slice %arg11[%dma_start3A_658, %dma_start3A_659, %dma_start3A_660] : memref<8x125x16xf32, #tpu.memory_space<vmem>> -> memref<1x125x16xf32, #tpu.memory_space<vmem>>
        %dma_start3A_662 = tpu.memref_squeeze %dma_start3A_661 : memref<1x125x16xf32, #tpu.memory_space<vmem>> -> memref<125x16xf32, #tpu.memory_space<vmem>>
        %dma_start3A_663 = arith.constant 0 : i32
        %dma_start3A_664 = tpu.memref_slice %arg9[%add3A_657, %dma_start3A_663] : memref<80x125xi32, #tpu.memory_space<vmem>> -> memref<1x125xi32, #tpu.memory_space<vmem>>
        %dma_start3A_665 = tpu.memref_squeeze %dma_start3A_664 : memref<1x125xi32, #tpu.memory_space<vmem>> -> memref<125xi32, #tpu.memory_space<vmem>>
        %dma_start3A_666 = arith.constant 0 : i32
        %dma_start3A_667 = arith.constant 0 : i32
        %dma_start3A_668 = tpu.memref_slice %arg2[%dma_start3A_666, %dma_start3A_667] : memref<10000x16xf32, #tpu.memory_space<hbm>> -> memref<10000x16xf32, #tpu.memory_space<hbm>>
        tpu.enqueue_indirect_dma source(%dma_start3A_668 : memref<10000x16xf32, #tpu.memory_space<hbm>>) target(%dma_start3A_662 : memref<125x16xf32, #tpu.memory_space<vmem>>) offsets(%dma_start3A_665 : memref<125xi32, #tpu.memory_space<vmem>>) semaphore(%arg13 : memref<!tpu.dma_semaphore, #tpu.memory_space<semaphore_mem>>)
        %mul3A_669 = arith.constant 4 : i32
        %mul3A_670 = arith.muli %add3A_638, %mul3A_669 : i32
        %add3A_671 = arith.constant 2 : i32
        %add3A_672 = arith.addi %mul3A_670, %add3A_671 : i32
        %dma_start3A_673 = arith.constant 2 : i32
        %dma_start3A_674 = arith.constant 0 : i32
        %dma_start3A_675 = arith.constant 0 : i32
        %dma_start3A_676 = tpu.memref_slice %arg11[%dma_start3A_673, %dma_start3A_674, %dma_start3A_675] : memref<8x125x16xf32, #tpu.memory_space<vmem>> -> memref<1x125x16xf32, #tpu.memory_space<vmem>>
        %dma_start3A_677 = tpu.memref_squeeze %dma_start3A_676 : memref<1x125x16xf32, #tpu.memory_space<vmem>> -> memref<125x16xf32, #tpu.memory_space<vmem>>
        %dma_start3A_678 = arith.constant 0 : i32
        %dma_start3A_679 = tpu.memref_slice %arg9[%add3A_672, %dma_start3A_678] : memref<80x125xi32, #tpu.memory_space<vmem>> -> memref<1x125xi32, #tpu.memory_space<vmem>>
        %dma_start3A_680 = tpu.memref_squeeze %dma_start3A_679 : memref<1x125xi32, #tpu.memory_space<vmem>> -> memref<125xi32, #tpu.memory_space<vmem>>
        %dma_start3A_681 = arith.constant 0 : i32
        %dma_start3A_682 = arith.constant 0 : i32
        %dma_start3A_683 = tpu.memref_slice %arg2[%dma_start3A_681, %dma_start3A_682] : memref<10000x16xf32, #tpu.memory_space<hbm>> -> memref<10000x16xf32, #tpu.memory_space<hbm>>
        tpu.enqueue_indirect_dma source(%dma_start3A_683 : memref<10000x16xf32, #tpu.memory_space<hbm>>) target(%dma_start3A_677 : memref<125x16xf32, #tpu.memory_space<vmem>>) offsets(%dma_start3A_680 : memref<125xi32, #tpu.memory_space<vmem>>) semaphore(%arg13 : memref<!tpu.dma_semaphore, #tpu.memory_space<semaphore_mem>>)
        %mul3A_684 = arith.constant 4 : i32
        %mul3A_685 = arith.muli %add3A_638, %mul3A_684 : i32
        %add3A_686 = arith.constant 3 : i32
        %add3A_687 = arith.addi %mul3A_685, %add3A_686 : i32
        %dma_start3A_688 = arith.constant 3 : i32
        %dma_start3A_689 = arith.constant 0 : i32
        %dma_start3A_690 = arith.constant 0 : i32
        %dma_start3A_691 = tpu.memref_slice %arg11[%dma_start3A_688, %dma_start3A_689, %dma_start3A_690] : memref<8x125x16xf32, #tpu.memory_space<vmem>> -> memref<1x125x16xf32, #tpu.memory_space<vmem>>
        %dma_start3A_692 = tpu.memref_squeeze %dma_start3A_691 : memref<1x125x16xf32, #tpu.memory_space<vmem>> -> memref<125x16xf32, #tpu.memory_space<vmem>>
        %dma_start3A_693 = arith.constant 0 : i32
        %dma_start3A_694 = tpu.memref_slice %arg9[%add3A_687, %dma_start3A_693] : memref<80x125xi32, #tpu.memory_space<vmem>> -> memref<1x125xi32, #tpu.memory_space<vmem>>
        %dma_start3A_695 = tpu.memref_squeeze %dma_start3A_694 : memref<1x125xi32, #tpu.memory_space<vmem>> -> memref<125xi32, #tpu.memory_space<vmem>>
        %dma_start3A_696 = arith.constant 0 : i32
        %dma_start3A_697 = arith.constant 0 : i32
        %dma_start3A_698 = tpu.memref_slice %arg2[%dma_start3A_696, %dma_start3A_697] : memref<10000x16xf32, #tpu.memory_space<hbm>> -> memref<10000x16xf32, #tpu.memory_space<hbm>>
        tpu.enqueue_indirect_dma source(%dma_start3A_698 : memref<10000x16xf32, #tpu.memory_space<hbm>>) target(%dma_start3A_692 : memref<125x16xf32, #tpu.memory_space<vmem>>) offsets(%dma_start3A_695 : memref<125xi32, #tpu.memory_space<vmem>>) semaphore(%arg13 : memref<!tpu.dma_semaphore, #tpu.memory_space<semaphore_mem>>)
      } else {
      }
      %dma_wait3A_517 = arith.constant 0 : i32
      %dma_wait3A_518 = arith.constant 0 : i32
      %dma_wait3A_519 = arith.constant 0 : i32
      %dma_wait3A_520 = tpu.memref_slice %arg11[%dma_wait3A_517, %dma_wait3A_518, %dma_wait3A_519] : memref<8x125x16xf32, #tpu.memory_space<vmem>> -> memref<1x125x16xf32, #tpu.memory_space<vmem>>
      %dma_wait3A_521 = tpu.memref_squeeze %dma_wait3A_520 : memref<1x125x16xf32, #tpu.memory_space<vmem>> -> memref<125x16xf32, #tpu.memory_space<vmem>>
      %dma_wait3A_522 = arith.constant 0 : i32
      %dma_wait3A_523 = arith.constant 0 : i32
      %dma_wait3A_524 = tpu.memref_slice %arg2[%dma_wait3A_522, %dma_wait3A_523] : memref<10000x16xf32, #tpu.memory_space<hbm>> -> memref<125x16xf32, #tpu.memory_space<hbm>>
      %dma_wait3A_525 = arith.constant 0 : i32
      %dma_wait3A_526 = arith.constant 0 : i32
      %dma_wait3A_527 = tpu.memref_slice %arg11[%dma_wait3A_517, %dma_wait3A_525, %dma_wait3A_526] : memref<8x125x16xf32, #tpu.memory_space<vmem>> -> memref<1x125x16xf32, #tpu.memory_space<vmem>>
      %dma_wait3A_528 = tpu.memref_squeeze %dma_wait3A_527 : memref<1x125x16xf32, #tpu.memory_space<vmem>> -> memref<125x16xf32, #tpu.memory_space<vmem>>
      %dma_wait3A_529 = arith.constant 0 : i32
      %dma_wait3A_530 = arith.constant 0 : i32
      %dma_wait3A_531 = tpu.memref_slice %arg2[%dma_wait3A_529, %dma_wait3A_530] : memref<10000x16xf32, #tpu.memory_space<hbm>> -> memref<125x16xf32, #tpu.memory_space<hbm>>
      tpu.wait_dma2 semaphore(%arg16 : memref<!tpu.dma_semaphore, #tpu.memory_space<semaphore_mem>>) src(%dma_wait3A_531 : memref<125x16xf32, #tpu.memory_space<hbm>>) dst(%dma_wait3A_528 : memref<125x16xf32, #tpu.memory_space<vmem>>)
      %dma_wait3A_532 = arith.constant 0 : i32
      %dma_wait3A_533 = arith.constant 0 : i32
      %dma_wait3A_534 = arith.constant 0 : i32
      %dma_wait3A_535 = tpu.memref_slice %arg11[%dma_wait3A_532, %dma_wait3A_533, %dma_wait3A_534] : memref<8x125x16xf32, #tpu.memory_space<vmem>> -> memref<1x125x16xf32, #tpu.memory_space<vmem>>
      %dma_wait3A_536 = tpu.memref_squeeze %dma_wait3A_535 : memref<1x125x16xf32, #tpu.memory_space<vmem>> -> memref<125x16xf32, #tpu.memory_space<vmem>>
      %dma_wait3A_537 = arith.constant 0 : i32
      %dma_wait3A_538 = arith.constant 0 : i32
      %dma_wait3A_539 = tpu.memref_slice %arg2[%dma_wait3A_537, %dma_wait3A_538] : memref<10000x16xf32, #tpu.memory_space<hbm>> -> memref<125x16xf32, #tpu.memory_space<hbm>>
      %dma_wait3A_540 = arith.constant 0 : i32
      %dma_wait3A_541 = arith.constant 0 : i32
      %dma_wait3A_542 = tpu.memref_slice %arg11[%dma_wait3A_532, %dma_wait3A_540, %dma_wait3A_541] : memref<8x125x16xf32, #tpu.memory_space<vmem>> -> memref<1x125x16xf32, #tpu.memory_space<vmem>>
      %dma_wait3A_543 = tpu.memref_squeeze %dma_wait3A_542 : memref<1x125x16xf32, #tpu.memory_space<vmem>> -> memref<125x16xf32, #tpu.memory_space<vmem>>
      %dma_wait3A_544 = arith.constant 0 : i32
      %dma_wait3A_545 = arith.constant 0 : i32
      %dma_wait3A_546 = tpu.memref_slice %arg2[%dma_wait3A_544, %dma_wait3A_545] : memref<10000x16xf32, #tpu.memory_space<hbm>> -> memref<125x16xf32, #tpu.memory_space<hbm>>
      tpu.wait_dma2 semaphore(%arg16 : memref<!tpu.dma_semaphore, #tpu.memory_space<semaphore_mem>>) src(%dma_wait3A_546 : memref<125x16xf32, #tpu.memory_space<hbm>>) dst(%dma_wait3A_543 : memref<125x16xf32, #tpu.memory_space<vmem>>)
      %dma_wait3A_547 = arith.constant 0 : i32
      %dma_wait3A_548 = arith.constant 0 : i32
      %dma_wait3A_549 = arith.constant 0 : i32
      %dma_wait3A_550 = tpu.memref_slice %arg11[%dma_wait3A_547, %dma_wait3A_548, %dma_wait3A_549] : memref<8x125x16xf32, #tpu.memory_space<vmem>> -> memref<1x125x16xf32, #tpu.memory_space<vmem>>
      %dma_wait3A_551 = tpu.memref_squeeze %dma_wait3A_550 : memref<1x125x16xf32, #tpu.memory_space<vmem>> -> memref<125x16xf32, #tpu.memory_space<vmem>>
      %dma_wait3A_552 = arith.constant 0 : i32
      %dma_wait3A_553 = arith.constant 0 : i32
      %dma_wait3A_554 = tpu.memref_slice %arg2[%dma_wait3A_552, %dma_wait3A_553] : memref<10000x16xf32, #tpu.memory_space<hbm>> -> memref<125x16xf32, #tpu.memory_space<hbm>>
      %dma_wait3A_555 = arith.constant 0 : i32
      %dma_wait3A_556 = arith.constant 0 : i32
      %dma_wait3A_557 = tpu.memref_slice %arg11[%dma_wait3A_547, %dma_wait3A_555, %dma_wait3A_556] : memref<8x125x16xf32, #tpu.memory_space<vmem>> -> memref<1x125x16xf32, #tpu.memory_space<vmem>>
      %dma_wait3A_558 = tpu.memref_squeeze %dma_wait3A_557 : memref<1x125x16xf32, #tpu.memory_space<vmem>> -> memref<125x16xf32, #tpu.memory_space<vmem>>
      %dma_wait3A_559 = arith.constant 0 : i32
      %dma_wait3A_560 = arith.constant 0 : i32
      %dma_wait3A_561 = tpu.memref_slice %arg2[%dma_wait3A_559, %dma_wait3A_560] : memref<10000x16xf32, #tpu.memory_space<hbm>> -> memref<125x16xf32, #tpu.memory_space<hbm>>
      tpu.wait_dma2 semaphore(%arg16 : memref<!tpu.dma_semaphore, #tpu.memory_space<semaphore_mem>>) src(%dma_wait3A_561 : memref<125x16xf32, #tpu.memory_space<hbm>>) dst(%dma_wait3A_558 : memref<125x16xf32, #tpu.memory_space<vmem>>)
      %dma_wait3A_562 = arith.constant 0 : i32
      %dma_wait3A_563 = arith.constant 0 : i32
      %dma_wait3A_564 = arith.constant 0 : i32
      %dma_wait3A_565 = tpu.memref_slice %arg11[%dma_wait3A_562, %dma_wait3A_563, %dma_wait3A_564] : memref<8x125x16xf32, #tpu.memory_space<vmem>> -> memref<1x125x16xf32, #tpu.memory_space<vmem>>
      %dma_wait3A_566 = tpu.memref_squeeze %dma_wait3A_565 : memref<1x125x16xf32, #tpu.memory_space<vmem>> -> memref<125x16xf32, #tpu.memory_space<vmem>>
      %dma_wait3A_567 = arith.constant 0 : i32
      %dma_wait3A_568 = arith.constant 0 : i32
      %dma_wait3A_569 = tpu.memref_slice %arg2[%dma_wait3A_567, %dma_wait3A_568] : memref<10000x16xf32, #tpu.memory_space<hbm>> -> memref<125x16xf32, #tpu.memory_space<hbm>>
      %dma_wait3A_570 = arith.constant 0 : i32
      %dma_wait3A_571 = arith.constant 0 : i32
      %dma_wait3A_572 = tpu.memref_slice %arg11[%dma_wait3A_562, %dma_wait3A_570, %dma_wait3A_571] : memref<8x125x16xf32, #tpu.memory_space<vmem>> -> memref<1x125x16xf32, #tpu.memory_space<vmem>>
      %dma_wait3A_573 = tpu.memref_squeeze %dma_wait3A_572 : memref<1x125x16xf32, #tpu.memory_space<vmem>> -> memref<125x16xf32, #tpu.memory_space<vmem>>
      %dma_wait3A_574 = arith.constant 0 : i32
      %dma_wait3A_575 = arith.constant 0 : i32
      %dma_wait3A_576 = tpu.memref_slice %arg2[%dma_wait3A_574, %dma_wait3A_575] : memref<10000x16xf32, #tpu.memory_space<hbm>> -> memref<125x16xf32, #tpu.memory_space<hbm>>
      tpu.wait_dma2 semaphore(%arg16 : memref<!tpu.dma_semaphore, #tpu.memory_space<semaphore_mem>>) src(%dma_wait3A_576 : memref<125x16xf32, #tpu.memory_space<hbm>>) dst(%dma_wait3A_573 : memref<125x16xf32, #tpu.memory_space<vmem>>)
      %dma_wait3A_577 = arith.constant 0 : i32
      %dma_wait3A_578 = arith.constant 0 : i32
      %dma_wait3A_579 = arith.constant 0 : i32
      %dma_wait3A_580 = tpu.memref_slice %arg11[%dma_wait3A_577, %dma_wait3A_578, %dma_wait3A_579] : memref<8x125x16xf32, #tpu.memory_space<vmem>> -> memref<1x125x16xf32, #tpu.memory_space<vmem>>
      %dma_wait3A_581 = tpu.memref_squeeze %dma_wait3A_580 : memref<1x125x16xf32, #tpu.memory_space<vmem>> -> memref<125x16xf32, #tpu.memory_space<vmem>>
      %dma_wait3A_582 = arith.constant 0 : i32
      %dma_wait3A_583 = arith.constant 0 : i32
      %dma_wait3A_584 = tpu.memref_slice %arg2[%dma_wait3A_582, %dma_wait3A_583] : memref<10000x16xf32, #tpu.memory_space<hbm>> -> memref<125x16xf32, #tpu.memory_space<hbm>>
      %dma_wait3A_585 = arith.constant 0 : i32
      %dma_wait3A_586 = arith.constant 0 : i32
      %dma_wait3A_587 = tpu.memref_slice %arg11[%dma_wait3A_577, %dma_wait3A_585, %dma_wait3A_586] : memref<8x125x16xf32, #tpu.memory_space<vmem>> -> memref<1x125x16xf32, #tpu.memory_space<vmem>>
      %dma_wait3A_588 = tpu.memref_squeeze %dma_wait3A_587 : memref<1x125x16xf32, #tpu.memory_space<vmem>> -> memref<125x16xf32, #tpu.memory_space<vmem>>
      %dma_wait3A_589 = arith.constant 0 : i32
      %dma_wait3A_590 = arith.constant 0 : i32
      %dma_wait3A_591 = tpu.memref_slice %arg2[%dma_wait3A_589, %dma_wait3A_590] : memref<10000x16xf32, #tpu.memory_space<hbm>> -> memref<125x16xf32, #tpu.memory_space<hbm>>
      tpu.wait_dma2 semaphore(%arg16 : memref<!tpu.dma_semaphore, #tpu.memory_space<semaphore_mem>>) src(%dma_wait3A_591 : memref<125x16xf32, #tpu.memory_space<hbm>>) dst(%dma_wait3A_588 : memref<125x16xf32, #tpu.memory_space<vmem>>)
      %dma_wait3A_592 = arith.constant 0 : i32
      %dma_wait3A_593 = arith.constant 0 : i32
      %dma_wait3A_594 = arith.constant 0 : i32
      %dma_wait3A_595 = tpu.memref_slice %arg11[%dma_wait3A_592, %dma_wait3A_593, %dma_wait3A_594] : memref<8x125x16xf32, #tpu.memory_space<vmem>> -> memref<1x125x16xf32, #tpu.memory_space<vmem>>
      %dma_wait3A_596 = tpu.memref_squeeze %dma_wait3A_595 : memref<1x125x16xf32, #tpu.memory_space<vmem>> -> memref<125x16xf32, #tpu.memory_space<vmem>>
      %dma_wait3A_597 = arith.constant 0 : i32
      %dma_wait3A_598 = arith.constant 0 : i32
      %dma_wait3A_599 = tpu.memref_slice %arg2[%dma_wait3A_597, %dma_wait3A_598] : memref<10000x16xf32, #tpu.memory_space<hbm>> -> memref<125x16xf32, #tpu.memory_space<hbm>>
      %dma_wait3A_600 = arith.constant 0 : i32
      %dma_wait3A_601 = arith.constant 0 : i32
      %dma_wait3A_602 = tpu.memref_slice %arg11[%dma_wait3A_592, %dma_wait3A_600, %dma_wait3A_601] : memref<8x125x16xf32, #tpu.memory_space<vmem>> -> memref<1x125x16xf32, #tpu.memory_space<vmem>>
      %dma_wait3A_603 = tpu.memref_squeeze %dma_wait3A_602 : memref<1x125x16xf32, #tpu.memory_space<vmem>> -> memref<125x16xf32, #tpu.memory_space<vmem>>
      %dma_wait3A_604 = arith.constant 0 : i32
      %dma_wait3A_605 = arith.constant 0 : i32
      %dma_wait3A_606 = tpu.memref_slice %arg2[%dma_wait3A_604, %dma_wait3A_605] : memref<10000x16xf32, #tpu.memory_space<hbm>> -> memref<125x16xf32, #tpu.memory_space<hbm>>
      tpu.wait_dma2 semaphore(%arg16 : memref<!tpu.dma_semaphore, #tpu.memory_space<semaphore_mem>>) src(%dma_wait3A_606 : memref<125x16xf32, #tpu.memory_space<hbm>>) dst(%dma_wait3A_603 : memref<125x16xf32, #tpu.memory_space<vmem>>)
      %dma_wait3A_607 = arith.constant 0 : i32
      %dma_wait3A_608 = arith.constant 0 : i32
      %dma_wait3A_609 = arith.constant 0 : i32
      %dma_wait3A_610 = tpu.memref_slice %arg11[%dma_wait3A_607, %dma_wait3A_608, %dma_wait3A_609] : memref<8x125x16xf32, #tpu.memory_space<vmem>> -> memref<1x125x16xf32, #tpu.memory_space<vmem>>
      %dma_wait3A_611 = tpu.memref_squeeze %dma_wait3A_610 : memref<1x125x16xf32, #tpu.memory_space<vmem>> -> memref<125x16xf32, #tpu.memory_space<vmem>>
      %dma_wait3A_612 = arith.constant 0 : i32
      %dma_wait3A_613 = arith.constant 0 : i32
      %dma_wait3A_614 = tpu.memref_slice %arg2[%dma_wait3A_612, %dma_wait3A_613] : memref<10000x16xf32, #tpu.memory_space<hbm>> -> memref<125x16xf32, #tpu.memory_space<hbm>>
      %dma_wait3A_615 = arith.constant 0 : i32
      %dma_wait3A_616 = arith.constant 0 : i32
      %dma_wait3A_617 = tpu.memref_slice %arg11[%dma_wait3A_607, %dma_wait3A_615, %dma_wait3A_616] : memref<8x125x16xf32, #tpu.memory_space<vmem>> -> memref<1x125x16xf32, #tpu.memory_space<vmem>>
      %dma_wait3A_618 = tpu.memref_squeeze %dma_wait3A_617 : memref<1x125x16xf32, #tpu.memory_space<vmem>> -> memref<125x16xf32, #tpu.memory_space<vmem>>
      %dma_wait3A_619 = arith.constant 0 : i32
      %dma_wait3A_620 = arith.constant 0 : i32
      %dma_wait3A_621 = tpu.memref_slice %arg2[%dma_wait3A_619, %dma_wait3A_620] : memref<10000x16xf32, #tpu.memory_space<hbm>> -> memref<125x16xf32, #tpu.memory_space<hbm>>
      tpu.wait_dma2 semaphore(%arg16 : memref<!tpu.dma_semaphore, #tpu.memory_space<semaphore_mem>>) src(%dma_wait3A_621 : memref<125x16xf32, #tpu.memory_space<hbm>>) dst(%dma_wait3A_618 : memref<125x16xf32, #tpu.memory_space<vmem>>)
      %dma_wait3A_622 = arith.constant 0 : i32
      %dma_wait3A_623 = arith.constant 0 : i32
      %dma_wait3A_624 = arith.constant 0 : i32
      %dma_wait3A_625 = tpu.memref_slice %arg11[%dma_wait3A_622, %dma_wait3A_623, %dma_wait3A_624] : memref<8x125x16xf32, #tpu.memory_space<vmem>> -> memref<1x125x16xf32, #tpu.memory_space<vmem>>
      %dma_wait3A_626 = tpu.memref_squeeze %dma_wait3A_625 : memref<1x125x16xf32, #tpu.memory_space<vmem>> -> memref<125x16xf32, #tpu.memory_space<vmem>>
      %dma_wait3A_627 = arith.constant 0 : i32
      %dma_wait3A_628 = arith.constant 0 : i32
      %dma_wait3A_629 = tpu.memref_slice %arg2[%dma_wait3A_627, %dma_wait3A_628] : memref<10000x16xf32, #tpu.memory_space<hbm>> -> memref<125x16xf32, #tpu.memory_space<hbm>>
      %dma_wait3A_630 = arith.constant 0 : i32
      %dma_wait3A_631 = arith.constant 0 : i32
      %dma_wait3A_632 = tpu.memref_slice %arg11[%dma_wait3A_622, %dma_wait3A_630, %dma_wait3A_631] : memref<8x125x16xf32, #tpu.memory_space<vmem>> -> memref<1x125x16xf32, #tpu.memory_space<vmem>>
      %dma_wait3A_633 = tpu.memref_squeeze %dma_wait3A_632 : memref<1x125x16xf32, #tpu.memory_space<vmem>> -> memref<125x16xf32, #tpu.memory_space<vmem>>
      %dma_wait3A_634 = arith.constant 0 : i32
      %dma_wait3A_635 = arith.constant 0 : i32
      %dma_wait3A_636 = tpu.memref_slice %arg2[%dma_wait3A_634, %dma_wait3A_635] : memref<10000x16xf32, #tpu.memory_space<hbm>> -> memref<125x16xf32, #tpu.memory_space<hbm>>
      tpu.wait_dma2 semaphore(%arg16 : memref<!tpu.dma_semaphore, #tpu.memory_space<semaphore_mem>>) src(%dma_wait3A_636 : memref<125x16xf32, #tpu.memory_space<hbm>>) dst(%dma_wait3A_633 : memref<125x16xf32, #tpu.memory_space<vmem>>)
    }
    %scan3A_58 = arith.constant 10 : i32
    %barrier3A_59 = arith.constant 0 : index
    tpu.barrier barrier_id(%barrier3A_59)
    "tpu.region"() ({
      %run_scoped3A = tpu.sem_alloc : memref<!tpu.dma_semaphore, #tpu.memory_space<semaphore_mem>>
      %dma_start3A_60 = arith.constant 0 : i32
      %dma_start3A_61 = tpu.memref_slice %arg7[%arg0, %mul3A_2, %dma_start3A_60] : memref<2x10112x16xf32, #tpu.memory_space<hbm>> -> memref<1x632x16xf32, #tpu.memory_space<hbm>>
      %dma_start3A_62 = tpu.memref_squeeze %dma_start3A_61 : memref<1x632x16xf32, #tpu.memory_space<hbm>> -> memref<632x16xf32, #tpu.memory_space<hbm>>
      %dma_start3A_63 = arith.constant 0 : i32
      %dma_start3A_64 = tpu.memref_slice %arg12[%mul3A_2, %dma_start3A_63] : memref<10112x16xf32, #tpu.memory_space<vmem_shared>> -> memref<632x16xf32, #tpu.memory_space<vmem_shared>>
      tpu.enqueue_dma source(%dma_start3A_64 : memref<632x16xf32, #tpu.memory_space<vmem_shared>>) target(%dma_start3A_62 : memref<632x16xf32, #tpu.memory_space<hbm>>) target_semaphore(%run_scoped3A : memref<!tpu.dma_semaphore, #tpu.memory_space<semaphore_mem>>)
      %dma_wait3A = arith.constant 0 : i32
      %dma_wait3A_65 = tpu.memref_slice %arg7[%arg0, %mul3A_2, %dma_wait3A] : memref<2x10112x16xf32, #tpu.memory_space<hbm>> -> memref<1x632x16xf32, #tpu.memory_space<hbm>>
      %dma_wait3A_66 = tpu.memref_squeeze %dma_wait3A_65 : memref<1x632x16xf32, #tpu.memory_space<hbm>> -> memref<632x16xf32, #tpu.memory_space<hbm>>
      %dma_wait3A_67 = arith.constant 0 : i32
      %dma_wait3A_68 = tpu.memref_slice %arg12[%mul3A_2, %dma_wait3A_67] : memref<10112x16xf32, #tpu.memory_space<vmem_shared>> -> memref<632x16xf32, #tpu.memory_space<vmem_shared>>
      tpu.wait_dma2 semaphore(%run_scoped3A : memref<!tpu.dma_semaphore, #tpu.memory_space<semaphore_mem>>) src(%dma_wait3A_68 : memref<632x16xf32, #tpu.memory_space<vmem_shared>>) dst(%dma_wait3A_66 : memref<632x16xf32, #tpu.memory_space<hbm>>)
      tpu.yield
    }) : () -> ()
    "tpu.region"() ({
      %run_scoped3A = tpu.sem_alloc : memref<!tpu.dma_semaphore, #tpu.memory_space<semaphore_mem>>
      %dma_start3A_60 = arith.constant 0 : i32
      %dma_start3A_61 = tpu.memref_slice %arg8[%arg0, %mul3A_2, %dma_start3A_60] : memref<2x10112x16xf32, #tpu.memory_space<hbm>> -> memref<1x632x16xf32, #tpu.memory_space<hbm>>
      %dma_start3A_62 = tpu.memref_squeeze %dma_start3A_61 : memref<1x632x16xf32, #tpu.memory_space<hbm>> -> memref<632x16xf32, #tpu.memory_space<hbm>>
      %dma_start3A_63 = arith.constant 0 : i32
      %dma_start3A_64 = tpu.memref_slice %arg18[%mul3A_2, %dma_start3A_63] : memref<10112x16xf32, #tpu.memory_space<vmem_shared>> -> memref<632x16xf32, #tpu.memory_space<vmem_shared>>
      tpu.enqueue_dma source(%dma_start3A_64 : memref<632x16xf32, #tpu.memory_space<vmem_shared>>) target(%dma_start3A_62 : memref<632x16xf32, #tpu.memory_space<hbm>>) target_semaphore(%run_scoped3A : memref<!tpu.dma_semaphore, #tpu.memory_space<semaphore_mem>>)
      %dma_wait3A = arith.constant 0 : i32
      %dma_wait3A_65 = tpu.memref_slice %arg8[%arg0, %mul3A_2, %dma_wait3A] : memref<2x10112x16xf32, #tpu.memory_space<hbm>> -> memref<1x632x16xf32, #tpu.memory_space<hbm>>
      %dma_wait3A_66 = tpu.memref_squeeze %dma_wait3A_65 : memref<1x632x16xf32, #tpu.memory_space<hbm>> -> memref<632x16xf32, #tpu.memory_space<hbm>>
      %dma_wait3A_67 = arith.constant 0 : i32
      %dma_wait3A_68 = tpu.memref_slice %arg18[%mul3A_2, %dma_wait3A_67] : memref<10112x16xf32, #tpu.memory_space<vmem_shared>> -> memref<632x16xf32, #tpu.memory_space<vmem_shared>>
      tpu.wait_dma2 semaphore(%run_scoped3A : memref<!tpu.dma_semaphore, #tpu.memory_space<semaphore_mem>>) src(%dma_wait3A_68 : memref<632x16xf32, #tpu.memory_space<vmem_shared>>) dst(%dma_wait3A_66 : memref<632x16xf32, #tpu.memory_space<hbm>>)
      tpu.yield
    }) : () -> ()
    return
  }
}

#map = affine_map<(d0, d1) -> (0, 0)>
#map1 = affine_map<(d0, d1) -> (0, 0, 0)>
module attributes {stable_mosaic.version = 14 : i64} {
  func.func @body(%arg0: i32, %arg1: i32, %arg2: memref<10000x16xf32, #tpu.memory_space<hbm>>, %arg3: memref<2560x125xi32, #tpu.memory_space<hbm>>, %arg4: memref<2560x125xi32, #tpu.memory_space<hbm>>, %arg5: memref<632x16xf32, #tpu.memory_space<hbm>>, %arg6: memref<2x10112x16xf32, #tpu.memory_space<hbm>>, %arg7: memref<80x125xi32, #tpu.memory_space<vmem>>, %arg8: memref<80x125xi32, #tpu.memory_space<vmem>>, %arg9: memref<8x125x16xf32, #tpu.memory_space<vmem>>, %arg10: memref<10112x16xf32, #tpu.memory_space<vmem_shared>>, %arg11: memref<!tpu.dma_semaphore, #tpu.memory_space<semaphore_mem>>, %arg12: memref<!tpu.dma_semaphore, #tpu.memory_space<semaphore_mem>>, %arg13: memref<!tpu.dma_semaphore, #tpu.memory_space<semaphore_mem>>, %arg14: memref<!tpu.dma_semaphore, #tpu.memory_space<semaphore_mem>>) attributes {dimension_semantics = [#tpu.dimension_semantics<core_parallel>, #tpu.dimension_semantics<subcore_parallel>], iteration_bounds = array<i64: 2, 16>, scalar_prefetch = 0 : i64, scratch_operands = 8 : i64, tpu.core_type = #tpu.core_type<sc_vector_subcore>, window_params = [{transform_indices = #map}, {transform_indices = #map}, {transform_indices = #map}, {transform_indices = #map}, {transform_indices = #map1}]} {
    %mul3A = arith.constant 16 : i32
    %mul3A_0 = arith.muli %arg0, %mul3A : i32
    %add3A = arith.addi %mul3A_0, %arg1 : i32
    %mul3A_1 = arith.constant 632 : i32
    %mul3A_2 = arith.muli %arg1, %mul3A_1 : i32
    "tpu.region"() ({
      %run_scoped3A = tpu.sem_alloc : memref<!tpu.dma_semaphore, #tpu.memory_space<semaphore_mem>>
      %dma_start3A_60 = arith.constant 0 : i32
      %dma_start3A_61 = tpu.memref_slice %arg10[%mul3A_2, %dma_start3A_60] : memref<10112x16xf32, #tpu.memory_space<vmem_shared>> -> memref<632x16xf32, #tpu.memory_space<vmem_shared>>
      tpu.enqueue_dma source(%arg5 : memref<632x16xf32, #tpu.memory_space<hbm>>) target(%dma_start3A_61 : memref<632x16xf32, #tpu.memory_space<vmem_shared>>) target_semaphore(%run_scoped3A : memref<!tpu.dma_semaphore, #tpu.memory_space<semaphore_mem>>)
      %dma_wait3A = arith.constant 0 : i32
      %dma_wait3A_62 = tpu.memref_slice %arg10[%mul3A_2, %dma_wait3A] : memref<10112x16xf32, #tpu.memory_space<vmem_shared>> -> memref<632x16xf32, #tpu.memory_space<vmem_shared>>
      tpu.wait_dma2 semaphore(%run_scoped3A : memref<!tpu.dma_semaphore, #tpu.memory_space<semaphore_mem>>) src(%arg5 : memref<632x16xf32, #tpu.memory_space<hbm>>) dst(%dma_wait3A_62 : memref<632x16xf32, #tpu.memory_space<vmem_shared>>)
      tpu.yield
    }) : () -> ()
    %mul3A_3 = arith.constant 80 : i32
    %mul3A_4 = arith.muli %add3A, %mul3A_3 : i32
    "tpu.region"() ({
      %run_scoped3A = tpu.sem_alloc : memref<!tpu.dma_semaphore, #tpu.memory_space<semaphore_mem>>
      %dma_start3A_60 = arith.constant 0 : i32
      %dma_start3A_61 = tpu.memref_slice %arg3[%mul3A_4, %dma_start3A_60] : memref<2560x125xi32, #tpu.memory_space<hbm>> -> memref<80x125xi32, #tpu.memory_space<hbm>>
      %dma_start3A_62 = arith.constant 0 : i32
      %dma_start3A_63 = tpu.memref_slice %arg3[%mul3A_4, %dma_start3A_62] : memref<2560x125xi32, #tpu.memory_space<hbm>> -> memref<80x125xi32, #tpu.memory_space<hbm>>
      tpu.enqueue_dma source(%dma_start3A_63 : memref<80x125xi32, #tpu.memory_space<hbm>>) target(%arg7 : memref<80x125xi32, #tpu.memory_space<vmem>>) target_semaphore(%run_scoped3A : memref<!tpu.dma_semaphore, #tpu.memory_space<semaphore_mem>>)
      %dma_wait3A = arith.constant 0 : i32
      %dma_wait3A_64 = tpu.memref_slice %arg3[%mul3A_4, %dma_wait3A] : memref<2560x125xi32, #tpu.memory_space<hbm>> -> memref<80x125xi32, #tpu.memory_space<hbm>>
      %dma_wait3A_65 = arith.constant 0 : i32
      %dma_wait3A_66 = tpu.memref_slice %arg3[%mul3A_4, %dma_wait3A_65] : memref<2560x125xi32, #tpu.memory_space<hbm>> -> memref<80x125xi32, #tpu.memory_space<hbm>>
      tpu.wait_dma2 semaphore(%run_scoped3A : memref<!tpu.dma_semaphore, #tpu.memory_space<semaphore_mem>>) src(%dma_wait3A_66 : memref<80x125xi32, #tpu.memory_space<hbm>>) dst(%arg7 : memref<80x125xi32, #tpu.memory_space<vmem>>)
      tpu.yield
    }) : () -> ()
    %mul3A_5 = arith.constant 80 : i32
    %mul3A_6 = arith.muli %add3A, %mul3A_5 : i32
    "tpu.region"() ({
      %run_scoped3A = tpu.sem_alloc : memref<!tpu.dma_semaphore, #tpu.memory_space<semaphore_mem>>
      %dma_start3A_60 = arith.constant 0 : i32
      %dma_start3A_61 = tpu.memref_slice %arg4[%mul3A_6, %dma_start3A_60] : memref<2560x125xi32, #tpu.memory_space<hbm>> -> memref<80x125xi32, #tpu.memory_space<hbm>>
      %dma_start3A_62 = arith.constant 0 : i32
      %dma_start3A_63 = tpu.memref_slice %arg4[%mul3A_6, %dma_start3A_62] : memref<2560x125xi32, #tpu.memory_space<hbm>> -> memref<80x125xi32, #tpu.memory_space<hbm>>
      tpu.enqueue_dma source(%dma_start3A_63 : memref<80x125xi32, #tpu.memory_space<hbm>>) target(%arg8 : memref<80x125xi32, #tpu.memory_space<vmem>>) target_semaphore(%run_scoped3A : memref<!tpu.dma_semaphore, #tpu.memory_space<semaphore_mem>>)
      %dma_wait3A = arith.constant 0 : i32
      %dma_wait3A_64 = tpu.memref_slice %arg4[%mul3A_6, %dma_wait3A] : memref<2560x125xi32, #tpu.memory_space<hbm>> -> memref<80x125xi32, #tpu.memory_space<hbm>>
      %dma_wait3A_65 = arith.constant 0 : i32
      %dma_wait3A_66 = tpu.memref_slice %arg4[%mul3A_6, %dma_wait3A_65] : memref<2560x125xi32, #tpu.memory_space<hbm>> -> memref<80x125xi32, #tpu.memory_space<hbm>>
      tpu.wait_dma2 semaphore(%run_scoped3A : memref<!tpu.dma_semaphore, #tpu.memory_space<semaphore_mem>>) src(%dma_wait3A_66 : memref<80x125xi32, #tpu.memory_space<hbm>>) dst(%arg8 : memref<80x125xi32, #tpu.memory_space<vmem>>)
      tpu.yield
    }) : () -> ()
    %barrier3A = arith.constant 0 : index
    tpu.barrier barrier_id(%barrier3A)
    %dma_start3A = arith.constant 0 : i32
    %dma_start3A_7 = arith.constant 0 : i32
    %dma_start3A_8 = arith.constant 0 : i32
    %dma_start3A_9 = arith.constant 0 : i32
    %dma_start3A_10 = tpu.memref_slice %arg9[%dma_start3A_7, %dma_start3A_8, %dma_start3A_9] : memref<8x125x16xf32, #tpu.memory_space<vmem>> -> memref<1x125x16xf32, #tpu.memory_space<vmem>>
    %dma_start3A_11 = tpu.memref_squeeze %dma_start3A_10 : memref<1x125x16xf32, #tpu.memory_space<vmem>> -> memref<125x16xf32, #tpu.memory_space<vmem>>
    %dma_start3A_12 = arith.constant 0 : i32
    %dma_start3A_13 = tpu.memref_slice %arg7[%dma_start3A, %dma_start3A_12] : memref<80x125xi32, #tpu.memory_space<vmem>> -> memref<1x125xi32, #tpu.memory_space<vmem>>
    %dma_start3A_14 = tpu.memref_squeeze %dma_start3A_13 : memref<1x125xi32, #tpu.memory_space<vmem>> -> memref<125xi32, #tpu.memory_space<vmem>>
    %dma_start3A_15 = arith.constant 0 : i32
    %dma_start3A_16 = arith.constant 0 : i32
    %dma_start3A_17 = tpu.memref_slice %arg2[%dma_start3A_15, %dma_start3A_16] : memref<10000x16xf32, #tpu.memory_space<hbm>> -> memref<10000x16xf32, #tpu.memory_space<hbm>>
    tpu.enqueue_indirect_dma source(%dma_start3A_17 : memref<10000x16xf32, #tpu.memory_space<hbm>>) target(%dma_start3A_11 : memref<125x16xf32, #tpu.memory_space<vmem>>) offsets(%dma_start3A_14 : memref<125xi32, #tpu.memory_space<vmem>>) semaphore(%arg11 : memref<!tpu.dma_semaphore, #tpu.memory_space<semaphore_mem>>)
    %dma_start3A_18 = arith.constant 1 : i32
    %dma_start3A_19 = arith.constant 1 : i32
    %dma_start3A_20 = arith.constant 0 : i32
    %dma_start3A_21 = arith.constant 0 : i32
    %dma_start3A_22 = tpu.memref_slice %arg9[%dma_start3A_19, %dma_start3A_20, %dma_start3A_21] : memref<8x125x16xf32, #tpu.memory_space<vmem>> -> memref<1x125x16xf32, #tpu.memory_space<vmem>>
    %dma_start3A_23 = tpu.memref_squeeze %dma_start3A_22 : memref<1x125x16xf32, #tpu.memory_space<vmem>> -> memref<125x16xf32, #tpu.memory_space<vmem>>
    %dma_start3A_24 = arith.constant 0 : i32
    %dma_start3A_25 = tpu.memref_slice %arg7[%dma_start3A_18, %dma_start3A_24] : memref<80x125xi32, #tpu.memory_space<vmem>> -> memref<1x125xi32, #tpu.memory_space<vmem>>
    %dma_start3A_26 = tpu.memref_squeeze %dma_start3A_25 : memref<1x125xi32, #tpu.memory_space<vmem>> -> memref<125xi32, #tpu.memory_space<vmem>>
    %dma_start3A_27 = arith.constant 0 : i32
    %dma_start3A_28 = arith.constant 0 : i32
    %dma_start3A_29 = tpu.memref_slice %arg2[%dma_start3A_27, %dma_start3A_28] : memref<10000x16xf32, #tpu.memory_space<hbm>> -> memref<10000x16xf32, #tpu.memory_space<hbm>>
    tpu.enqueue_indirect_dma source(%dma_start3A_29 : memref<10000x16xf32, #tpu.memory_space<hbm>>) target(%dma_start3A_23 : memref<125x16xf32, #tpu.memory_space<vmem>>) offsets(%dma_start3A_26 : memref<125xi32, #tpu.memory_space<vmem>>) semaphore(%arg11 : memref<!tpu.dma_semaphore, #tpu.memory_space<semaphore_mem>>)
    %dma_start3A_30 = arith.constant 2 : i32
    %dma_start3A_31 = arith.constant 2 : i32
    %dma_start3A_32 = arith.constant 0 : i32
    %dma_start3A_33 = arith.constant 0 : i32
    %dma_start3A_34 = tpu.memref_slice %arg9[%dma_start3A_31, %dma_start3A_32, %dma_start3A_33] : memref<8x125x16xf32, #tpu.memory_space<vmem>> -> memref<1x125x16xf32, #tpu.memory_space<vmem>>
    %dma_start3A_35 = tpu.memref_squeeze %dma_start3A_34 : memref<1x125x16xf32, #tpu.memory_space<vmem>> -> memref<125x16xf32, #tpu.memory_space<vmem>>
    %dma_start3A_36 = arith.constant 0 : i32
    %dma_start3A_37 = tpu.memref_slice %arg7[%dma_start3A_30, %dma_start3A_36] : memref<80x125xi32, #tpu.memory_space<vmem>> -> memref<1x125xi32, #tpu.memory_space<vmem>>
    %dma_start3A_38 = tpu.memref_squeeze %dma_start3A_37 : memref<1x125xi32, #tpu.memory_space<vmem>> -> memref<125xi32, #tpu.memory_space<vmem>>
    %dma_start3A_39 = arith.constant 0 : i32
    %dma_start3A_40 = arith.constant 0 : i32
    %dma_start3A_41 = tpu.memref_slice %arg2[%dma_start3A_39, %dma_start3A_40] : memref<10000x16xf32, #tpu.memory_space<hbm>> -> memref<10000x16xf32, #tpu.memory_space<hbm>>
    tpu.enqueue_indirect_dma source(%dma_start3A_41 : memref<10000x16xf32, #tpu.memory_space<hbm>>) target(%dma_start3A_35 : memref<125x16xf32, #tpu.memory_space<vmem>>) offsets(%dma_start3A_38 : memref<125xi32, #tpu.memory_space<vmem>>) semaphore(%arg11 : memref<!tpu.dma_semaphore, #tpu.memory_space<semaphore_mem>>)
    %dma_start3A_42 = arith.constant 3 : i32
    %dma_start3A_43 = arith.constant 3 : i32
    %dma_start3A_44 = arith.constant 0 : i32
    %dma_start3A_45 = arith.constant 0 : i32
    %dma_start3A_46 = tpu.memref_slice %arg9[%dma_start3A_43, %dma_start3A_44, %dma_start3A_45] : memref<8x125x16xf32, #tpu.memory_space<vmem>> -> memref<1x125x16xf32, #tpu.memory_space<vmem>>
    %dma_start3A_47 = tpu.memref_squeeze %dma_start3A_46 : memref<1x125x16xf32, #tpu.memory_space<vmem>> -> memref<125x16xf32, #tpu.memory_space<vmem>>
    %dma_start3A_48 = arith.constant 0 : i32
    %dma_start3A_49 = tpu.memref_slice %arg7[%dma_start3A_42, %dma_start3A_48] : memref<80x125xi32, #tpu.memory_space<vmem>> -> memref<1x125xi32, #tpu.memory_space<vmem>>
    %dma_start3A_50 = tpu.memref_squeeze %dma_start3A_49 : memref<1x125xi32, #tpu.memory_space<vmem>> -> memref<125xi32, #tpu.memory_space<vmem>>
    %dma_start3A_51 = arith.constant 0 : i32
    %dma_start3A_52 = arith.constant 0 : i32
    %dma_start3A_53 = tpu.memref_slice %arg2[%dma_start3A_51, %dma_start3A_52] : memref<10000x16xf32, #tpu.memory_space<hbm>> -> memref<10000x16xf32, #tpu.memory_space<hbm>>
    tpu.enqueue_indirect_dma source(%dma_start3A_53 : memref<10000x16xf32, #tpu.memory_space<hbm>>) target(%dma_start3A_47 : memref<125x16xf32, #tpu.memory_space<vmem>>) offsets(%dma_start3A_50 : memref<125xi32, #tpu.memory_space<vmem>>) semaphore(%arg11 : memref<!tpu.dma_semaphore, #tpu.memory_space<semaphore_mem>>)
    %scan3A = arith.constant 0 : i32
    %scan3A_54 = arith.constant 0 : i32
    %scan3A_55 = arith.constant 10 : i32
    %scan3A_56 = arith.addi %scan3A_54, %scan3A_55 : i32
    %scan3A_57 = arith.constant 1 : i32
    scf.for %scan3A_60 = %scan3A_54 to %scan3A_56 step %scan3A_57  : i32 {
      %mul3A_61 = arith.constant 2 : i32
      %mul3A_62 = arith.muli %scan3A_60, %mul3A_61 : i32
      %dma_wait3A = arith.constant 0 : i32
      %dma_wait3A_63 = arith.constant 0 : i32
      %dma_wait3A_64 = arith.constant 0 : i32
      %dma_wait3A_65 = tpu.memref_slice %arg9[%dma_wait3A, %dma_wait3A_63, %dma_wait3A_64] : memref<8x125x16xf32, #tpu.memory_space<vmem>> -> memref<1x125x16xf32, #tpu.memory_space<vmem>>
      %dma_wait3A_66 = tpu.memref_squeeze %dma_wait3A_65 : memref<1x125x16xf32, #tpu.memory_space<vmem>> -> memref<125x16xf32, #tpu.memory_space<vmem>>
      %dma_wait3A_67 = arith.constant 0 : i32
      %dma_wait3A_68 = arith.constant 0 : i32
      %dma_wait3A_69 = tpu.memref_slice %arg2[%dma_wait3A_67, %dma_wait3A_68] : memref<10000x16xf32, #tpu.memory_space<hbm>> -> memref<125x16xf32, #tpu.memory_space<hbm>>
      %dma_wait3A_70 = arith.constant 0 : i32
      %dma_wait3A_71 = arith.constant 0 : i32
      %dma_wait3A_72 = tpu.memref_slice %arg9[%dma_wait3A, %dma_wait3A_70, %dma_wait3A_71] : memref<8x125x16xf32, #tpu.memory_space<vmem>> -> memref<1x125x16xf32, #tpu.memory_space<vmem>>
      %dma_wait3A_73 = tpu.memref_squeeze %dma_wait3A_72 : memref<1x125x16xf32, #tpu.memory_space<vmem>> -> memref<125x16xf32, #tpu.memory_space<vmem>>
      %dma_wait3A_74 = arith.constant 0 : i32
      %dma_wait3A_75 = arith.constant 0 : i32
      %dma_wait3A_76 = tpu.memref_slice %arg2[%dma_wait3A_74, %dma_wait3A_75] : memref<10000x16xf32, #tpu.memory_space<hbm>> -> memref<125x16xf32, #tpu.memory_space<hbm>>
      tpu.wait_dma2 semaphore(%arg11 : memref<!tpu.dma_semaphore, #tpu.memory_space<semaphore_mem>>) src(%dma_wait3A_76 : memref<125x16xf32, #tpu.memory_space<hbm>>) dst(%dma_wait3A_73 : memref<125x16xf32, #tpu.memory_space<vmem>>)
      %dma_wait3A_77 = arith.constant 0 : i32
      %dma_wait3A_78 = arith.constant 0 : i32
      %dma_wait3A_79 = arith.constant 0 : i32
      %dma_wait3A_80 = tpu.memref_slice %arg9[%dma_wait3A_77, %dma_wait3A_78, %dma_wait3A_79] : memref<8x125x16xf32, #tpu.memory_space<vmem>> -> memref<1x125x16xf32, #tpu.memory_space<vmem>>
      %dma_wait3A_81 = tpu.memref_squeeze %dma_wait3A_80 : memref<1x125x16xf32, #tpu.memory_space<vmem>> -> memref<125x16xf32, #tpu.memory_space<vmem>>
      %dma_wait3A_82 = arith.constant 0 : i32
      %dma_wait3A_83 = arith.constant 0 : i32
      %dma_wait3A_84 = tpu.memref_slice %arg2[%dma_wait3A_82, %dma_wait3A_83] : memref<10000x16xf32, #tpu.memory_space<hbm>> -> memref<125x16xf32, #tpu.memory_space<hbm>>
      %dma_wait3A_85 = arith.constant 0 : i32
      %dma_wait3A_86 = arith.constant 0 : i32
      %dma_wait3A_87 = tpu.memref_slice %arg9[%dma_wait3A_77, %dma_wait3A_85, %dma_wait3A_86] : memref<8x125x16xf32, #tpu.memory_space<vmem>> -> memref<1x125x16xf32, #tpu.memory_space<vmem>>
      %dma_wait3A_88 = tpu.memref_squeeze %dma_wait3A_87 : memref<1x125x16xf32, #tpu.memory_space<vmem>> -> memref<125x16xf32, #tpu.memory_space<vmem>>
      %dma_wait3A_89 = arith.constant 0 : i32
      %dma_wait3A_90 = arith.constant 0 : i32
      %dma_wait3A_91 = tpu.memref_slice %arg2[%dma_wait3A_89, %dma_wait3A_90] : memref<10000x16xf32, #tpu.memory_space<hbm>> -> memref<125x16xf32, #tpu.memory_space<hbm>>
      tpu.wait_dma2 semaphore(%arg11 : memref<!tpu.dma_semaphore, #tpu.memory_space<semaphore_mem>>) src(%dma_wait3A_91 : memref<125x16xf32, #tpu.memory_space<hbm>>) dst(%dma_wait3A_88 : memref<125x16xf32, #tpu.memory_space<vmem>>)
      %dma_wait3A_92 = arith.constant 0 : i32
      %dma_wait3A_93 = arith.constant 0 : i32
      %dma_wait3A_94 = arith.constant 0 : i32
      %dma_wait3A_95 = tpu.memref_slice %arg9[%dma_wait3A_92, %dma_wait3A_93, %dma_wait3A_94] : memref<8x125x16xf32, #tpu.memory_space<vmem>> -> memref<1x125x16xf32, #tpu.memory_space<vmem>>
      %dma_wait3A_96 = tpu.memref_squeeze %dma_wait3A_95 : memref<1x125x16xf32, #tpu.memory_space<vmem>> -> memref<125x16xf32, #tpu.memory_space<vmem>>
      %dma_wait3A_97 = arith.constant 0 : i32
      %dma_wait3A_98 = arith.constant 0 : i32
      %dma_wait3A_99 = tpu.memref_slice %arg2[%dma_wait3A_97, %dma_wait3A_98] : memref<10000x16xf32, #tpu.memory_space<hbm>> -> memref<125x16xf32, #tpu.memory_space<hbm>>
      %dma_wait3A_100 = arith.constant 0 : i32
      %dma_wait3A_101 = arith.constant 0 : i32
      %dma_wait3A_102 = tpu.memref_slice %arg9[%dma_wait3A_92, %dma_wait3A_100, %dma_wait3A_101] : memref<8x125x16xf32, #tpu.memory_space<vmem>> -> memref<1x125x16xf32, #tpu.memory_space<vmem>>
      %dma_wait3A_103 = tpu.memref_squeeze %dma_wait3A_102 : memref<1x125x16xf32, #tpu.memory_space<vmem>> -> memref<125x16xf32, #tpu.memory_space<vmem>>
      %dma_wait3A_104 = arith.constant 0 : i32
      %dma_wait3A_105 = arith.constant 0 : i32
      %dma_wait3A_106 = tpu.memref_slice %arg2[%dma_wait3A_104, %dma_wait3A_105] : memref<10000x16xf32, #tpu.memory_space<hbm>> -> memref<125x16xf32, #tpu.memory_space<hbm>>
      tpu.wait_dma2 semaphore(%arg11 : memref<!tpu.dma_semaphore, #tpu.memory_space<semaphore_mem>>) src(%dma_wait3A_106 : memref<125x16xf32, #tpu.memory_space<hbm>>) dst(%dma_wait3A_103 : memref<125x16xf32, #tpu.memory_space<vmem>>)
      %dma_wait3A_107 = arith.constant 0 : i32
      %dma_wait3A_108 = arith.constant 0 : i32
      %dma_wait3A_109 = arith.constant 0 : i32
      %dma_wait3A_110 = tpu.memref_slice %arg9[%dma_wait3A_107, %dma_wait3A_108, %dma_wait3A_109] : memref<8x125x16xf32, #tpu.memory_space<vmem>> -> memref<1x125x16xf32, #tpu.memory_space<vmem>>
      %dma_wait3A_111 = tpu.memref_squeeze %dma_wait3A_110 : memref<1x125x16xf32, #tpu.memory_space<vmem>> -> memref<125x16xf32, #tpu.memory_space<vmem>>
      %dma_wait3A_112 = arith.constant 0 : i32
      %dma_wait3A_113 = arith.constant 0 : i32
      %dma_wait3A_114 = tpu.memref_slice %arg2[%dma_wait3A_112, %dma_wait3A_113] : memref<10000x16xf32, #tpu.memory_space<hbm>> -> memref<125x16xf32, #tpu.memory_space<hbm>>
      %dma_wait3A_115 = arith.constant 0 : i32
      %dma_wait3A_116 = arith.constant 0 : i32
      %dma_wait3A_117 = tpu.memref_slice %arg9[%dma_wait3A_107, %dma_wait3A_115, %dma_wait3A_116] : memref<8x125x16xf32, #tpu.memory_space<vmem>> -> memref<1x125x16xf32, #tpu.memory_space<vmem>>
      %dma_wait3A_118 = tpu.memref_squeeze %dma_wait3A_117 : memref<1x125x16xf32, #tpu.memory_space<vmem>> -> memref<125x16xf32, #tpu.memory_space<vmem>>
      %dma_wait3A_119 = arith.constant 0 : i32
      %dma_wait3A_120 = arith.constant 0 : i32
      %dma_wait3A_121 = tpu.memref_slice %arg2[%dma_wait3A_119, %dma_wait3A_120] : memref<10000x16xf32, #tpu.memory_space<hbm>> -> memref<125x16xf32, #tpu.memory_space<hbm>>
      tpu.wait_dma2 semaphore(%arg11 : memref<!tpu.dma_semaphore, #tpu.memory_space<semaphore_mem>>) src(%dma_wait3A_121 : memref<125x16xf32, #tpu.memory_space<hbm>>) dst(%dma_wait3A_118 : memref<125x16xf32, #tpu.memory_space<vmem>>)
      %mul3A_122 = arith.constant 4 : i32
      %mul3A_123 = arith.muli %mul3A_62, %mul3A_122 : i32
      %add3A_124 = arith.constant 0 : i32
      %add3A_125 = arith.addi %mul3A_123, %add3A_124 : i32
      %dma_start3A_126 = arith.constant 0 : i32
      %dma_start3A_127 = arith.constant 0 : i32
      %dma_start3A_128 = arith.constant 0 : i32
      %dma_start3A_129 = tpu.memref_slice %arg9[%dma_start3A_126, %dma_start3A_127, %dma_start3A_128] : memref<8x125x16xf32, #tpu.memory_space<vmem>> -> memref<1x125x16xf32, #tpu.memory_space<vmem>>
      %dma_start3A_130 = tpu.memref_squeeze %dma_start3A_129 : memref<1x125x16xf32, #tpu.memory_space<vmem>> -> memref<125x16xf32, #tpu.memory_space<vmem>>
      %dma_start3A_131 = arith.constant 0 : i32
      %dma_start3A_132 = tpu.memref_slice %arg8[%add3A_125, %dma_start3A_131] : memref<80x125xi32, #tpu.memory_space<vmem>> -> memref<1x125xi32, #tpu.memory_space<vmem>>
      %dma_start3A_133 = tpu.memref_squeeze %dma_start3A_132 : memref<1x125xi32, #tpu.memory_space<vmem>> -> memref<125xi32, #tpu.memory_space<vmem>>
      %dma_start3A_134 = arith.constant 0 : i32
      %dma_start3A_135 = arith.constant 0 : i32
      %dma_start3A_136 = tpu.memref_slice %arg10[%dma_start3A_134, %dma_start3A_135] : memref<10112x16xf32, #tpu.memory_space<vmem_shared>> -> memref<10112x16xf32, #tpu.memory_space<vmem_shared>>
      tpu.enqueue_indirect_dma source(%dma_start3A_130 : memref<125x16xf32, #tpu.memory_space<vmem>>) target(%dma_start3A_136 : memref<10112x16xf32, #tpu.memory_space<vmem_shared>>) offsets(%dma_start3A_133 : memref<125xi32, #tpu.memory_space<vmem>>) semaphore(%arg13 : memref<!tpu.dma_semaphore, #tpu.memory_space<semaphore_mem>>) {add = true}
      %mul3A_137 = arith.constant 4 : i32
      %mul3A_138 = arith.muli %mul3A_62, %mul3A_137 : i32
      %add3A_139 = arith.constant 1 : i32
      %add3A_140 = arith.addi %mul3A_138, %add3A_139 : i32
      %dma_start3A_141 = arith.constant 1 : i32
      %dma_start3A_142 = arith.constant 0 : i32
      %dma_start3A_143 = arith.constant 0 : i32
      %dma_start3A_144 = tpu.memref_slice %arg9[%dma_start3A_141, %dma_start3A_142, %dma_start3A_143] : memref<8x125x16xf32, #tpu.memory_space<vmem>> -> memref<1x125x16xf32, #tpu.memory_space<vmem>>
      %dma_start3A_145 = tpu.memref_squeeze %dma_start3A_144 : memref<1x125x16xf32, #tpu.memory_space<vmem>> -> memref<125x16xf32, #tpu.memory_space<vmem>>
      %dma_start3A_146 = arith.constant 0 : i32
      %dma_start3A_147 = tpu.memref_slice %arg8[%add3A_140, %dma_start3A_146] : memref<80x125xi32, #tpu.memory_space<vmem>> -> memref<1x125xi32, #tpu.memory_space<vmem>>
      %dma_start3A_148 = tpu.memref_squeeze %dma_start3A_147 : memref<1x125xi32, #tpu.memory_space<vmem>> -> memref<125xi32, #tpu.memory_space<vmem>>
      %dma_start3A_149 = arith.constant 0 : i32
      %dma_start3A_150 = arith.constant 0 : i32
      %dma_start3A_151 = tpu.memref_slice %arg10[%dma_start3A_149, %dma_start3A_150] : memref<10112x16xf32, #tpu.memory_space<vmem_shared>> -> memref<10112x16xf32, #tpu.memory_space<vmem_shared>>
      tpu.enqueue_indirect_dma source(%dma_start3A_145 : memref<125x16xf32, #tpu.memory_space<vmem>>) target(%dma_start3A_151 : memref<10112x16xf32, #tpu.memory_space<vmem_shared>>) offsets(%dma_start3A_148 : memref<125xi32, #tpu.memory_space<vmem>>) semaphore(%arg13 : memref<!tpu.dma_semaphore, #tpu.memory_space<semaphore_mem>>) {add = true}
      %mul3A_152 = arith.constant 4 : i32
      %mul3A_153 = arith.muli %mul3A_62, %mul3A_152 : i32
      %add3A_154 = arith.constant 2 : i32
      %add3A_155 = arith.addi %mul3A_153, %add3A_154 : i32
      %dma_start3A_156 = arith.constant 2 : i32
      %dma_start3A_157 = arith.constant 0 : i32
      %dma_start3A_158 = arith.constant 0 : i32
      %dma_start3A_159 = tpu.memref_slice %arg9[%dma_start3A_156, %dma_start3A_157, %dma_start3A_158] : memref<8x125x16xf32, #tpu.memory_space<vmem>> -> memref<1x125x16xf32, #tpu.memory_space<vmem>>
      %dma_start3A_160 = tpu.memref_squeeze %dma_start3A_159 : memref<1x125x16xf32, #tpu.memory_space<vmem>> -> memref<125x16xf32, #tpu.memory_space<vmem>>
      %dma_start3A_161 = arith.constant 0 : i32
      %dma_start3A_162 = tpu.memref_slice %arg8[%add3A_155, %dma_start3A_161] : memref<80x125xi32, #tpu.memory_space<vmem>> -> memref<1x125xi32, #tpu.memory_space<vmem>>
      %dma_start3A_163 = tpu.memref_squeeze %dma_start3A_162 : memref<1x125xi32, #tpu.memory_space<vmem>> -> memref<125xi32, #tpu.memory_space<vmem>>
      %dma_start3A_164 = arith.constant 0 : i32
      %dma_start3A_165 = arith.constant 0 : i32
      %dma_start3A_166 = tpu.memref_slice %arg10[%dma_start3A_164, %dma_start3A_165] : memref<10112x16xf32, #tpu.memory_space<vmem_shared>> -> memref<10112x16xf32, #tpu.memory_space<vmem_shared>>
      tpu.enqueue_indirect_dma source(%dma_start3A_160 : memref<125x16xf32, #tpu.memory_space<vmem>>) target(%dma_start3A_166 : memref<10112x16xf32, #tpu.memory_space<vmem_shared>>) offsets(%dma_start3A_163 : memref<125xi32, #tpu.memory_space<vmem>>) semaphore(%arg13 : memref<!tpu.dma_semaphore, #tpu.memory_space<semaphore_mem>>) {add = true}
      %mul3A_167 = arith.constant 4 : i32
      %mul3A_168 = arith.muli %mul3A_62, %mul3A_167 : i32
      %add3A_169 = arith.constant 3 : i32
      %add3A_170 = arith.addi %mul3A_168, %add3A_169 : i32
      %dma_start3A_171 = arith.constant 3 : i32
      %dma_start3A_172 = arith.constant 0 : i32
      %dma_start3A_173 = arith.constant 0 : i32
      %dma_start3A_174 = tpu.memref_slice %arg9[%dma_start3A_171, %dma_start3A_172, %dma_start3A_173] : memref<8x125x16xf32, #tpu.memory_space<vmem>> -> memref<1x125x16xf32, #tpu.memory_space<vmem>>
      %dma_start3A_175 = tpu.memref_squeeze %dma_start3A_174 : memref<1x125x16xf32, #tpu.memory_space<vmem>> -> memref<125x16xf32, #tpu.memory_space<vmem>>
      %dma_start3A_176 = arith.constant 0 : i32
      %dma_start3A_177 = tpu.memref_slice %arg8[%add3A_170, %dma_start3A_176] : memref<80x125xi32, #tpu.memory_space<vmem>> -> memref<1x125xi32, #tpu.memory_space<vmem>>
      %dma_start3A_178 = tpu.memref_squeeze %dma_start3A_177 : memref<1x125xi32, #tpu.memory_space<vmem>> -> memref<125xi32, #tpu.memory_space<vmem>>
      %dma_start3A_179 = arith.constant 0 : i32
      %dma_start3A_180 = arith.constant 0 : i32
      %dma_start3A_181 = tpu.memref_slice %arg10[%dma_start3A_179, %dma_start3A_180] : memref<10112x16xf32, #tpu.memory_space<vmem_shared>> -> memref<10112x16xf32, #tpu.memory_space<vmem_shared>>
      tpu.enqueue_indirect_dma source(%dma_start3A_175 : memref<125x16xf32, #tpu.memory_space<vmem>>) target(%dma_start3A_181 : memref<10112x16xf32, #tpu.memory_space<vmem_shared>>) offsets(%dma_start3A_178 : memref<125xi32, #tpu.memory_space<vmem>>) semaphore(%arg13 : memref<!tpu.dma_semaphore, #tpu.memory_space<semaphore_mem>>) {add = true}
      %add3A_182 = arith.constant 1 : i32
      %add3A_183 = arith.addi %mul3A_62, %add3A_182 : i32
      %lt3A = arith.constant 20 : i32
      %lt3A_184 = arith.cmpi slt, %add3A_183, %lt3A : i32
      %convert_element_type3A = arith.extui %lt3A_184 : i1 to i32
      %cond3A = arith.constant 0 : i32
      %cond3A_185 = arith.cmpi ne, %convert_element_type3A, %cond3A : i32
      scf.if %cond3A_185 {
        %add3A_437 = arith.constant 1 : i32
        %add3A_438 = arith.addi %mul3A_62, %add3A_437 : i32
        %mul3A_439 = arith.constant 4 : i32
        %mul3A_440 = arith.muli %add3A_438, %mul3A_439 : i32
        %add3A_441 = arith.constant 0 : i32
        %add3A_442 = arith.addi %mul3A_440, %add3A_441 : i32
        %dma_start3A_443 = arith.constant 4 : i32
        %dma_start3A_444 = arith.constant 0 : i32
        %dma_start3A_445 = arith.constant 0 : i32
        %dma_start3A_446 = tpu.memref_slice %arg9[%dma_start3A_443, %dma_start3A_444, %dma_start3A_445] : memref<8x125x16xf32, #tpu.memory_space<vmem>> -> memref<1x125x16xf32, #tpu.memory_space<vmem>>
        %dma_start3A_447 = tpu.memref_squeeze %dma_start3A_446 : memref<1x125x16xf32, #tpu.memory_space<vmem>> -> memref<125x16xf32, #tpu.memory_space<vmem>>
        %dma_start3A_448 = arith.constant 0 : i32
        %dma_start3A_449 = tpu.memref_slice %arg7[%add3A_442, %dma_start3A_448] : memref<80x125xi32, #tpu.memory_space<vmem>> -> memref<1x125xi32, #tpu.memory_space<vmem>>
        %dma_start3A_450 = tpu.memref_squeeze %dma_start3A_449 : memref<1x125xi32, #tpu.memory_space<vmem>> -> memref<125xi32, #tpu.memory_space<vmem>>
        %dma_start3A_451 = arith.constant 0 : i32
        %dma_start3A_452 = arith.constant 0 : i32
        %dma_start3A_453 = tpu.memref_slice %arg2[%dma_start3A_451, %dma_start3A_452] : memref<10000x16xf32, #tpu.memory_space<hbm>> -> memref<10000x16xf32, #tpu.memory_space<hbm>>
        tpu.enqueue_indirect_dma source(%dma_start3A_453 : memref<10000x16xf32, #tpu.memory_space<hbm>>) target(%dma_start3A_447 : memref<125x16xf32, #tpu.memory_space<vmem>>) offsets(%dma_start3A_450 : memref<125xi32, #tpu.memory_space<vmem>>) semaphore(%arg12 : memref<!tpu.dma_semaphore, #tpu.memory_space<semaphore_mem>>)
        %mul3A_454 = arith.constant 4 : i32
        %mul3A_455 = arith.muli %add3A_438, %mul3A_454 : i32
        %add3A_456 = arith.constant 1 : i32
        %add3A_457 = arith.addi %mul3A_455, %add3A_456 : i32
        %dma_start3A_458 = arith.constant 5 : i32
        %dma_start3A_459 = arith.constant 0 : i32
        %dma_start3A_460 = arith.constant 0 : i32
        %dma_start3A_461 = tpu.memref_slice %arg9[%dma_start3A_458, %dma_start3A_459, %dma_start3A_460] : memref<8x125x16xf32, #tpu.memory_space<vmem>> -> memref<1x125x16xf32, #tpu.memory_space<vmem>>
        %dma_start3A_462 = tpu.memref_squeeze %dma_start3A_461 : memref<1x125x16xf32, #tpu.memory_space<vmem>> -> memref<125x16xf32, #tpu.memory_space<vmem>>
        %dma_start3A_463 = arith.constant 0 : i32
        %dma_start3A_464 = tpu.memref_slice %arg7[%add3A_457, %dma_start3A_463] : memref<80x125xi32, #tpu.memory_space<vmem>> -> memref<1x125xi32, #tpu.memory_space<vmem>>
        %dma_start3A_465 = tpu.memref_squeeze %dma_start3A_464 : memref<1x125xi32, #tpu.memory_space<vmem>> -> memref<125xi32, #tpu.memory_space<vmem>>
        %dma_start3A_466 = arith.constant 0 : i32
        %dma_start3A_467 = arith.constant 0 : i32
        %dma_start3A_468 = tpu.memref_slice %arg2[%dma_start3A_466, %dma_start3A_467] : memref<10000x16xf32, #tpu.memory_space<hbm>> -> memref<10000x16xf32, #tpu.memory_space<hbm>>
        tpu.enqueue_indirect_dma source(%dma_start3A_468 : memref<10000x16xf32, #tpu.memory_space<hbm>>) target(%dma_start3A_462 : memref<125x16xf32, #tpu.memory_space<vmem>>) offsets(%dma_start3A_465 : memref<125xi32, #tpu.memory_space<vmem>>) semaphore(%arg12 : memref<!tpu.dma_semaphore, #tpu.memory_space<semaphore_mem>>)
        %mul3A_469 = arith.constant 4 : i32
        %mul3A_470 = arith.muli %add3A_438, %mul3A_469 : i32
        %add3A_471 = arith.constant 2 : i32
        %add3A_472 = arith.addi %mul3A_470, %add3A_471 : i32
        %dma_start3A_473 = arith.constant 6 : i32
        %dma_start3A_474 = arith.constant 0 : i32
        %dma_start3A_475 = arith.constant 0 : i32
        %dma_start3A_476 = tpu.memref_slice %arg9[%dma_start3A_473, %dma_start3A_474, %dma_start3A_475] : memref<8x125x16xf32, #tpu.memory_space<vmem>> -> memref<1x125x16xf32, #tpu.memory_space<vmem>>
        %dma_start3A_477 = tpu.memref_squeeze %dma_start3A_476 : memref<1x125x16xf32, #tpu.memory_space<vmem>> -> memref<125x16xf32, #tpu.memory_space<vmem>>
        %dma_start3A_478 = arith.constant 0 : i32
        %dma_start3A_479 = tpu.memref_slice %arg7[%add3A_472, %dma_start3A_478] : memref<80x125xi32, #tpu.memory_space<vmem>> -> memref<1x125xi32, #tpu.memory_space<vmem>>
        %dma_start3A_480 = tpu.memref_squeeze %dma_start3A_479 : memref<1x125xi32, #tpu.memory_space<vmem>> -> memref<125xi32, #tpu.memory_space<vmem>>
        %dma_start3A_481 = arith.constant 0 : i32
        %dma_start3A_482 = arith.constant 0 : i32
        %dma_start3A_483 = tpu.memref_slice %arg2[%dma_start3A_481, %dma_start3A_482] : memref<10000x16xf32, #tpu.memory_space<hbm>> -> memref<10000x16xf32, #tpu.memory_space<hbm>>
        tpu.enqueue_indirect_dma source(%dma_start3A_483 : memref<10000x16xf32, #tpu.memory_space<hbm>>) target(%dma_start3A_477 : memref<125x16xf32, #tpu.memory_space<vmem>>) offsets(%dma_start3A_480 : memref<125xi32, #tpu.memory_space<vmem>>) semaphore(%arg12 : memref<!tpu.dma_semaphore, #tpu.memory_space<semaphore_mem>>)
        %mul3A_484 = arith.constant 4 : i32
        %mul3A_485 = arith.muli %add3A_438, %mul3A_484 : i32
        %add3A_486 = arith.constant 3 : i32
        %add3A_487 = arith.addi %mul3A_485, %add3A_486 : i32
        %dma_start3A_488 = arith.constant 7 : i32
        %dma_start3A_489 = arith.constant 0 : i32
        %dma_start3A_490 = arith.constant 0 : i32
        %dma_start3A_491 = tpu.memref_slice %arg9[%dma_start3A_488, %dma_start3A_489, %dma_start3A_490] : memref<8x125x16xf32, #tpu.memory_space<vmem>> -> memref<1x125x16xf32, #tpu.memory_space<vmem>>
        %dma_start3A_492 = tpu.memref_squeeze %dma_start3A_491 : memref<1x125x16xf32, #tpu.memory_space<vmem>> -> memref<125x16xf32, #tpu.memory_space<vmem>>
        %dma_start3A_493 = arith.constant 0 : i32
        %dma_start3A_494 = tpu.memref_slice %arg7[%add3A_487, %dma_start3A_493] : memref<80x125xi32, #tpu.memory_space<vmem>> -> memref<1x125xi32, #tpu.memory_space<vmem>>
        %dma_start3A_495 = tpu.memref_squeeze %dma_start3A_494 : memref<1x125xi32, #tpu.memory_space<vmem>> -> memref<125xi32, #tpu.memory_space<vmem>>
        %dma_start3A_496 = arith.constant 0 : i32
        %dma_start3A_497 = arith.constant 0 : i32
        %dma_start3A_498 = tpu.memref_slice %arg2[%dma_start3A_496, %dma_start3A_497] : memref<10000x16xf32, #tpu.memory_space<hbm>> -> memref<10000x16xf32, #tpu.memory_space<hbm>>
        tpu.enqueue_indirect_dma source(%dma_start3A_498 : memref<10000x16xf32, #tpu.memory_space<hbm>>) target(%dma_start3A_492 : memref<125x16xf32, #tpu.memory_space<vmem>>) offsets(%dma_start3A_495 : memref<125xi32, #tpu.memory_space<vmem>>) semaphore(%arg12 : memref<!tpu.dma_semaphore, #tpu.memory_space<semaphore_mem>>)
      } else {
      }
      %dma_wait3A_186 = arith.constant 0 : i32
      %dma_wait3A_187 = arith.constant 0 : i32
      %dma_wait3A_188 = arith.constant 0 : i32
      %dma_wait3A_189 = tpu.memref_slice %arg9[%dma_wait3A_186, %dma_wait3A_187, %dma_wait3A_188] : memref<8x125x16xf32, #tpu.memory_space<vmem>> -> memref<1x125x16xf32, #tpu.memory_space<vmem>>
      %dma_wait3A_190 = tpu.memref_squeeze %dma_wait3A_189 : memref<1x125x16xf32, #tpu.memory_space<vmem>> -> memref<125x16xf32, #tpu.memory_space<vmem>>
      %dma_wait3A_191 = arith.constant 0 : i32
      %dma_wait3A_192 = arith.constant 0 : i32
      %dma_wait3A_193 = tpu.memref_slice %arg2[%dma_wait3A_191, %dma_wait3A_192] : memref<10000x16xf32, #tpu.memory_space<hbm>> -> memref<125x16xf32, #tpu.memory_space<hbm>>
      %dma_wait3A_194 = arith.constant 0 : i32
      %dma_wait3A_195 = arith.constant 0 : i32
      %dma_wait3A_196 = tpu.memref_slice %arg9[%dma_wait3A_186, %dma_wait3A_194, %dma_wait3A_195] : memref<8x125x16xf32, #tpu.memory_space<vmem>> -> memref<1x125x16xf32, #tpu.memory_space<vmem>>
      %dma_wait3A_197 = tpu.memref_squeeze %dma_wait3A_196 : memref<1x125x16xf32, #tpu.memory_space<vmem>> -> memref<125x16xf32, #tpu.memory_space<vmem>>
      %dma_wait3A_198 = arith.constant 0 : i32
      %dma_wait3A_199 = arith.constant 0 : i32
      %dma_wait3A_200 = tpu.memref_slice %arg2[%dma_wait3A_198, %dma_wait3A_199] : memref<10000x16xf32, #tpu.memory_space<hbm>> -> memref<125x16xf32, #tpu.memory_space<hbm>>
      tpu.wait_dma2 semaphore(%arg13 : memref<!tpu.dma_semaphore, #tpu.memory_space<semaphore_mem>>) src(%dma_wait3A_200 : memref<125x16xf32, #tpu.memory_space<hbm>>) dst(%dma_wait3A_197 : memref<125x16xf32, #tpu.memory_space<vmem>>)
      %dma_wait3A_201 = arith.constant 0 : i32
      %dma_wait3A_202 = arith.constant 0 : i32
      %dma_wait3A_203 = arith.constant 0 : i32
      %dma_wait3A_204 = tpu.memref_slice %arg9[%dma_wait3A_201, %dma_wait3A_202, %dma_wait3A_203] : memref<8x125x16xf32, #tpu.memory_space<vmem>> -> memref<1x125x16xf32, #tpu.memory_space<vmem>>
      %dma_wait3A_205 = tpu.memref_squeeze %dma_wait3A_204 : memref<1x125x16xf32, #tpu.memory_space<vmem>> -> memref<125x16xf32, #tpu.memory_space<vmem>>
      %dma_wait3A_206 = arith.constant 0 : i32
      %dma_wait3A_207 = arith.constant 0 : i32
      %dma_wait3A_208 = tpu.memref_slice %arg2[%dma_wait3A_206, %dma_wait3A_207] : memref<10000x16xf32, #tpu.memory_space<hbm>> -> memref<125x16xf32, #tpu.memory_space<hbm>>
      %dma_wait3A_209 = arith.constant 0 : i32
      %dma_wait3A_210 = arith.constant 0 : i32
      %dma_wait3A_211 = tpu.memref_slice %arg9[%dma_wait3A_201, %dma_wait3A_209, %dma_wait3A_210] : memref<8x125x16xf32, #tpu.memory_space<vmem>> -> memref<1x125x16xf32, #tpu.memory_space<vmem>>
      %dma_wait3A_212 = tpu.memref_squeeze %dma_wait3A_211 : memref<1x125x16xf32, #tpu.memory_space<vmem>> -> memref<125x16xf32, #tpu.memory_space<vmem>>
      %dma_wait3A_213 = arith.constant 0 : i32
      %dma_wait3A_214 = arith.constant 0 : i32
      %dma_wait3A_215 = tpu.memref_slice %arg2[%dma_wait3A_213, %dma_wait3A_214] : memref<10000x16xf32, #tpu.memory_space<hbm>> -> memref<125x16xf32, #tpu.memory_space<hbm>>
      tpu.wait_dma2 semaphore(%arg13 : memref<!tpu.dma_semaphore, #tpu.memory_space<semaphore_mem>>) src(%dma_wait3A_215 : memref<125x16xf32, #tpu.memory_space<hbm>>) dst(%dma_wait3A_212 : memref<125x16xf32, #tpu.memory_space<vmem>>)
      %dma_wait3A_216 = arith.constant 0 : i32
      %dma_wait3A_217 = arith.constant 0 : i32
      %dma_wait3A_218 = arith.constant 0 : i32
      %dma_wait3A_219 = tpu.memref_slice %arg9[%dma_wait3A_216, %dma_wait3A_217, %dma_wait3A_218] : memref<8x125x16xf32, #tpu.memory_space<vmem>> -> memref<1x125x16xf32, #tpu.memory_space<vmem>>
      %dma_wait3A_220 = tpu.memref_squeeze %dma_wait3A_219 : memref<1x125x16xf32, #tpu.memory_space<vmem>> -> memref<125x16xf32, #tpu.memory_space<vmem>>
      %dma_wait3A_221 = arith.constant 0 : i32
      %dma_wait3A_222 = arith.constant 0 : i32
      %dma_wait3A_223 = tpu.memref_slice %arg2[%dma_wait3A_221, %dma_wait3A_222] : memref<10000x16xf32, #tpu.memory_space<hbm>> -> memref<125x16xf32, #tpu.memory_space<hbm>>
      %dma_wait3A_224 = arith.constant 0 : i32
      %dma_wait3A_225 = arith.constant 0 : i32
      %dma_wait3A_226 = tpu.memref_slice %arg9[%dma_wait3A_216, %dma_wait3A_224, %dma_wait3A_225] : memref<8x125x16xf32, #tpu.memory_space<vmem>> -> memref<1x125x16xf32, #tpu.memory_space<vmem>>
      %dma_wait3A_227 = tpu.memref_squeeze %dma_wait3A_226 : memref<1x125x16xf32, #tpu.memory_space<vmem>> -> memref<125x16xf32, #tpu.memory_space<vmem>>
      %dma_wait3A_228 = arith.constant 0 : i32
      %dma_wait3A_229 = arith.constant 0 : i32
      %dma_wait3A_230 = tpu.memref_slice %arg2[%dma_wait3A_228, %dma_wait3A_229] : memref<10000x16xf32, #tpu.memory_space<hbm>> -> memref<125x16xf32, #tpu.memory_space<hbm>>
      tpu.wait_dma2 semaphore(%arg13 : memref<!tpu.dma_semaphore, #tpu.memory_space<semaphore_mem>>) src(%dma_wait3A_230 : memref<125x16xf32, #tpu.memory_space<hbm>>) dst(%dma_wait3A_227 : memref<125x16xf32, #tpu.memory_space<vmem>>)
      %dma_wait3A_231 = arith.constant 0 : i32
      %dma_wait3A_232 = arith.constant 0 : i32
      %dma_wait3A_233 = arith.constant 0 : i32
      %dma_wait3A_234 = tpu.memref_slice %arg9[%dma_wait3A_231, %dma_wait3A_232, %dma_wait3A_233] : memref<8x125x16xf32, #tpu.memory_space<vmem>> -> memref<1x125x16xf32, #tpu.memory_space<vmem>>
      %dma_wait3A_235 = tpu.memref_squeeze %dma_wait3A_234 : memref<1x125x16xf32, #tpu.memory_space<vmem>> -> memref<125x16xf32, #tpu.memory_space<vmem>>
      %dma_wait3A_236 = arith.constant 0 : i32
      %dma_wait3A_237 = arith.constant 0 : i32
      %dma_wait3A_238 = tpu.memref_slice %arg2[%dma_wait3A_236, %dma_wait3A_237] : memref<10000x16xf32, #tpu.memory_space<hbm>> -> memref<125x16xf32, #tpu.memory_space<hbm>>
      %dma_wait3A_239 = arith.constant 0 : i32
      %dma_wait3A_240 = arith.constant 0 : i32
      %dma_wait3A_241 = tpu.memref_slice %arg9[%dma_wait3A_231, %dma_wait3A_239, %dma_wait3A_240] : memref<8x125x16xf32, #tpu.memory_space<vmem>> -> memref<1x125x16xf32, #tpu.memory_space<vmem>>
      %dma_wait3A_242 = tpu.memref_squeeze %dma_wait3A_241 : memref<1x125x16xf32, #tpu.memory_space<vmem>> -> memref<125x16xf32, #tpu.memory_space<vmem>>
      %dma_wait3A_243 = arith.constant 0 : i32
      %dma_wait3A_244 = arith.constant 0 : i32
      %dma_wait3A_245 = tpu.memref_slice %arg2[%dma_wait3A_243, %dma_wait3A_244] : memref<10000x16xf32, #tpu.memory_space<hbm>> -> memref<125x16xf32, #tpu.memory_space<hbm>>
      tpu.wait_dma2 semaphore(%arg13 : memref<!tpu.dma_semaphore, #tpu.memory_space<semaphore_mem>>) src(%dma_wait3A_245 : memref<125x16xf32, #tpu.memory_space<hbm>>) dst(%dma_wait3A_242 : memref<125x16xf32, #tpu.memory_space<vmem>>)
      %mul3A_246 = arith.constant 2 : i32
      %mul3A_247 = arith.muli %scan3A_60, %mul3A_246 : i32
      %add3A_248 = arith.constant 1 : i32
      %add3A_249 = arith.addi %mul3A_247, %add3A_248 : i32
      %dma_wait3A_250 = arith.constant 0 : i32
      %dma_wait3A_251 = arith.constant 0 : i32
      %dma_wait3A_252 = arith.constant 0 : i32
      %dma_wait3A_253 = tpu.memref_slice %arg9[%dma_wait3A_250, %dma_wait3A_251, %dma_wait3A_252] : memref<8x125x16xf32, #tpu.memory_space<vmem>> -> memref<1x125x16xf32, #tpu.memory_space<vmem>>
      %dma_wait3A_254 = tpu.memref_squeeze %dma_wait3A_253 : memref<1x125x16xf32, #tpu.memory_space<vmem>> -> memref<125x16xf32, #tpu.memory_space<vmem>>
      %dma_wait3A_255 = arith.constant 0 : i32
      %dma_wait3A_256 = arith.constant 0 : i32
      %dma_wait3A_257 = tpu.memref_slice %arg2[%dma_wait3A_255, %dma_wait3A_256] : memref<10000x16xf32, #tpu.memory_space<hbm>> -> memref<125x16xf32, #tpu.memory_space<hbm>>
      %dma_wait3A_258 = arith.constant 0 : i32
      %dma_wait3A_259 = arith.constant 0 : i32
      %dma_wait3A_260 = tpu.memref_slice %arg9[%dma_wait3A_250, %dma_wait3A_258, %dma_wait3A_259] : memref<8x125x16xf32, #tpu.memory_space<vmem>> -> memref<1x125x16xf32, #tpu.memory_space<vmem>>
      %dma_wait3A_261 = tpu.memref_squeeze %dma_wait3A_260 : memref<1x125x16xf32, #tpu.memory_space<vmem>> -> memref<125x16xf32, #tpu.memory_space<vmem>>
      %dma_wait3A_262 = arith.constant 0 : i32
      %dma_wait3A_263 = arith.constant 0 : i32
      %dma_wait3A_264 = tpu.memref_slice %arg2[%dma_wait3A_262, %dma_wait3A_263] : memref<10000x16xf32, #tpu.memory_space<hbm>> -> memref<125x16xf32, #tpu.memory_space<hbm>>
      tpu.wait_dma2 semaphore(%arg12 : memref<!tpu.dma_semaphore, #tpu.memory_space<semaphore_mem>>) src(%dma_wait3A_264 : memref<125x16xf32, #tpu.memory_space<hbm>>) dst(%dma_wait3A_261 : memref<125x16xf32, #tpu.memory_space<vmem>>)
      %dma_wait3A_265 = arith.constant 0 : i32
      %dma_wait3A_266 = arith.constant 0 : i32
      %dma_wait3A_267 = arith.constant 0 : i32
      %dma_wait3A_268 = tpu.memref_slice %arg9[%dma_wait3A_265, %dma_wait3A_266, %dma_wait3A_267] : memref<8x125x16xf32, #tpu.memory_space<vmem>> -> memref<1x125x16xf32, #tpu.memory_space<vmem>>
      %dma_wait3A_269 = tpu.memref_squeeze %dma_wait3A_268 : memref<1x125x16xf32, #tpu.memory_space<vmem>> -> memref<125x16xf32, #tpu.memory_space<vmem>>
      %dma_wait3A_270 = arith.constant 0 : i32
      %dma_wait3A_271 = arith.constant 0 : i32
      %dma_wait3A_272 = tpu.memref_slice %arg2[%dma_wait3A_270, %dma_wait3A_271] : memref<10000x16xf32, #tpu.memory_space<hbm>> -> memref<125x16xf32, #tpu.memory_space<hbm>>
      %dma_wait3A_273 = arith.constant 0 : i32
      %dma_wait3A_274 = arith.constant 0 : i32
      %dma_wait3A_275 = tpu.memref_slice %arg9[%dma_wait3A_265, %dma_wait3A_273, %dma_wait3A_274] : memref<8x125x16xf32, #tpu.memory_space<vmem>> -> memref<1x125x16xf32, #tpu.memory_space<vmem>>
      %dma_wait3A_276 = tpu.memref_squeeze %dma_wait3A_275 : memref<1x125x16xf32, #tpu.memory_space<vmem>> -> memref<125x16xf32, #tpu.memory_space<vmem>>
      %dma_wait3A_277 = arith.constant 0 : i32
      %dma_wait3A_278 = arith.constant 0 : i32
      %dma_wait3A_279 = tpu.memref_slice %arg2[%dma_wait3A_277, %dma_wait3A_278] : memref<10000x16xf32, #tpu.memory_space<hbm>> -> memref<125x16xf32, #tpu.memory_space<hbm>>
      tpu.wait_dma2 semaphore(%arg12 : memref<!tpu.dma_semaphore, #tpu.memory_space<semaphore_mem>>) src(%dma_wait3A_279 : memref<125x16xf32, #tpu.memory_space<hbm>>) dst(%dma_wait3A_276 : memref<125x16xf32, #tpu.memory_space<vmem>>)
      %dma_wait3A_280 = arith.constant 0 : i32
      %dma_wait3A_281 = arith.constant 0 : i32
      %dma_wait3A_282 = arith.constant 0 : i32
      %dma_wait3A_283 = tpu.memref_slice %arg9[%dma_wait3A_280, %dma_wait3A_281, %dma_wait3A_282] : memref<8x125x16xf32, #tpu.memory_space<vmem>> -> memref<1x125x16xf32, #tpu.memory_space<vmem>>
      %dma_wait3A_284 = tpu.memref_squeeze %dma_wait3A_283 : memref<1x125x16xf32, #tpu.memory_space<vmem>> -> memref<125x16xf32, #tpu.memory_space<vmem>>
      %dma_wait3A_285 = arith.constant 0 : i32
      %dma_wait3A_286 = arith.constant 0 : i32
      %dma_wait3A_287 = tpu.memref_slice %arg2[%dma_wait3A_285, %dma_wait3A_286] : memref<10000x16xf32, #tpu.memory_space<hbm>> -> memref<125x16xf32, #tpu.memory_space<hbm>>
      %dma_wait3A_288 = arith.constant 0 : i32
      %dma_wait3A_289 = arith.constant 0 : i32
      %dma_wait3A_290 = tpu.memref_slice %arg9[%dma_wait3A_280, %dma_wait3A_288, %dma_wait3A_289] : memref<8x125x16xf32, #tpu.memory_space<vmem>> -> memref<1x125x16xf32, #tpu.memory_space<vmem>>
      %dma_wait3A_291 = tpu.memref_squeeze %dma_wait3A_290 : memref<1x125x16xf32, #tpu.memory_space<vmem>> -> memref<125x16xf32, #tpu.memory_space<vmem>>
      %dma_wait3A_292 = arith.constant 0 : i32
      %dma_wait3A_293 = arith.constant 0 : i32
      %dma_wait3A_294 = tpu.memref_slice %arg2[%dma_wait3A_292, %dma_wait3A_293] : memref<10000x16xf32, #tpu.memory_space<hbm>> -> memref<125x16xf32, #tpu.memory_space<hbm>>
      tpu.wait_dma2 semaphore(%arg12 : memref<!tpu.dma_semaphore, #tpu.memory_space<semaphore_mem>>) src(%dma_wait3A_294 : memref<125x16xf32, #tpu.memory_space<hbm>>) dst(%dma_wait3A_291 : memref<125x16xf32, #tpu.memory_space<vmem>>)
      %dma_wait3A_295 = arith.constant 0 : i32
      %dma_wait3A_296 = arith.constant 0 : i32
      %dma_wait3A_297 = arith.constant 0 : i32
      %dma_wait3A_298 = tpu.memref_slice %arg9[%dma_wait3A_295, %dma_wait3A_296, %dma_wait3A_297] : memref<8x125x16xf32, #tpu.memory_space<vmem>> -> memref<1x125x16xf32, #tpu.memory_space<vmem>>
      %dma_wait3A_299 = tpu.memref_squeeze %dma_wait3A_298 : memref<1x125x16xf32, #tpu.memory_space<vmem>> -> memref<125x16xf32, #tpu.memory_space<vmem>>
      %dma_wait3A_300 = arith.constant 0 : i32
      %dma_wait3A_301 = arith.constant 0 : i32
      %dma_wait3A_302 = tpu.memref_slice %arg2[%dma_wait3A_300, %dma_wait3A_301] : memref<10000x16xf32, #tpu.memory_space<hbm>> -> memref<125x16xf32, #tpu.memory_space<hbm>>
      %dma_wait3A_303 = arith.constant 0 : i32
      %dma_wait3A_304 = arith.constant 0 : i32
      %dma_wait3A_305 = tpu.memref_slice %arg9[%dma_wait3A_295, %dma_wait3A_303, %dma_wait3A_304] : memref<8x125x16xf32, #tpu.memory_space<vmem>> -> memref<1x125x16xf32, #tpu.memory_space<vmem>>
      %dma_wait3A_306 = tpu.memref_squeeze %dma_wait3A_305 : memref<1x125x16xf32, #tpu.memory_space<vmem>> -> memref<125x16xf32, #tpu.memory_space<vmem>>
      %dma_wait3A_307 = arith.constant 0 : i32
      %dma_wait3A_308 = arith.constant 0 : i32
      %dma_wait3A_309 = tpu.memref_slice %arg2[%dma_wait3A_307, %dma_wait3A_308] : memref<10000x16xf32, #tpu.memory_space<hbm>> -> memref<125x16xf32, #tpu.memory_space<hbm>>
      tpu.wait_dma2 semaphore(%arg12 : memref<!tpu.dma_semaphore, #tpu.memory_space<semaphore_mem>>) src(%dma_wait3A_309 : memref<125x16xf32, #tpu.memory_space<hbm>>) dst(%dma_wait3A_306 : memref<125x16xf32, #tpu.memory_space<vmem>>)
      %mul3A_310 = arith.constant 4 : i32
      %mul3A_311 = arith.muli %add3A_249, %mul3A_310 : i32
      %add3A_312 = arith.constant 0 : i32
      %add3A_313 = arith.addi %mul3A_311, %add3A_312 : i32
      %dma_start3A_314 = arith.constant 4 : i32
      %dma_start3A_315 = arith.constant 0 : i32
      %dma_start3A_316 = arith.constant 0 : i32
      %dma_start3A_317 = tpu.memref_slice %arg9[%dma_start3A_314, %dma_start3A_315, %dma_start3A_316] : memref<8x125x16xf32, #tpu.memory_space<vmem>> -> memref<1x125x16xf32, #tpu.memory_space<vmem>>
      %dma_start3A_318 = tpu.memref_squeeze %dma_start3A_317 : memref<1x125x16xf32, #tpu.memory_space<vmem>> -> memref<125x16xf32, #tpu.memory_space<vmem>>
      %dma_start3A_319 = arith.constant 0 : i32
      %dma_start3A_320 = tpu.memref_slice %arg8[%add3A_313, %dma_start3A_319] : memref<80x125xi32, #tpu.memory_space<vmem>> -> memref<1x125xi32, #tpu.memory_space<vmem>>
      %dma_start3A_321 = tpu.memref_squeeze %dma_start3A_320 : memref<1x125xi32, #tpu.memory_space<vmem>> -> memref<125xi32, #tpu.memory_space<vmem>>
      %dma_start3A_322 = arith.constant 0 : i32
      %dma_start3A_323 = arith.constant 0 : i32
      %dma_start3A_324 = tpu.memref_slice %arg10[%dma_start3A_322, %dma_start3A_323] : memref<10112x16xf32, #tpu.memory_space<vmem_shared>> -> memref<10112x16xf32, #tpu.memory_space<vmem_shared>>
      tpu.enqueue_indirect_dma source(%dma_start3A_318 : memref<125x16xf32, #tpu.memory_space<vmem>>) target(%dma_start3A_324 : memref<10112x16xf32, #tpu.memory_space<vmem_shared>>) offsets(%dma_start3A_321 : memref<125xi32, #tpu.memory_space<vmem>>) semaphore(%arg14 : memref<!tpu.dma_semaphore, #tpu.memory_space<semaphore_mem>>) {add = true}
      %mul3A_325 = arith.constant 4 : i32
      %mul3A_326 = arith.muli %add3A_249, %mul3A_325 : i32
      %add3A_327 = arith.constant 1 : i32
      %add3A_328 = arith.addi %mul3A_326, %add3A_327 : i32
      %dma_start3A_329 = arith.constant 5 : i32
      %dma_start3A_330 = arith.constant 0 : i32
      %dma_start3A_331 = arith.constant 0 : i32
      %dma_start3A_332 = tpu.memref_slice %arg9[%dma_start3A_329, %dma_start3A_330, %dma_start3A_331] : memref<8x125x16xf32, #tpu.memory_space<vmem>> -> memref<1x125x16xf32, #tpu.memory_space<vmem>>
      %dma_start3A_333 = tpu.memref_squeeze %dma_start3A_332 : memref<1x125x16xf32, #tpu.memory_space<vmem>> -> memref<125x16xf32, #tpu.memory_space<vmem>>
      %dma_start3A_334 = arith.constant 0 : i32
      %dma_start3A_335 = tpu.memref_slice %arg8[%add3A_328, %dma_start3A_334] : memref<80x125xi32, #tpu.memory_space<vmem>> -> memref<1x125xi32, #tpu.memory_space<vmem>>
      %dma_start3A_336 = tpu.memref_squeeze %dma_start3A_335 : memref<1x125xi32, #tpu.memory_space<vmem>> -> memref<125xi32, #tpu.memory_space<vmem>>
      %dma_start3A_337 = arith.constant 0 : i32
      %dma_start3A_338 = arith.constant 0 : i32
      %dma_start3A_339 = tpu.memref_slice %arg10[%dma_start3A_337, %dma_start3A_338] : memref<10112x16xf32, #tpu.memory_space<vmem_shared>> -> memref<10112x16xf32, #tpu.memory_space<vmem_shared>>
      tpu.enqueue_indirect_dma source(%dma_start3A_333 : memref<125x16xf32, #tpu.memory_space<vmem>>) target(%dma_start3A_339 : memref<10112x16xf32, #tpu.memory_space<vmem_shared>>) offsets(%dma_start3A_336 : memref<125xi32, #tpu.memory_space<vmem>>) semaphore(%arg14 : memref<!tpu.dma_semaphore, #tpu.memory_space<semaphore_mem>>) {add = true}
      %mul3A_340 = arith.constant 4 : i32
      %mul3A_341 = arith.muli %add3A_249, %mul3A_340 : i32
      %add3A_342 = arith.constant 2 : i32
      %add3A_343 = arith.addi %mul3A_341, %add3A_342 : i32
      %dma_start3A_344 = arith.constant 6 : i32
      %dma_start3A_345 = arith.constant 0 : i32
      %dma_start3A_346 = arith.constant 0 : i32
      %dma_start3A_347 = tpu.memref_slice %arg9[%dma_start3A_344, %dma_start3A_345, %dma_start3A_346] : memref<8x125x16xf32, #tpu.memory_space<vmem>> -> memref<1x125x16xf32, #tpu.memory_space<vmem>>
      %dma_start3A_348 = tpu.memref_squeeze %dma_start3A_347 : memref<1x125x16xf32, #tpu.memory_space<vmem>> -> memref<125x16xf32, #tpu.memory_space<vmem>>
      %dma_start3A_349 = arith.constant 0 : i32
      %dma_start3A_350 = tpu.memref_slice %arg8[%add3A_343, %dma_start3A_349] : memref<80x125xi32, #tpu.memory_space<vmem>> -> memref<1x125xi32, #tpu.memory_space<vmem>>
      %dma_start3A_351 = tpu.memref_squeeze %dma_start3A_350 : memref<1x125xi32, #tpu.memory_space<vmem>> -> memref<125xi32, #tpu.memory_space<vmem>>
      %dma_start3A_352 = arith.constant 0 : i32
      %dma_start3A_353 = arith.constant 0 : i32
      %dma_start3A_354 = tpu.memref_slice %arg10[%dma_start3A_352, %dma_start3A_353] : memref<10112x16xf32, #tpu.memory_space<vmem_shared>> -> memref<10112x16xf32, #tpu.memory_space<vmem_shared>>
      tpu.enqueue_indirect_dma source(%dma_start3A_348 : memref<125x16xf32, #tpu.memory_space<vmem>>) target(%dma_start3A_354 : memref<10112x16xf32, #tpu.memory_space<vmem_shared>>) offsets(%dma_start3A_351 : memref<125xi32, #tpu.memory_space<vmem>>) semaphore(%arg14 : memref<!tpu.dma_semaphore, #tpu.memory_space<semaphore_mem>>) {add = true}
      %mul3A_355 = arith.constant 4 : i32
      %mul3A_356 = arith.muli %add3A_249, %mul3A_355 : i32
      %add3A_357 = arith.constant 3 : i32
      %add3A_358 = arith.addi %mul3A_356, %add3A_357 : i32
      %dma_start3A_359 = arith.constant 7 : i32
      %dma_start3A_360 = arith.constant 0 : i32
      %dma_start3A_361 = arith.constant 0 : i32
      %dma_start3A_362 = tpu.memref_slice %arg9[%dma_start3A_359, %dma_start3A_360, %dma_start3A_361] : memref<8x125x16xf32, #tpu.memory_space<vmem>> -> memref<1x125x16xf32, #tpu.memory_space<vmem>>
      %dma_start3A_363 = tpu.memref_squeeze %dma_start3A_362 : memref<1x125x16xf32, #tpu.memory_space<vmem>> -> memref<125x16xf32, #tpu.memory_space<vmem>>
      %dma_start3A_364 = arith.constant 0 : i32
      %dma_start3A_365 = tpu.memref_slice %arg8[%add3A_358, %dma_start3A_364] : memref<80x125xi32, #tpu.memory_space<vmem>> -> memref<1x125xi32, #tpu.memory_space<vmem>>
      %dma_start3A_366 = tpu.memref_squeeze %dma_start3A_365 : memref<1x125xi32, #tpu.memory_space<vmem>> -> memref<125xi32, #tpu.memory_space<vmem>>
      %dma_start3A_367 = arith.constant 0 : i32
      %dma_start3A_368 = arith.constant 0 : i32
      %dma_start3A_369 = tpu.memref_slice %arg10[%dma_start3A_367, %dma_start3A_368] : memref<10112x16xf32, #tpu.memory_space<vmem_shared>> -> memref<10112x16xf32, #tpu.memory_space<vmem_shared>>
      tpu.enqueue_indirect_dma source(%dma_start3A_363 : memref<125x16xf32, #tpu.memory_space<vmem>>) target(%dma_start3A_369 : memref<10112x16xf32, #tpu.memory_space<vmem_shared>>) offsets(%dma_start3A_366 : memref<125xi32, #tpu.memory_space<vmem>>) semaphore(%arg14 : memref<!tpu.dma_semaphore, #tpu.memory_space<semaphore_mem>>) {add = true}
      %add3A_370 = arith.constant 1 : i32
      %add3A_371 = arith.addi %add3A_249, %add3A_370 : i32
      %lt3A_372 = arith.constant 20 : i32
      %lt3A_373 = arith.cmpi slt, %add3A_371, %lt3A_372 : i32
      %convert_element_type3A_374 = arith.extui %lt3A_373 : i1 to i32
      %cond3A_375 = arith.constant 0 : i32
      %cond3A_376 = arith.cmpi ne, %convert_element_type3A_374, %cond3A_375 : i32
      scf.if %cond3A_376 {
        %add3A_437 = arith.constant 1 : i32
        %add3A_438 = arith.addi %add3A_249, %add3A_437 : i32
        %mul3A_439 = arith.constant 4 : i32
        %mul3A_440 = arith.muli %add3A_438, %mul3A_439 : i32
        %add3A_441 = arith.constant 0 : i32
        %add3A_442 = arith.addi %mul3A_440, %add3A_441 : i32
        %dma_start3A_443 = arith.constant 0 : i32
        %dma_start3A_444 = arith.constant 0 : i32
        %dma_start3A_445 = arith.constant 0 : i32
        %dma_start3A_446 = tpu.memref_slice %arg9[%dma_start3A_443, %dma_start3A_444, %dma_start3A_445] : memref<8x125x16xf32, #tpu.memory_space<vmem>> -> memref<1x125x16xf32, #tpu.memory_space<vmem>>
        %dma_start3A_447 = tpu.memref_squeeze %dma_start3A_446 : memref<1x125x16xf32, #tpu.memory_space<vmem>> -> memref<125x16xf32, #tpu.memory_space<vmem>>
        %dma_start3A_448 = arith.constant 0 : i32
        %dma_start3A_449 = tpu.memref_slice %arg7[%add3A_442, %dma_start3A_448] : memref<80x125xi32, #tpu.memory_space<vmem>> -> memref<1x125xi32, #tpu.memory_space<vmem>>
        %dma_start3A_450 = tpu.memref_squeeze %dma_start3A_449 : memref<1x125xi32, #tpu.memory_space<vmem>> -> memref<125xi32, #tpu.memory_space<vmem>>
        %dma_start3A_451 = arith.constant 0 : i32
        %dma_start3A_452 = arith.constant 0 : i32
        %dma_start3A_453 = tpu.memref_slice %arg2[%dma_start3A_451, %dma_start3A_452] : memref<10000x16xf32, #tpu.memory_space<hbm>> -> memref<10000x16xf32, #tpu.memory_space<hbm>>
        tpu.enqueue_indirect_dma source(%dma_start3A_453 : memref<10000x16xf32, #tpu.memory_space<hbm>>) target(%dma_start3A_447 : memref<125x16xf32, #tpu.memory_space<vmem>>) offsets(%dma_start3A_450 : memref<125xi32, #tpu.memory_space<vmem>>) semaphore(%arg11 : memref<!tpu.dma_semaphore, #tpu.memory_space<semaphore_mem>>)
        %mul3A_454 = arith.constant 4 : i32
        %mul3A_455 = arith.muli %add3A_438, %mul3A_454 : i32
        %add3A_456 = arith.constant 1 : i32
        %add3A_457 = arith.addi %mul3A_455, %add3A_456 : i32
        %dma_start3A_458 = arith.constant 1 : i32
        %dma_start3A_459 = arith.constant 0 : i32
        %dma_start3A_460 = arith.constant 0 : i32
        %dma_start3A_461 = tpu.memref_slice %arg9[%dma_start3A_458, %dma_start3A_459, %dma_start3A_460] : memref<8x125x16xf32, #tpu.memory_space<vmem>> -> memref<1x125x16xf32, #tpu.memory_space<vmem>>
        %dma_start3A_462 = tpu.memref_squeeze %dma_start3A_461 : memref<1x125x16xf32, #tpu.memory_space<vmem>> -> memref<125x16xf32, #tpu.memory_space<vmem>>
        %dma_start3A_463 = arith.constant 0 : i32
        %dma_start3A_464 = tpu.memref_slice %arg7[%add3A_457, %dma_start3A_463] : memref<80x125xi32, #tpu.memory_space<vmem>> -> memref<1x125xi32, #tpu.memory_space<vmem>>
        %dma_start3A_465 = tpu.memref_squeeze %dma_start3A_464 : memref<1x125xi32, #tpu.memory_space<vmem>> -> memref<125xi32, #tpu.memory_space<vmem>>
        %dma_start3A_466 = arith.constant 0 : i32
        %dma_start3A_467 = arith.constant 0 : i32
        %dma_start3A_468 = tpu.memref_slice %arg2[%dma_start3A_466, %dma_start3A_467] : memref<10000x16xf32, #tpu.memory_space<hbm>> -> memref<10000x16xf32, #tpu.memory_space<hbm>>
        tpu.enqueue_indirect_dma source(%dma_start3A_468 : memref<10000x16xf32, #tpu.memory_space<hbm>>) target(%dma_start3A_462 : memref<125x16xf32, #tpu.memory_space<vmem>>) offsets(%dma_start3A_465 : memref<125xi32, #tpu.memory_space<vmem>>) semaphore(%arg11 : memref<!tpu.dma_semaphore, #tpu.memory_space<semaphore_mem>>)
        %mul3A_469 = arith.constant 4 : i32
        %mul3A_470 = arith.muli %add3A_438, %mul3A_469 : i32
        %add3A_471 = arith.constant 2 : i32
        %add3A_472 = arith.addi %mul3A_470, %add3A_471 : i32
        %dma_start3A_473 = arith.constant 2 : i32
        %dma_start3A_474 = arith.constant 0 : i32
        %dma_start3A_475 = arith.constant 0 : i32
        %dma_start3A_476 = tpu.memref_slice %arg9[%dma_start3A_473, %dma_start3A_474, %dma_start3A_475] : memref<8x125x16xf32, #tpu.memory_space<vmem>> -> memref<1x125x16xf32, #tpu.memory_space<vmem>>
        %dma_start3A_477 = tpu.memref_squeeze %dma_start3A_476 : memref<1x125x16xf32, #tpu.memory_space<vmem>> -> memref<125x16xf32, #tpu.memory_space<vmem>>
        %dma_start3A_478 = arith.constant 0 : i32
        %dma_start3A_479 = tpu.memref_slice %arg7[%add3A_472, %dma_start3A_478] : memref<80x125xi32, #tpu.memory_space<vmem>> -> memref<1x125xi32, #tpu.memory_space<vmem>>
        %dma_start3A_480 = tpu.memref_squeeze %dma_start3A_479 : memref<1x125xi32, #tpu.memory_space<vmem>> -> memref<125xi32, #tpu.memory_space<vmem>>
        %dma_start3A_481 = arith.constant 0 : i32
        %dma_start3A_482 = arith.constant 0 : i32
        %dma_start3A_483 = tpu.memref_slice %arg2[%dma_start3A_481, %dma_start3A_482] : memref<10000x16xf32, #tpu.memory_space<hbm>> -> memref<10000x16xf32, #tpu.memory_space<hbm>>
        tpu.enqueue_indirect_dma source(%dma_start3A_483 : memref<10000x16xf32, #tpu.memory_space<hbm>>) target(%dma_start3A_477 : memref<125x16xf32, #tpu.memory_space<vmem>>) offsets(%dma_start3A_480 : memref<125xi32, #tpu.memory_space<vmem>>) semaphore(%arg11 : memref<!tpu.dma_semaphore, #tpu.memory_space<semaphore_mem>>)
        %mul3A_484 = arith.constant 4 : i32
        %mul3A_485 = arith.muli %add3A_438, %mul3A_484 : i32
        %add3A_486 = arith.constant 3 : i32
        %add3A_487 = arith.addi %mul3A_485, %add3A_486 : i32
        %dma_start3A_488 = arith.constant 3 : i32
        %dma_start3A_489 = arith.constant 0 : i32
        %dma_start3A_490 = arith.constant 0 : i32
        %dma_start3A_491 = tpu.memref_slice %arg9[%dma_start3A_488, %dma_start3A_489, %dma_start3A_490] : memref<8x125x16xf32, #tpu.memory_space<vmem>> -> memref<1x125x16xf32, #tpu.memory_space<vmem>>
        %dma_start3A_492 = tpu.memref_squeeze %dma_start3A_491 : memref<1x125x16xf32, #tpu.memory_space<vmem>> -> memref<125x16xf32, #tpu.memory_space<vmem>>
        %dma_start3A_493 = arith.constant 0 : i32
        %dma_start3A_494 = tpu.memref_slice %arg7[%add3A_487, %dma_start3A_493] : memref<80x125xi32, #tpu.memory_space<vmem>> -> memref<1x125xi32, #tpu.memory_space<vmem>>
        %dma_start3A_495 = tpu.memref_squeeze %dma_start3A_494 : memref<1x125xi32, #tpu.memory_space<vmem>> -> memref<125xi32, #tpu.memory_space<vmem>>
        %dma_start3A_496 = arith.constant 0 : i32
        %dma_start3A_497 = arith.constant 0 : i32
        %dma_start3A_498 = tpu.memref_slice %arg2[%dma_start3A_496, %dma_start3A_497] : memref<10000x16xf32, #tpu.memory_space<hbm>> -> memref<10000x16xf32, #tpu.memory_space<hbm>>
        tpu.enqueue_indirect_dma source(%dma_start3A_498 : memref<10000x16xf32, #tpu.memory_space<hbm>>) target(%dma_start3A_492 : memref<125x16xf32, #tpu.memory_space<vmem>>) offsets(%dma_start3A_495 : memref<125xi32, #tpu.memory_space<vmem>>) semaphore(%arg11 : memref<!tpu.dma_semaphore, #tpu.memory_space<semaphore_mem>>)
      } else {
      }
      %dma_wait3A_377 = arith.constant 0 : i32
      %dma_wait3A_378 = arith.constant 0 : i32
      %dma_wait3A_379 = arith.constant 0 : i32
      %dma_wait3A_380 = tpu.memref_slice %arg9[%dma_wait3A_377, %dma_wait3A_378, %dma_wait3A_379] : memref<8x125x16xf32, #tpu.memory_space<vmem>> -> memref<1x125x16xf32, #tpu.memory_space<vmem>>
      %dma_wait3A_381 = tpu.memref_squeeze %dma_wait3A_380 : memref<1x125x16xf32, #tpu.memory_space<vmem>> -> memref<125x16xf32, #tpu.memory_space<vmem>>
      %dma_wait3A_382 = arith.constant 0 : i32
      %dma_wait3A_383 = arith.constant 0 : i32
      %dma_wait3A_384 = tpu.memref_slice %arg2[%dma_wait3A_382, %dma_wait3A_383] : memref<10000x16xf32, #tpu.memory_space<hbm>> -> memref<125x16xf32, #tpu.memory_space<hbm>>
      %dma_wait3A_385 = arith.constant 0 : i32
      %dma_wait3A_386 = arith.constant 0 : i32
      %dma_wait3A_387 = tpu.memref_slice %arg9[%dma_wait3A_377, %dma_wait3A_385, %dma_wait3A_386] : memref<8x125x16xf32, #tpu.memory_space<vmem>> -> memref<1x125x16xf32, #tpu.memory_space<vmem>>
      %dma_wait3A_388 = tpu.memref_squeeze %dma_wait3A_387 : memref<1x125x16xf32, #tpu.memory_space<vmem>> -> memref<125x16xf32, #tpu.memory_space<vmem>>
      %dma_wait3A_389 = arith.constant 0 : i32
      %dma_wait3A_390 = arith.constant 0 : i32
      %dma_wait3A_391 = tpu.memref_slice %arg2[%dma_wait3A_389, %dma_wait3A_390] : memref<10000x16xf32, #tpu.memory_space<hbm>> -> memref<125x16xf32, #tpu.memory_space<hbm>>
      tpu.wait_dma2 semaphore(%arg14 : memref<!tpu.dma_semaphore, #tpu.memory_space<semaphore_mem>>) src(%dma_wait3A_391 : memref<125x16xf32, #tpu.memory_space<hbm>>) dst(%dma_wait3A_388 : memref<125x16xf32, #tpu.memory_space<vmem>>)
      %dma_wait3A_392 = arith.constant 0 : i32
      %dma_wait3A_393 = arith.constant 0 : i32
      %dma_wait3A_394 = arith.constant 0 : i32
      %dma_wait3A_395 = tpu.memref_slice %arg9[%dma_wait3A_392, %dma_wait3A_393, %dma_wait3A_394] : memref<8x125x16xf32, #tpu.memory_space<vmem>> -> memref<1x125x16xf32, #tpu.memory_space<vmem>>
      %dma_wait3A_396 = tpu.memref_squeeze %dma_wait3A_395 : memref<1x125x16xf32, #tpu.memory_space<vmem>> -> memref<125x16xf32, #tpu.memory_space<vmem>>
      %dma_wait3A_397 = arith.constant 0 : i32
      %dma_wait3A_398 = arith.constant 0 : i32
      %dma_wait3A_399 = tpu.memref_slice %arg2[%dma_wait3A_397, %dma_wait3A_398] : memref<10000x16xf32, #tpu.memory_space<hbm>> -> memref<125x16xf32, #tpu.memory_space<hbm>>
      %dma_wait3A_400 = arith.constant 0 : i32
      %dma_wait3A_401 = arith.constant 0 : i32
      %dma_wait3A_402 = tpu.memref_slice %arg9[%dma_wait3A_392, %dma_wait3A_400, %dma_wait3A_401] : memref<8x125x16xf32, #tpu.memory_space<vmem>> -> memref<1x125x16xf32, #tpu.memory_space<vmem>>
      %dma_wait3A_403 = tpu.memref_squeeze %dma_wait3A_402 : memref<1x125x16xf32, #tpu.memory_space<vmem>> -> memref<125x16xf32, #tpu.memory_space<vmem>>
      %dma_wait3A_404 = arith.constant 0 : i32
      %dma_wait3A_405 = arith.constant 0 : i32
      %dma_wait3A_406 = tpu.memref_slice %arg2[%dma_wait3A_404, %dma_wait3A_405] : memref<10000x16xf32, #tpu.memory_space<hbm>> -> memref<125x16xf32, #tpu.memory_space<hbm>>
      tpu.wait_dma2 semaphore(%arg14 : memref<!tpu.dma_semaphore, #tpu.memory_space<semaphore_mem>>) src(%dma_wait3A_406 : memref<125x16xf32, #tpu.memory_space<hbm>>) dst(%dma_wait3A_403 : memref<125x16xf32, #tpu.memory_space<vmem>>)
      %dma_wait3A_407 = arith.constant 0 : i32
      %dma_wait3A_408 = arith.constant 0 : i32
      %dma_wait3A_409 = arith.constant 0 : i32
      %dma_wait3A_410 = tpu.memref_slice %arg9[%dma_wait3A_407, %dma_wait3A_408, %dma_wait3A_409] : memref<8x125x16xf32, #tpu.memory_space<vmem>> -> memref<1x125x16xf32, #tpu.memory_space<vmem>>
      %dma_wait3A_411 = tpu.memref_squeeze %dma_wait3A_410 : memref<1x125x16xf32, #tpu.memory_space<vmem>> -> memref<125x16xf32, #tpu.memory_space<vmem>>
      %dma_wait3A_412 = arith.constant 0 : i32
      %dma_wait3A_413 = arith.constant 0 : i32
      %dma_wait3A_414 = tpu.memref_slice %arg2[%dma_wait3A_412, %dma_wait3A_413] : memref<10000x16xf32, #tpu.memory_space<hbm>> -> memref<125x16xf32, #tpu.memory_space<hbm>>
      %dma_wait3A_415 = arith.constant 0 : i32
      %dma_wait3A_416 = arith.constant 0 : i32
      %dma_wait3A_417 = tpu.memref_slice %arg9[%dma_wait3A_407, %dma_wait3A_415, %dma_wait3A_416] : memref<8x125x16xf32, #tpu.memory_space<vmem>> -> memref<1x125x16xf32, #tpu.memory_space<vmem>>
      %dma_wait3A_418 = tpu.memref_squeeze %dma_wait3A_417 : memref<1x125x16xf32, #tpu.memory_space<vmem>> -> memref<125x16xf32, #tpu.memory_space<vmem>>
      %dma_wait3A_419 = arith.constant 0 : i32
      %dma_wait3A_420 = arith.constant 0 : i32
      %dma_wait3A_421 = tpu.memref_slice %arg2[%dma_wait3A_419, %dma_wait3A_420] : memref<10000x16xf32, #tpu.memory_space<hbm>> -> memref<125x16xf32, #tpu.memory_space<hbm>>
      tpu.wait_dma2 semaphore(%arg14 : memref<!tpu.dma_semaphore, #tpu.memory_space<semaphore_mem>>) src(%dma_wait3A_421 : memref<125x16xf32, #tpu.memory_space<hbm>>) dst(%dma_wait3A_418 : memref<125x16xf32, #tpu.memory_space<vmem>>)
      %dma_wait3A_422 = arith.constant 0 : i32
      %dma_wait3A_423 = arith.constant 0 : i32
      %dma_wait3A_424 = arith.constant 0 : i32
      %dma_wait3A_425 = tpu.memref_slice %arg9[%dma_wait3A_422, %dma_wait3A_423, %dma_wait3A_424] : memref<8x125x16xf32, #tpu.memory_space<vmem>> -> memref<1x125x16xf32, #tpu.memory_space<vmem>>
      %dma_wait3A_426 = tpu.memref_squeeze %dma_wait3A_425 : memref<1x125x16xf32, #tpu.memory_space<vmem>> -> memref<125x16xf32, #tpu.memory_space<vmem>>
      %dma_wait3A_427 = arith.constant 0 : i32
      %dma_wait3A_428 = arith.constant 0 : i32
      %dma_wait3A_429 = tpu.memref_slice %arg2[%dma_wait3A_427, %dma_wait3A_428] : memref<10000x16xf32, #tpu.memory_space<hbm>> -> memref<125x16xf32, #tpu.memory_space<hbm>>
      %dma_wait3A_430 = arith.constant 0 : i32
      %dma_wait3A_431 = arith.constant 0 : i32
      %dma_wait3A_432 = tpu.memref_slice %arg9[%dma_wait3A_422, %dma_wait3A_430, %dma_wait3A_431] : memref<8x125x16xf32, #tpu.memory_space<vmem>> -> memref<1x125x16xf32, #tpu.memory_space<vmem>>
      %dma_wait3A_433 = tpu.memref_squeeze %dma_wait3A_432 : memref<1x125x16xf32, #tpu.memory_space<vmem>> -> memref<125x16xf32, #tpu.memory_space<vmem>>
      %dma_wait3A_434 = arith.constant 0 : i32
      %dma_wait3A_435 = arith.constant 0 : i32
      %dma_wait3A_436 = tpu.memref_slice %arg2[%dma_wait3A_434, %dma_wait3A_435] : memref<10000x16xf32, #tpu.memory_space<hbm>> -> memref<125x16xf32, #tpu.memory_space<hbm>>
      tpu.wait_dma2 semaphore(%arg14 : memref<!tpu.dma_semaphore, #tpu.memory_space<semaphore_mem>>) src(%dma_wait3A_436 : memref<125x16xf32, #tpu.memory_space<hbm>>) dst(%dma_wait3A_433 : memref<125x16xf32, #tpu.memory_space<vmem>>)
    }
    %scan3A_58 = arith.constant 10 : i32
    %barrier3A_59 = arith.constant 0 : index
    tpu.barrier barrier_id(%barrier3A_59)
    "tpu.region"() ({
      %run_scoped3A = tpu.sem_alloc : memref<!tpu.dma_semaphore, #tpu.memory_space<semaphore_mem>>
      %dma_start3A_60 = arith.constant 0 : i32
      %dma_start3A_61 = tpu.memref_slice %arg6[%arg0, %mul3A_2, %dma_start3A_60] : memref<2x10112x16xf32, #tpu.memory_space<hbm>> -> memref<1x632x16xf32, #tpu.memory_space<hbm>>
      %dma_start3A_62 = tpu.memref_squeeze %dma_start3A_61 : memref<1x632x16xf32, #tpu.memory_space<hbm>> -> memref<632x16xf32, #tpu.memory_space<hbm>>
      %dma_start3A_63 = arith.constant 0 : i32
      %dma_start3A_64 = tpu.memref_slice %arg10[%mul3A_2, %dma_start3A_63] : memref<10112x16xf32, #tpu.memory_space<vmem_shared>> -> memref<632x16xf32, #tpu.memory_space<vmem_shared>>
      tpu.enqueue_dma source(%dma_start3A_64 : memref<632x16xf32, #tpu.memory_space<vmem_shared>>) target(%dma_start3A_62 : memref<632x16xf32, #tpu.memory_space<hbm>>) target_semaphore(%run_scoped3A : memref<!tpu.dma_semaphore, #tpu.memory_space<semaphore_mem>>)
      %dma_wait3A = arith.constant 0 : i32
      %dma_wait3A_65 = tpu.memref_slice %arg6[%arg0, %mul3A_2, %dma_wait3A] : memref<2x10112x16xf32, #tpu.memory_space<hbm>> -> memref<1x632x16xf32, #tpu.memory_space<hbm>>
      %dma_wait3A_66 = tpu.memref_squeeze %dma_wait3A_65 : memref<1x632x16xf32, #tpu.memory_space<hbm>> -> memref<632x16xf32, #tpu.memory_space<hbm>>
      %dma_wait3A_67 = arith.constant 0 : i32
      %dma_wait3A_68 = tpu.memref_slice %arg10[%mul3A_2, %dma_wait3A_67] : memref<10112x16xf32, #tpu.memory_space<vmem_shared>> -> memref<632x16xf32, #tpu.memory_space<vmem_shared>>
      tpu.wait_dma2 semaphore(%run_scoped3A : memref<!tpu.dma_semaphore, #tpu.memory_space<semaphore_mem>>) src(%dma_wait3A_68 : memref<632x16xf32, #tpu.memory_space<vmem_shared>>) dst(%dma_wait3A_66 : memref<632x16xf32, #tpu.memory_space<hbm>>)
      tpu.yield
    }) : () -> ()
    return
  }
}

module attributes {stable_mosaic.version = 14 : i64} {
  func.func @body(%arg0: i32, %arg1: memref<2000x128xf32, #tpu.memory_space<vmem>>, %arg2: memref<128x16xf32, #tpu.memory_space<vmem>>, %arg3: memref<128x16xf32, #tpu.memory_space<vmem>>, %arg4: memref<2000x16xf32, #tpu.memory_space<vmem>>, %arg5: memref<2000x16xf32, #tpu.memory_space<vmem>>) attributes {dimension_semantics = [#tpu.dimension_semantics<arbitrary>], iteration_bounds = array<i64: 5>, scalar_prefetch = 0 : i64, scratch_operands = 0 : i64, tpu.core_type = #tpu.core_type<tc>, window_params = [{transform_indices = @transform_0, window_bounds = array<i64: 2000, 128>}, {pipeline_mode = #tpu.pipeline_mode<synchronous>, transform_indices = @transform_1, window_bounds = array<i64: 128, 16>}, {pipeline_mode = #tpu.pipeline_mode<synchronous>, transform_indices = @transform_2, window_bounds = array<i64: 128, 16>}, {transform_indices = @transform_3, window_bounds = array<i64: 2000, 16>}, {transform_indices = @transform_4, window_bounds = array<i64: 2000, 16>}]} {
    %get3A = arith.constant 0 : index
    %get3A_0 = arith.constant 0 : index
    %get3A_1 = vector.load %arg1[%get3A, %get3A_0] : memref<2000x128xf32, #tpu.memory_space<vmem>>, vector<2000x128xf32>
    %get3A_2 = arith.constant 0 : index
    %get3A_3 = arith.constant 0 : index
    %get3A_4 = vector.load %arg2[%get3A_2, %get3A_3] : memref<128x16xf32, #tpu.memory_space<vmem>>, vector<128x16xf32>
    %dot_general3A = arith.constant dense<0.000000e+00> : vector<2000x16xf32>
    %dot_general3A_5 = tpu.matmul %get3A_1, %get3A_4, %dot_general3A {dimension_numbers = #tpu.dot_dimension_numbers<[1], [0], [0], [1], [0, 0, 1, 1], [], []>, transpose_lhs_hint = false} : vector<2000x128xf32>, vector<128x16xf32>, vector<2000x16xf32> -> vector<2000x16xf32>
    %swap3A = arith.constant 0 : index
    %swap3A_6 = arith.constant 0 : index
    %swap3A_7 = vector.load %arg4[%swap3A, %swap3A_6] : memref<2000x16xf32, #tpu.memory_space<vmem>>, vector<2000x16xf32>
    tpu.vector_store %arg4[%swap3A, %swap3A_6], %dot_general3A_5 {strides = array<i32>} : memref<2000x16xf32, #tpu.memory_space<vmem>>, vector<2000x16xf32>,
    %get3A_8 = arith.constant 0 : index
    %get3A_9 = arith.constant 0 : index
    %get3A_10 = vector.load %arg3[%get3A_8, %get3A_9] : memref<128x16xf32, #tpu.memory_space<vmem>>, vector<128x16xf32>
    %dot_general3A_11 = arith.constant dense<0.000000e+00> : vector<2000x16xf32>
    %dot_general3A_12 = tpu.matmul %get3A_1, %get3A_10, %dot_general3A_11 {dimension_numbers = #tpu.dot_dimension_numbers<[1], [0], [0], [1], [0, 0, 1, 1], [], []>, transpose_lhs_hint = false} : vector<2000x128xf32>, vector<128x16xf32>, vector<2000x16xf32> -> vector<2000x16xf32>
    %swap3A_13 = arith.constant 0 : index
    %swap3A_14 = arith.constant 0 : index
    %swap3A_15 = vector.load %arg5[%swap3A_13, %swap3A_14] : memref<2000x16xf32, #tpu.memory_space<vmem>>, vector<2000x16xf32>
    tpu.vector_store %arg5[%swap3A_13, %swap3A_14], %dot_general3A_12 {strides = array<i32>} : memref<2000x16xf32, #tpu.memory_space<vmem>>, vector<2000x16xf32>,
    return
  }
  func.func @transform_0(%arg0: i32) -> (i32, i32) {
    %c0_i32 = arith.constant 0 : i32
    %c0_i32_0 = arith.constant 0 : i32
    return %arg0, %c0_i32 : i32, i32
  }
  func.func @transform_1(%arg0: i32) -> (i32, i32) {
    %c0_i32 = arith.constant 0 : i32
    %c0_i32_0 = arith.constant 0 : i32
    %c0_i32_1 = arith.constant 0 : i32
    return %c0_i32, %c0_i32_0 : i32, i32
  }
  func.func @transform_2(%arg0: i32) -> (i32, i32) {
    %c0_i32 = arith.constant 0 : i32
    %c0_i32_0 = arith.constant 0 : i32
    %c0_i32_1 = arith.constant 0 : i32
    return %c0_i32, %c0_i32_0 : i32, i32
  }
  func.func @transform_3(%arg0: i32) -> (i32, i32) {
    %c0_i32 = arith.constant 0 : i32
    %c0_i32_0 = arith.constant 0 : i32
    return %arg0, %c0_i32 : i32, i32
  }
  func.func @transform_4(%arg0: i32) -> (i32, i32) {
    %c0_i32 = arith.constant 0 : i32
    %c0_i32_0 = arith.constant 0 : i32
    return %arg0, %c0_i32 : i32, i32
  }
}

module attributes {stable_mosaic.version = 14 : i64} {
  func.func @body(%arg0: i32, %arg1: memref<2000x16xf32, #tpu.memory_space<vmem>>, %arg2: memref<2x2000x16xf32, #tpu.memory_space<vmem>>, %arg3: memref<2x2000x16xf32, #tpu.memory_space<vmem>>, %arg4: memref<1x16xf32, #tpu.memory_space<vmem>>, %arg5: memref<2000x16xf32, #tpu.memory_space<vmem>>, %arg6: memref<2000x16xf32, #tpu.memory_space<vmem>>) attributes {dimension_semantics = [#tpu.dimension_semantics<arbitrary>], iteration_bounds = array<i64: 5>, scalar_prefetch = 0 : i64, scratch_operands = 0 : i64, tpu.core_type = #tpu.core_type<tc>, window_params = [{transform_indices = @transform_0, window_bounds = array<i64: 2000, 16>}, {transform_indices = @transform_1, window_bounds = array<i64: 2, 2000, 16>}, {transform_indices = @transform_2, window_bounds = array<i64: 2, 2000, 16>}, {pipeline_mode = #tpu.pipeline_mode<synchronous>, transform_indices = @transform_3, window_bounds = array<i64: 1, 16>}, {transform_indices = @transform_4, window_bounds = array<i64: 2000, 16>}, {transform_indices = @transform_5, window_bounds = array<i64: 2000, 16>}]} {
    %get3A = arith.constant 0 : index
    %get3A_0 = arith.constant 0 : index
    %get3A_1 = arith.constant 0 : index
    %get3A_2 = vector.load %arg2[%get3A, %get3A_0, %get3A_1] : memref<2x2000x16xf32, #tpu.memory_space<vmem>>, vector<1x2000x16xf32>
    %get3A_3 = vector.shape_cast %get3A_2 : vector<1x2000x16xf32> to vector<2000x16xf32>
    %get3A_4 = arith.constant 1 : index
    %get3A_5 = arith.constant 0 : index
    %get3A_6 = arith.constant 0 : index
    %get3A_7 = vector.load %arg2[%get3A_4, %get3A_5, %get3A_6] : memref<2x2000x16xf32, #tpu.memory_space<vmem>>, vector<1x2000x16xf32>
    %get3A_8 = vector.shape_cast %get3A_7 : vector<1x2000x16xf32> to vector<2000x16xf32>
    %add3A = arith.addf %get3A_3, %get3A_8 : vector<2000x16xf32>
    %get3A_9 = arith.constant 0 : index
    %get3A_10 = arith.constant 0 : index
    %get3A_11 = arith.constant 0 : index
    %get3A_12 = vector.load %arg3[%get3A_9, %get3A_10, %get3A_11] : memref<2x2000x16xf32, #tpu.memory_space<vmem>>, vector<1x2000x16xf32>
    %get3A_13 = vector.shape_cast %get3A_12 : vector<1x2000x16xf32> to vector<2000x16xf32>
    %get3A_14 = arith.constant 1 : index
    %get3A_15 = arith.constant 0 : index
    %get3A_16 = arith.constant 0 : index
    %get3A_17 = vector.load %arg3[%get3A_14, %get3A_15, %get3A_16] : memref<2x2000x16xf32, #tpu.memory_space<vmem>>, vector<1x2000x16xf32>
    %get3A_18 = vector.shape_cast %get3A_17 : vector<1x2000x16xf32> to vector<2000x16xf32>
    %add3A_19 = arith.addf %get3A_13, %get3A_18 : vector<2000x16xf32>
    %max3A = arith.constant 1.000000e+00 : f32
    %max3A_20 = vector.broadcast %max3A : f32 to vector<2000x16xf32>
    %max3A_21 = arith.maximumf %add3A_19, %max3A_20 : vector<2000x16xf32>
    %div3A = arith.constant 1.000000e+00 : f32
    %div3A_22 = vector.broadcast %div3A : f32 to vector<2000x16xf32>
    %div3A_23 = arith.divf %div3A_22, %max3A_21 : vector<2000x16xf32>
    %get3A_24 = arith.constant 0 : index
    %get3A_25 = arith.constant 0 : index
    %get3A_26 = vector.load %arg1[%get3A_24, %get3A_25] : memref<2000x16xf32, #tpu.memory_space<vmem>>, vector<2000x16xf32>
    %mul3A = arith.mulf %add3A, %div3A_23 : vector<2000x16xf32>
    %add3A_27 = arith.addf %get3A_26, %mul3A : vector<2000x16xf32>
    %get3A_28 = arith.constant 0 : index
    %get3A_29 = arith.constant 0 : index
    %get3A_30 = vector.load %arg4[%get3A_28, %get3A_29] : memref<1x16xf32, #tpu.memory_space<vmem>>, vector<1x16xf32>
    %add3A_31 = vector.broadcast %get3A_30 : vector<1x16xf32> to vector<2000x16xf32>
    %add3A_32 = arith.addf %add3A_27, %add3A_31 : vector<2000x16xf32>
    %max3A_33 = arith.constant 0.000000e+00 : f32
    %max3A_34 = vector.broadcast %max3A_33 : f32 to vector<2000x16xf32>
    %max3A_35 = arith.maximumf %add3A_32, %max3A_34 : vector<2000x16xf32>
    %swap3A = arith.constant 0 : index
    %swap3A_36 = arith.constant 0 : index
    %swap3A_37 = vector.load %arg5[%swap3A, %swap3A_36] : memref<2000x16xf32, #tpu.memory_space<vmem>>, vector<2000x16xf32>
    tpu.vector_store %arg5[%swap3A, %swap3A_36], %max3A_35 {strides = array<i32>} : memref<2000x16xf32, #tpu.memory_space<vmem>>, vector<2000x16xf32>,
    %swap3A_38 = arith.constant 0 : index
    %swap3A_39 = arith.constant 0 : index
    %swap3A_40 = vector.load %arg6[%swap3A_38, %swap3A_39] : memref<2000x16xf32, #tpu.memory_space<vmem>>, vector<2000x16xf32>
    tpu.vector_store %arg6[%swap3A_38, %swap3A_39], %div3A_23 {strides = array<i32>} : memref<2000x16xf32, #tpu.memory_space<vmem>>, vector<2000x16xf32>,
    return
  }
  func.func @transform_0(%arg0: i32) -> (i32, i32) {
    %c0_i32 = arith.constant 0 : i32
    %c0_i32_0 = arith.constant 0 : i32
    return %arg0, %c0_i32 : i32, i32
  }
  func.func @transform_1(%arg0: i32) -> (i32, i32, i32) {
    %c0_i32 = arith.constant 0 : i32
    %c0_i32_0 = arith.constant 0 : i32
    %c0_i32_1 = arith.constant 0 : i32
    return %c0_i32, %arg0, %c0_i32_0 : i32, i32, i32
  }
  func.func @transform_2(%arg0: i32) -> (i32, i32, i32) {
    %c0_i32 = arith.constant 0 : i32
    %c0_i32_0 = arith.constant 0 : i32
    %c0_i32_1 = arith.constant 0 : i32
    return %c0_i32, %arg0, %c0_i32_0 : i32, i32, i32
  }
  func.func @transform_3(%arg0: i32) -> (i32, i32) {
    %c0_i32 = arith.constant 0 : i32
    %c0_i32_0 = arith.constant 0 : i32
    %c0_i32_1 = arith.constant 0 : i32
    return %c0_i32, %c0_i32_0 : i32, i32
  }
  func.func @transform_4(%arg0: i32) -> (i32, i32) {
    %c0_i32 = arith.constant 0 : i32
    %c0_i32_0 = arith.constant 0 : i32
    return %arg0, %c0_i32 : i32, i32
  }
  func.func @transform_5(%arg0: i32) -> (i32, i32) {
    %c0_i32 = arith.constant 0 : i32
    %c0_i32_0 = arith.constant 0 : i32
    return %arg0, %c0_i32 : i32, i32
  }
}

module attributes {stable_mosaic.version = 14 : i64} {
  func.func @body(%arg0: i32, %arg1: memref<2000x16xf32, #tpu.memory_space<vmem>>, %arg2: memref<2x2000x16xf32, #tpu.memory_space<vmem>>, %arg3: memref<2000x16xf32, #tpu.memory_space<vmem>>, %arg4: memref<16x128xf32, #tpu.memory_space<vmem>>, %arg5: memref<16x128xf32, #tpu.memory_space<vmem>>, %arg6: memref<1x128xf32, #tpu.memory_space<vmem>>, %arg7: memref<2000x128xf32, #tpu.memory_space<vmem>>) attributes {dimension_semantics = [#tpu.dimension_semantics<arbitrary>], iteration_bounds = array<i64: 5>, scalar_prefetch = 0 : i64, scratch_operands = 0 : i64, tpu.core_type = #tpu.core_type<tc>, window_params = [{transform_indices = @transform_0, window_bounds = array<i64: 2000, 16>}, {transform_indices = @transform_1, window_bounds = array<i64: 2, 2000, 16>}, {transform_indices = @transform_2, window_bounds = array<i64: 2000, 16>}, {pipeline_mode = #tpu.pipeline_mode<synchronous>, transform_indices = @transform_3, window_bounds = array<i64: 16, 128>}, {pipeline_mode = #tpu.pipeline_mode<synchronous>, transform_indices = @transform_4, window_bounds = array<i64: 16, 128>}, {pipeline_mode = #tpu.pipeline_mode<synchronous>, transform_indices = @transform_5, window_bounds = array<i64: 1, 128>}, {transform_indices = @transform_6, window_bounds = array<i64: 2000, 128>}]} {
    %get3A = arith.constant 0 : index
    %get3A_0 = arith.constant 0 : index
    %get3A_1 = arith.constant 0 : index
    %get3A_2 = vector.load %arg2[%get3A, %get3A_0, %get3A_1] : memref<2x2000x16xf32, #tpu.memory_space<vmem>>, vector<1x2000x16xf32>
    %get3A_3 = vector.shape_cast %get3A_2 : vector<1x2000x16xf32> to vector<2000x16xf32>
    %get3A_4 = arith.constant 1 : index
    %get3A_5 = arith.constant 0 : index
    %get3A_6 = arith.constant 0 : index
    %get3A_7 = vector.load %arg2[%get3A_4, %get3A_5, %get3A_6] : memref<2x2000x16xf32, #tpu.memory_space<vmem>>, vector<1x2000x16xf32>
    %get3A_8 = vector.shape_cast %get3A_7 : vector<1x2000x16xf32> to vector<2000x16xf32>
    %add3A = arith.addf %get3A_3, %get3A_8 : vector<2000x16xf32>
    %get3A_9 = arith.constant 0 : index
    %get3A_10 = arith.constant 0 : index
    %get3A_11 = vector.load %arg3[%get3A_9, %get3A_10] : memref<2000x16xf32, #tpu.memory_space<vmem>>, vector<2000x16xf32>
    %mul3A = arith.mulf %add3A, %get3A_11 : vector<2000x16xf32>
    %get3A_12 = arith.constant 0 : index
    %get3A_13 = arith.constant 0 : index
    %get3A_14 = vector.load %arg1[%get3A_12, %get3A_13] : memref<2000x16xf32, #tpu.memory_space<vmem>>, vector<2000x16xf32>
    %get3A_15 = arith.constant 0 : index
    %get3A_16 = arith.constant 0 : index
    %get3A_17 = vector.load %arg4[%get3A_15, %get3A_16] : memref<16x128xf32, #tpu.memory_space<vmem>>, vector<16x128xf32>
    %dot_general3A = arith.constant dense<0.000000e+00> : vector<2000x128xf32>
    %dot_general3A_18 = tpu.matmul %get3A_14, %get3A_17, %dot_general3A {dimension_numbers = #tpu.dot_dimension_numbers<[1], [0], [0], [1], [0, 0, 1, 1], [], []>, transpose_lhs_hint = false} : vector<2000x16xf32>, vector<16x128xf32>, vector<2000x128xf32> -> vector<2000x128xf32>
    %get3A_19 = arith.constant 0 : index
    %get3A_20 = arith.constant 0 : index
    %get3A_21 = vector.load %arg5[%get3A_19, %get3A_20] : memref<16x128xf32, #tpu.memory_space<vmem>>, vector<16x128xf32>
    %dot_general3A_22 = arith.constant dense<0.000000e+00> : vector<2000x128xf32>
    %dot_general3A_23 = tpu.matmul %mul3A, %get3A_21, %dot_general3A_22 {dimension_numbers = #tpu.dot_dimension_numbers<[1], [0], [0], [1], [0, 0, 1, 1], [], []>, transpose_lhs_hint = false} : vector<2000x16xf32>, vector<16x128xf32>, vector<2000x128xf32> -> vector<2000x128xf32>
    %add3A_24 = arith.addf %dot_general3A_18, %dot_general3A_23 : vector<2000x128xf32>
    %get3A_25 = arith.constant 0 : index
    %get3A_26 = arith.constant 0 : index
    %get3A_27 = vector.load %arg6[%get3A_25, %get3A_26] : memref<1x128xf32, #tpu.memory_space<vmem>>, vector<1x128xf32>
    %add3A_28 = vector.broadcast %get3A_27 : vector<1x128xf32> to vector<2000x128xf32>
    %add3A_29 = arith.addf %add3A_24, %add3A_28 : vector<2000x128xf32>
    %swap3A = arith.constant 0 : index
    %swap3A_30 = arith.constant 0 : index
    %swap3A_31 = vector.load %arg7[%swap3A, %swap3A_30] : memref<2000x128xf32, #tpu.memory_space<vmem>>, vector<2000x128xf32>
    tpu.vector_store %arg7[%swap3A, %swap3A_30], %add3A_29 {strides = array<i32>} : memref<2000x128xf32, #tpu.memory_space<vmem>>, vector<2000x128xf32>,
    return
  }
  func.func @transform_0(%arg0: i32) -> (i32, i32) {
    %c0_i32 = arith.constant 0 : i32
    %c0_i32_0 = arith.constant 0 : i32
    return %arg0, %c0_i32 : i32, i32
  }
  func.func @transform_1(%arg0: i32) -> (i32, i32, i32) {
    %c0_i32 = arith.constant 0 : i32
    %c0_i32_0 = arith.constant 0 : i32
    %c0_i32_1 = arith.constant 0 : i32
    return %c0_i32, %arg0, %c0_i32_0 : i32, i32, i32
  }
  func.func @transform_2(%arg0: i32) -> (i32, i32) {
    %c0_i32 = arith.constant 0 : i32
    %c0_i32_0 = arith.constant 0 : i32
    return %arg0, %c0_i32 : i32, i32
  }
  func.func @transform_3(%arg0: i32) -> (i32, i32) {
    %c0_i32 = arith.constant 0 : i32
    %c0_i32_0 = arith.constant 0 : i32
    %c0_i32_1 = arith.constant 0 : i32
    return %c0_i32, %c0_i32_0 : i32, i32
  }
  func.func @transform_4(%arg0: i32) -> (i32, i32) {
    %c0_i32 = arith.constant 0 : i32
    %c0_i32_0 = arith.constant 0 : i32
    %c0_i32_1 = arith.constant 0 : i32
    return %c0_i32, %c0_i32_0 : i32, i32
  }
  func.func @transform_5(%arg0: i32) -> (i32, i32) {
    %c0_i32 = arith.constant 0 : i32
    %c0_i32_0 = arith.constant 0 : i32
    %c0_i32_1 = arith.constant 0 : i32
    return %c0_i32, %c0_i32_0 : i32, i32
  }
  func.func @transform_6(%arg0: i32) -> (i32, i32) {
    %c0_i32 = arith.constant 0 : i32
    %c0_i32_0 = arith.constant 0 : i32
    return %arg0, %c0_i32 : i32, i32
  }
}

</mosaic_0001>

<sc_bundles>
// kernel: kernel.10.cloned.1.call-start
scs
__scs_entry_jumppad:
0x0: {  	(pc) =	sbr.rel $0x88, $3  }
0x1: {  	(tag) =	ssettag $0x0;
	lr =	simm.s32 $0x1  }
0x2: {  	[smem:$0x3F99] =	sst lr;
	_ =	strace $0xD0000000  }
0x3: {  	_ = 	snop  }
0x4: {  	_ = 	snop  }
0x5: {  	_ = 	snop  }
0x6: {  	_ = 	snop  }
0x7: {  	_ = 	snop  }
__scs_overlays_trampoline_lowered:
0x8: {  	[smem:$0x3FA8] =	sst s0  }
0x9: {  	[smem:$0x3FA9] =	sst s1  }
0xa: {  	[smem:$0x3FAA] =	sst s2  }
0xb: {  	[smem:$0x3FAB] =	sst s3  }
0xc: {  	[smem:$0x3FAC] =	sst s4  }
0xd: {  	[smem:$0x3FAD] =	sst s5  }
0xe: {  	[smem:$0x3FAE] =	sst s6  }
0xf: {  	[smem:$0x3FAF] =	sst s7  }
0x10: {  	[smem:$0x3FB0] =	sst s8  }
0x11: {  	[smem:$0x3FB1] =	sst s9;
	s0 =	simm.s32 @!p0 $0x0  }
0x12: {  	s1 =	sld [smem:$0x3F97];
	s0 =	simm.s32 @p0 $0x1  }
0x13: {  	[smem:$0x3FB2] =	sst s0;
	s0 =	simm.s32 @!p1 $0x0  }
0x14: {  	s2 =	sld [smem:$0x3F96];
	s0 =	simm.s32 @p1 $0x1  }
0x15: {  	[smem:$0x3FB3] =	sst s0;
	s0 =	simm.s32 @!p2 $0x0  }
0x16: {  	s3 =	sld [smem:$0x3FDB];
	s0 =	simm.s32 @p2 $0x1  }
0x17: {  	s4 =	simm.s32 $0x1BF5;
	[smem:$0x3FB5] =	sst s0  }
0x18: {  	s0 =	sld [smem:$0x3F98];
	_ =	swait.ge [sflag:s4], $0x0  }
0x19: {  	s7 =	sld [smem:$0x3F99]  }
0x1a: {  	s8 =	sadd.s32 $0xFFFFE003, lr  }
0x1b: {  	s9 =	sadd.s32 $0xFFFFFEF7, lr;
	s5 =	simm.s32 $0xFFFFFFFF;
	p2 =	slt.u32 s8, $0xFFFFF086  }
0x1c: {  	p1 =	slt.u32 s9, $0xF7A;
	s5 =	simm.s32 @!p2 $0x0  }
0x1d: {  	s5 =	simm.s32 @p1 $0x1;
	p0 =	seq.s32 s7, s2  }
0x1e: {  	s7 =	smul.u32 @!p0 $0xF7A, s2;
	p2 =	seq.s32 @!p0 s5, $0x0  }
0x1f: {  	s9 =	smul.u32 $0xF7A, s1;
	s8 =	simm.s32 @!p0 $0x1BF5;
	p2 =	por !p2, p0  }
0x20: {  	[sflag:s8] =	ssyncset.s32 @!p0 $0xFFFFF086;
	s6 =	sadd.s32 @!p0 s3, s7;
	s7 =	simm.s32 @!p0 $0x108  }
0x21: {  	s3 =	sadd.s32 s3, s9;
	s6 =	sadd.s32 @!p0 $0x88, s6;
	s7 =	simm.s32 @p2 $0x1082  }
0x22: {  	[simem:s7], [sflag:s8] =	dma.local @!p0 [hbm:s6], $0xF7A  }
0x23: {  	s9 =	sor.u32 $0xD0000000, s2;
	s6 =	simm.s32 $0x108;
	_ =	swait.ge @!p0 [sflag:s8], $0x0  }
0x24: {  	s3 =	sadd.s32 $0x88, s3;
	s6 =	simm.s32 @!p1 $0x1082;
	[sflag:s4] =	ssyncset.s32 $0xFFFFF086  }
0x25: {  	[simem:s6], [sflag:s4] =	dma.local [hbm:s3], $0xF7A  }
0x26: {  	[smem:$0x3F99] =	sst s1;
	(tag) =	ssettag s2;
	_ =	strace s9  }
0x27: {  	s1 =	sld [smem:$0x3FA9]  }
0x28: {  	s2 =	sld [smem:$0x3FAA]  }
0x29: {  	s4 =	sld [smem:$0x3FAC]  }
0x2a: {  	p0 =	seq.s32 s5, $0x0;
	s5 =	sld [smem:$0x3FAD]  }
0x2b: {  	s6 =	sld [smem:$0x3FAE]  }
0x2c: {  	s7 =	sld [smem:$0x3FAF]  }
0x2d: {  	s3 =	simm.s32 $0x108;
	s8 =	sld [smem:$0x3FB0]  }
0x2e: {  	s3 =	simm.s32 @!p0 $0x1082;
	s9 =	sld [smem:$0x3FB1]  }
0x2f: {  	lr =	sadd.s32 s0, s3;
	s0 =	sld [smem:$0x3FA8]  }
0x30: {  	s3 =	sld [smem:$0x3FAB]  }
0x31: {  	[smem:$0x3FB4] =	sst s10  }
0x32: {  	s10 =	sld [smem:$0x3FB2];
	_ =	sdelay $0x3  }
0x33: {  	p0 =	seq.s32 s10, $0x1;
	s10 =	sld [smem:$0x3FB4];
	_ =	sdelay $0x3  }
0x34: {  	[smem:$0x3FB4] =	sst s10  }
0x35: {  	s10 =	sld [smem:$0x3FB3];
	_ =	sdelay $0x3  }
0x36: {  	p1 =	seq.s32 s10, $0x1;
	s10 =	sld [smem:$0x3FB4];
	_ =	sdelay $0x3  }
0x37: {  	[smem:$0x3FB4] =	sst s10  }
0x38: {  	s10 =	sld [smem:$0x3FB5]  }
0x39: {  	_ = 	snop;
	(pc) =	sbr.ind lr, $3  }
0x3a: {  	_ = 	snop  }
0x3b: {  	_ = 	snop  }
0x3c: {  	p2 =	seq.s32 s10, $0x1;
	s10 =	sld [smem:$0x3FB4]  }
0x3d: {  	_ =	shalt  }
0x3e: {  	_ =	shalt  }
0x3f: {  	_ =	shalt  }
0x40: {  	_ =	shalt  }
0x41: {  	_ =	shalt  }
0x42: {  	_ =	shalt  }
0x43: {  	_ =	shalt  }
0x44: {  	_ =	shalt  }
0x45: {  	_ =	shalt  }
0x46: {  	_ =	shalt  }
0x47: {  	_ =	shalt  }
0x48: {  	_ =	shalt  }
0x49: {  	_ =	shalt  }
0x4a: {  	_ =	shalt  }
0x4b: {  	_ =	shalt  }
0x4c: {  	_ =	shalt  }
0x4d: {  	_ =	shalt  }
0x4e: {  	_ =	shalt  }
0x4f: {  	_ =	shalt  }
0x50: {  	_ =	shalt  }
0x51: {  	_ =	shalt  }
0x52: {  	_ =	shalt  }
0x53: {  	_ =	shalt  }
0x54: {  	_ =	shalt  }
0x55: {  	_ =	shalt  }
0x56: {  	_ =	shalt  }
0x57: {  	_ =	shalt  }
0x58: {  	_ =	shalt  }
0x59: {  	_ =	shalt  }
0x5a: {  	_ =	shalt  }
0x5b: {  	_ =	shalt  }
0x5c: {  	_ =	shalt  }
0x5d: {  	_ =	shalt  }
0x5e: {  	_ =	shalt  }
0x5f: {  	_ =	shalt  }
0x60: {  	_ =	shalt  }
0x61: {  	_ =	shalt  }
0x62: {  	_ =	shalt  }
0x63: {  	_ =	shalt  }
0x64: {  	_ =	shalt  }
0x65: {  	_ =	shalt  }
0x66: {  	_ =	shalt  }
0x67: {  	_ =	shalt  }
0x68: {  	_ =	shalt  }
0x69: {  	_ =	shalt  }
0x6a: {  	_ =	shalt  }
0x6b: {  	_ =	shalt  }
0x6c: {  	_ =	shalt  }
0x6d: {  	_ =	shalt  }
0x6e: {  	_ =	shalt  }
0x6f: {  	_ =	shalt  }
0x70: {  	_ =	shalt  }
0x71: {  	_ =	shalt  }
0x72: {  	_ =	shalt  }
0x73: {  	_ =	shalt  }
0x74: {  	_ =	shalt  }
0x75: {  	_ =	shalt  }
0x76: {  	_ =	shalt  }
0x77: {  	_ =	shalt  }
0x78: {  	_ =	shalt  }
0x79: {  	_ =	shalt  }
0x7a: {  	_ =	shalt  }
0x7b: {  	_ =	shalt  }
0x7c: {  	_ =	shalt  }
0x7d: {  	_ =	shalt  }
0x7e: {  	_ =	shalt  }
0x7f: {  	_ =	shalt  }
0x80: {  	_ =	shalt  }
0x81: {  	_ =	shalt  }
0x82: {  	_ =	shalt  }
0x83: {  	_ =	shalt  }
0x84: {  	_ =	shalt  }
0x85: {  	_ =	shalt  }
0x86: {  	_ =	shalt  }
0x87: {  	_ =	shalt  }
.Lfunc_end0:
.L_simem_size_0:
called_computation.1_lowered:
.L_overlay_start_0:
0x88: {  	s2 =	sld [smem:$0x3FD9]  }
0x89: {  	s3 =	sld [smem:$0x3FFE];
	_ =	sdelay $0x1  }
0x8a: {  	s1 =	srdreg.scid  }
0x8b: {  	s0 =	sand.u32 $0x1, s1  }
0x8c: {  	s17 =	sshll.u32 s0, $0xA;
	s2 =	sadd.s32 s3, s2  }
0x8d: {  	s2 =	sadd.s32 s2, s17  }
0x8e: {  	[smem:$0x3FC0] =	sst s2  }
0x8f: {  	_ = 	snop  }
0x90: {  	s2 =	sld [smem:$0x3FD0];
	(tm) =	ssettm $0x1  }
0x91: {  	s18 =	sld [smem:$0x3FFB];
	_ =	sdelay $0x3  }
0x92: {  	_ =	strace s18  }
0x93: {  	s3 =	sld [smem:$0x3FFC];
	_ =	sdelay $0x3  }
0x94: {  	_ =	strace s3  }
0x95: {  	s3 =	sld [smem:$0x3FFD];
	_ =	sdelay $0x3  }
0x96: {  	_ =	strace s3  }
0x97: {  	_ =	strace $0x8FFFFFFF  }
0x98: {  	s19 =	sld [smem:$0x3FDB];
	_ =	sdelay $0x1  }
0x99: {  	s4 =	simm.s32 $_scs_section_size  }
0x9a: {  	s5 =	simm.s32 $_size__tile_overlayer_lowered;
	s6 =	simm.s32 $_tile_overlayer_lowered  }
0x9b: {  	s22 =	simm.s32 $0x1BFF;
	s21 =	sshll.u32 s6, $0x1;
	s3 =	sadd.s32 s4, s19  }
0x9c: {  	s7 =	simm.s32 $0x0;
	s20 =	sshll.u32 s5, $0x1;
	s5 =	sadd.s32 s21, s3  }
0x9d: {  	[timem:s7], [sflag:s22] =	dma.local [hbm:s5], s20  }
0x9e: {  	_ =	swait.ge [sflag:s22], s20  }
0x9f: {  	s4 =	ssub.s32 $0x0, s20;
	[sflag:s22] =	ssyncset.done $0x0  }
0xa0: {  	[sflag:s22] =	ssyncadd.s32 s4;
	_ =	sdelay $0x1  }
0xa1: {  	s23 =	simm.s32 $0x1B8B  }
0xa2: {  	_ =	swait.ge [sflag:s23], $0x1  }
0xa3: {  	[sflag:s23] =	ssyncset.done $0x0  }
0xa4: {  	s25 =	simm.s32 $0x1B8E;
	s24 =	sld [smem:$0x3FFE];
	[sflag:s23] =	ssyncadd.s32 $0xFFFFFFFF  }
0xa5: {  	s26 =	simm.s32 $execute0_lowered;
	[smem:$0x3FD2] =	sst s25  }
0xa6: {  	s5 =	sshll.u32 s26, $0x1;
	_ =	strace $0x80000049;
	[dreg:$0x1] =	wrdreg $0xFFFFFFFF  }
0xa7: {  	s28 =	simm.s32 $_size_execute0_lowered;
	s3 =	sadd.s32 s3, s5;
	[dreg:$0x0] =	wrdreg $0x0  }
0xa8: {  	s5 =	sshll.u32 s28, $0x1;
	[dreg:$0x2] =	wrdreg s3  }
0xa9: {  	[dreg:$0x3] =	wrdreg s5  }
0xaa: {  	[dreg:$0x4] =	wrdreg $0xC0  }
0xab: {  	_ =	task [dreg:s7], $0x5FFFF  }
0xac: {  	[dreg:$0x1] =	wrdreg $0xFFFFFFFF  }
0xad: {  	[dreg:$0x0] =	wrdreg $0x60  }
0xae: {  	[dreg:$0x2] =	wrdreg s24  }
0xaf: {  	[dreg:$0x3] =	wrdreg s2  }
0xb0: {  	[dreg:$0x4] =	wrdreg $0x8E800  }
0xb1: {  	[dreg:$0x5] =	wrdreg $0x9  }
0xb2: {  	_ =	task.clear_ibuf [dreg:s7], $0x6FFFF;
	_ =	strace $0x90000049  }
0xb3: {  	s29 =	simm.s32 $0x9;
	_ =	strace $0x8000004B  }
0xb4: {  	_ =	swait.ge [sflag:s29], $0x1  }
0xb5: {  	[sflag:s29] =	ssyncadd.s32 $0xFFFFFFFF  }
0xb6: {  	_ =	strace $0x9000004B  }
0xb7: {  	_ =	sfence  }
0xb8: {  	s30 =	sld [smem:$0x0];
	_ =	sdelay $0x2  }
0xb9: {  	s31 =	sshll.u32 s1, $0xD;
	s1 =	sshrl.u32 s1, $0x2  }
0xba: {  	s3 =	sand.u32 $0x4000, s31;
	s1 =	sadd.s32 s1, s30  }
0xbb: {  	s0 =	sor.u32 s3, s0;
	s1 =	sshll.u32 s1, $0x11  }
0xbc: {  	s0 =	sor.u32 s1, s0  }
0xbd: {  	s0 =	sadd.s32 $0x8F2B, s0  }
0xbe: {  	[sflag:s0] =	ssyncadd.remote.s32 $0x1  }
0xbf: {  	_ =	sfence.sel $0xFFFF  }
0xc0: {  	[dreg:$0x0] =	wrdreg $0xFFFFFFFF;
	(pc) =	sbr.abs _section_cstart, $3  }
0xc1: {  	[dreg:$0x1] =	wrdreg $0xFFFFFFFF  }
0xc2: {  	_ =	task.clear_ibuf [dreg:s7], $0x2FFFF;
	_ =	strace $0x9FFFFFFF  }
0xc3: {  	(tm) =	ssettm $0x7FFFFFFF  }
tec
execute0_lowered:
.L_overlay_start_1:
0x0: {  	(tag) =	ssettag $0x1  }
0x1: {  	s0 =	srdreg.scid;
	s1 =	rddreg [dreg:$0x0]  }
0x2: {  	s11 =	stileid.u32;
	s7 =	rddreg [dreg:$0x1]  }
0x3: {  	s14 =	simm.s32 $0x7D;
	s15 =	simm.s32 $0x5000;
	s17 =	simm.s32 $0x57D0  }
0x4: {  	s19 =	simm.s32 $0x5FA0;
	s21 =	simm.s32 $0x6770;
	s22 =	simm.s32 $0x1  }
0x5: {  	s23 =	simm.s32 $0x6F40;
	s24 =	simm.s32 $0x7710;
	s25 =	simm.s32 $0x7EE0  }
0x6: {  	s26 =	simm.s32 $0x86B0;
	s28 =	simm.s32 $0x3;
	s29 =	simm.s32 $0x2  }
0x7: {  	s30 =	simm.s32 $0x4;
	s13 =	simm.s32 $0x4F00;
	s16 =	simm.s32 $0x4F80  }
0x8: {  	s18 =	simm.s32 $0x0;
	s0 =	sand.u32 $0x1, s0;
	s6 =	smul.u32 $0x2780, s11  }
0x9: {  	s4 =	sadd.s32 $0xBA00, s1;
	s2 =	sshll.u32 s0, $0x4;
	s5 =	smul.u32 $0x27800, s0  }
0xa: {  	s0 =	ssub.s32 $0x2, s0;
	s3 =	sor.u32 s11, s2;
	s2 =	rddreg [dreg:$0x2]  }
0xb: {  	s31 =	sshrl.u32 s0, $0x1;
	s11 =	sshll.u32 s11, $0x6;
	s8 =	smul.u32 $0x500, s3  }
0xc: {  	s3 =	simm.s32 $0x0;
	s10 =	sadd.s32 s6, s5;
	s5 =	sadd.s32 $0x10C00, s1  }
0xd: {  	s0 =	ssub.s32 s0, s31;
	s12 =	sadd.s32 s6, s2;
	s6 =	sor.u32 $0x1C05, s11  }
0xe: {  	[smem:$0x7FF] =	sst s3;
	s10 =	sshrl.u32 s10, $0x3;
	s11 =	sshrl.u32 s12, $0x3  }
0xf: {  	s12 =	simm.s32 $0x5;
	_ =	strace $0x8000004A;
	s9 =	sadd.s32 s8, s1  }
0x10: {  	s1 =	sadd.s32 s10, s1;
	s7 =	sadd.s32 s7, s8;
	s10 =	smax.u32 s0, $0x1  }
0x11: {  	s0 =	simm.s32 $0x4E80;
	s8 =	sadd.s32 $0x1A00, s9;
	s9 =	sadd.s32 $0x11200, s1  }
.LBB2_1:
0x12: {  	[spmem:s11], [sflag:s6] =	dma.local [hbm:s5], $0x4F0  }
0x13: {  	_ =	swait.ge [sflag:s12], $0x4F0  }
0x14: {  	[sflag:s12] =	ssyncset.done $0x0  }
0x15: {  	[sflag:s12] =	ssyncadd.s32 $0xFFFFFB10  }
0x16: {  	[tilespmem:s3], [sflag:$0x5] =	stream.linear.gather [hbm4b:s7+s3], $0x2800, $0x38;
	[tilespmem:$0xB600] =	vst v63  }
0x17: {  	_ =	swait.ge [sflag:s12], $0x2800  }
0x18: {  	[sflag:s12] =	ssyncset.done $0x0  }
0x19: {  	s1 =	simm.s32 $0x2800;
	[sflag:s12] =	ssyncadd.s32 $0xFFFFD800  }
0x1a: {  	[tilespmem:s1], [sflag:$0x5] =	stream.linear.gather [hbm4b:s8+s3], $0x2800, $0x38;
	[tilespmem:$0xB600] =	vst v63  }
0x1b: {  	_ =	swait.ge [sflag:s12], $0x2800  }
0x1c: {  	[sflag:s12] =	ssyncset.done $0x0  }
0x1d: {  	[sflag:s12] =	ssyncadd.s32 $0xFFFFD800  }
0x1e: {  	[bflag:$0x0] =	sbarrier.arrive $0xFFFF  }
0x1f: {  	[tilespmem:s15], [sflag:$0x1] =	stream.indirect.gather [hbm4b:s4+s14], $0x10, s3, s14, $0xb8;
	[tilespmem:$0xB600] =	vst v63  }
0x20: {  	s20 =	simm.s32 $0x80  }
0x21: {  	[tilespmem:s17], [sflag:$0x1] =	stream.indirect.gather [hbm4b:s4+s14], $0x10, s20, s14, $0xb8;
	[tilespmem:$0xB600] =	vst v63  }
0x22: {  	s31 =	simm.s32 $0x100  }
0x23: {  	[tilespmem:s19], [sflag:$0x1] =	stream.indirect.gather [hbm4b:s4+s14], $0x10, s31, s14, $0xb8;
	[tilespmem:$0xB600] =	vst v63  }
0x24: {  	s20 =	simm.s32 $0x180  }
0x25: {  	[tilespmem:s21], [sflag:$0x1] =	stream.indirect.gather [hbm4b:s4+s14], $0x10, s20, s14, $0xb8;
	[tilespmem:$0xB600] =	vst v63  }
0x26: {  	_ =	swait.ge [sflag:s22], $0x7D0  }
0x27: {  	[sflag:s22] =	ssyncset.done $0x0  }
0x28: {  	[sflag:s22] =	ssyncadd.s32 $0xFFFFF830  }
0x29: {  	_ =	swait.ge [sflag:s22], $0x7D0  }
0x2a: {  	[sflag:s22] =	ssyncset.done $0x0  }
0x2b: {  	[sflag:s22] =	ssyncadd.s32 $0xFFFFF830  }
0x2c: {  	_ =	swait.ge [sflag:s22], $0x7D0  }
0x2d: {  	[sflag:s22] =	ssyncset.done $0x0  }
0x2e: {  	[sflag:s22] =	ssyncadd.s32 $0xFFFFF830  }
0x2f: {  	_ =	swait.ge [sflag:s22], $0x7D0  }
0x30: {  	[sflag:s22] =	ssyncset.done $0x0  }
0x31: {  	s20 =	simm.s32 $0x2800;
	[sflag:s22] =	ssyncadd.s32 $0xFFFFF830  }
0x32: {  	[spmem:s2] =	stream.indirect.scatter.add.f32 [tilespmem:s15], [sflag:$0x3], $0x10, s20, s14, $0xb8;
	[tilespmem:$0xB600] =	vst v63  }
0x33: {  	s31 =	simm.s32 $0x2880  }
0x34: {  	[spmem:s2] =	stream.indirect.scatter.add.f32 [tilespmem:s17], [sflag:$0x3], $0x10, s31, s14, $0xb8;
	[tilespmem:$0xB600] =	vst v63  }
0x35: {  	s1 =	simm.s32 $0x2900  }
0x36: {  	[spmem:s2] =	stream.indirect.scatter.add.f32 [tilespmem:s19], [sflag:$0x3], $0x10, s1, s14, $0xb8;
	[tilespmem:$0xB600] =	vst v63  }
0x37: {  	s31 =	simm.s32 $0x2980  }
0x38: {  	[spmem:s2] =	stream.indirect.scatter.add.f32 [tilespmem:s21], [sflag:$0x3], $0x10, s31, s14, $0xb8;
	[tilespmem:$0xB600] =	vst v63  }
0x39: {  	s1 =	simm.s32 $0x200  }
0x3a: {  	[tilespmem:s23], [sflag:$0x2] =	stream.indirect.gather [hbm4b:s4+s14], $0x10, s1, s14, $0xb8;
	[tilespmem:$0xB600] =	vst v63  }
0x3b: {  	s31 =	simm.s32 $0x280  }
0x3c: {  	[tilespmem:s24], [sflag:$0x2] =	stream.indirect.gather [hbm4b:s4+s14], $0x10, s31, s14, $0xb8;
	[tilespmem:$0xB600] =	vst v63  }
0x3d: {  	s1 =	simm.s32 $0x300  }
0x3e: {  	[tilespmem:s25], [sflag:$0x2] =	stream.indirect.gather [hbm4b:s4+s14], $0x10, s1, s14, $0xb8;
	[tilespmem:$0xB600] =	vst v63  }
0x3f: {  	s31 =	simm.s32 $0x380  }
0x40: {  	[tilespmem:s26], [sflag:$0x2] =	stream.indirect.gather [hbm4b:s4+s14], $0x10, s31, s14, $0xb8;
	[tilespmem:$0xB600] =	vst v63  }
0x41: {  	_ =	swait.ge [sflag:s28], $0x7D0  }
0x42: {  	[sflag:s28] =	ssyncset.done $0x0  }
0x43: {  	[sflag:s28] =	ssyncadd.s32 $0xFFFFF830  }
0x44: {  	_ =	swait.ge [sflag:s28], $0x7D0  }
0x45: {  	[sflag:s28] =	ssyncset.done $0x0  }
0x46: {  	[sflag:s28] =	ssyncadd.s32 $0xFFFFF830  }
0x47: {  	_ =	swait.ge [sflag:s28], $0x7D0  }
0x48: {  	[sflag:s28] =	ssyncset.done $0x0  }
0x49: {  	[sflag:s28] =	ssyncadd.s32 $0xFFFFF830  }
0x4a: {  	_ =	swait.ge [sflag:s28], $0x7D0  }
0x4b: {  	[sflag:s28] =	ssyncset.done $0x0  }
0x4c: {  	[sflag:s28] =	ssyncadd.s32 $0xFFFFF830  }
0x4d: {  	_ =	swait.ge [sflag:s29], $0x7D0  }
0x4e: {  	[sflag:s29] =	ssyncset.done $0x0  }
0x4f: {  	[sflag:s29] =	ssyncadd.s32 $0xFFFFF830  }
0x50: {  	_ =	swait.ge [sflag:s29], $0x7D0  }
0x51: {  	[sflag:s29] =	ssyncset.done $0x0  }
0x52: {  	[sflag:s29] =	ssyncadd.s32 $0xFFFFF830  }
0x53: {  	_ =	swait.ge [sflag:s29], $0x7D0  }
0x54: {  	[sflag:s29] =	ssyncset.done $0x0  }
0x55: {  	[sflag:s29] =	ssyncadd.s32 $0xFFFFF830  }
0x56: {  	_ =	swait.ge [sflag:s29], $0x7D0  }
0x57: {  	[sflag:s29] =	ssyncset.done $0x0  }
0x58: {  	s1 =	simm.s32 $0x2A00;
	[sflag:s29] =	ssyncadd.s32 $0xFFFFF830  }
0x59: {  	[spmem:s2] =	stream.indirect.scatter.add.f32 [tilespmem:s23], [sflag:$0x4], $0x10, s1, s14, $0xb8;
	[tilespmem:$0xB600] =	vst v63  }
0x5a: {  	s31 =	simm.s32 $0x2A80  }
0x5b: {  	[spmem:s2] =	stream.indirect.scatter.add.f32 [tilespmem:s24], [sflag:$0x4], $0x10, s31, s14, $0xb8;
	[tilespmem:$0xB600] =	vst v63  }
0x5c: {  	s1 =	simm.s32 $0x2B00  }
0x5d: {  	[spmem:s2] =	stream.indirect.scatter.add.f32 [tilespmem:s25], [sflag:$0x4], $0x10, s1, s14, $0xb8;
	[tilespmem:$0xB600] =	vst v63  }
0x5e: {  	s31 =	simm.s32 $0x2B80  }
0x5f: {  	[spmem:s2] =	stream.indirect.scatter.add.f32 [tilespmem:s26], [sflag:$0x4], $0x10, s31, s14, $0xb8;
	[tilespmem:$0xB600] =	vst v63  }
0x60: {  	s1 =	simm.s32 $0x400  }
0x61: {  	[tilespmem:s15], [sflag:$0x1] =	stream.indirect.gather [hbm4b:s4+s14], $0x10, s1, s14, $0xb8;
	[tilespmem:$0xB600] =	vst v63  }
0x62: {  	s31 =	simm.s32 $0x480  }
0x63: {  	[tilespmem:s17], [sflag:$0x1] =	stream.indirect.gather [hbm4b:s4+s14], $0x10, s31, s14, $0xb8;
	[tilespmem:$0xB600] =	vst v63  }
0x64: {  	s1 =	simm.s32 $0x500  }
0x65: {  	[tilespmem:s19], [sflag:$0x1] =	stream.indirect.gather [hbm4b:s4+s14], $0x10, s1, s14, $0xb8;
	[tilespmem:$0xB600] =	vst v63  }
0x66: {  	s31 =	simm.s32 $0x580  }
0x67: {  	[tilespmem:s21], [sflag:$0x1] =	stream.indirect.gather [hbm4b:s4+s14], $0x10, s31, s14, $0xb8;
	[tilespmem:$0xB600] =	vst v63  }
0x68: {  	_ =	swait.ge [sflag:s30], $0x7D0  }
0x69: {  	[sflag:s30] =	ssyncset.done $0x0  }
0x6a: {  	[sflag:s30] =	ssyncadd.s32 $0xFFFFF830  }
0x6b: {  	_ =	swait.ge [sflag:s30], $0x7D0  }
0x6c: {  	[sflag:s30] =	ssyncset.done $0x0  }
0x6d: {  	[sflag:s30] =	ssyncadd.s32 $0xFFFFF830  }
0x6e: {  	_ =	swait.ge [sflag:s30], $0x7D0  }
0x6f: {  	[sflag:s30] =	ssyncset.done $0x0  }
0x70: {  	[sflag:s30] =	ssyncadd.s32 $0xFFFFF830  }
0x71: {  	_ =	swait.ge [sflag:s30], $0x7D0  }
0x72: {  	s20 =	simm.s32 $0x1000;
	[sflag:s30] =	ssyncset.done $0x0  }
.LBB2_2:
0x73: {  	p0 =	sne.s32 s20, $0x8000  }
0x74: {  	[sflag:s30] =	ssyncadd.s32 $0xFFFFF830;
	s31 =	smov.u32 s20;
	s20 =	sadd.s32 $0x1000, s20  }
0x75: {  	_ =	swait.ge [sflag:s22], $0x7D0  }
0x76: {  	[sflag:s22] =	ssyncset.done $0x0  }
0x77: {  	[sflag:s22] =	ssyncadd.s32 $0xFFFFF830  }
0x78: {  	_ =	swait.ge [sflag:s22], $0x7D0  }
0x79: {  	[sflag:s22] =	ssyncset.done $0x0  }
0x7a: {  	[sflag:s22] =	ssyncadd.s32 $0xFFFFF830  }
0x7b: {  	_ =	swait.ge [sflag:s22], $0x7D0  }
0x7c: {  	[sflag:s22] =	ssyncset.done $0x0  }
0x7d: {  	[sflag:s22] =	ssyncadd.s32 $0xFFFFF830  }
0x7e: {  	_ =	swait.ge [sflag:s22], $0x7D0  }
0x7f: {  	s31 =	sshra.s32 s31, $0x2;
	[sflag:s22] =	ssyncset.done $0x0  }
0x80: {  	s1 =	sadd.s32 $0x2800, s31;
	[sflag:s22] =	ssyncadd.s32 $0xFFFFF830  }
0x81: {  	[spmem:s2] =	stream.indirect.scatter.add.f32 [tilespmem:s15], [sflag:$0x3], $0x10, s1, s14, $0xb8;
	[tilespmem:$0xB600] =	vst v63  }
0x82: {  	s1 =	sadd.s32 $0x2880, s31  }
0x83: {  	[spmem:s2] =	stream.indirect.scatter.add.f32 [tilespmem:s17], [sflag:$0x3], $0x10, s1, s14, $0xb8;
	[tilespmem:$0xB600] =	vst v63  }
0x84: {  	s1 =	sadd.s32 $0x2900, s31  }
0x85: {  	[spmem:s2] =	stream.indirect.scatter.add.f32 [tilespmem:s19], [sflag:$0x3], $0x10, s1, s14, $0xb8;
	[tilespmem:$0xB600] =	vst v63  }
0x86: {  	s1 =	sadd.s32 $0x2980, s31  }
0x87: {  	[spmem:s2] =	stream.indirect.scatter.add.f32 [tilespmem:s21], [sflag:$0x3], $0x10, s1, s14, $0xb8;
	[tilespmem:$0xB600] =	vst v63  }
0x88: {  	s1 =	sadd.s32 $0x200, s31  }
0x89: {  	[tilespmem:s23], [sflag:$0x2] =	stream.indirect.gather [hbm4b:s4+s14], $0x10, s1, s14, $0xb8;
	[tilespmem:$0xB600] =	vst v63  }
0x8a: {  	s1 =	sadd.s32 $0x280, s31  }
0x8b: {  	[tilespmem:s24], [sflag:$0x2] =	stream.indirect.gather [hbm4b:s4+s14], $0x10, s1, s14, $0xb8;
	[tilespmem:$0xB600] =	vst v63  }
0x8c: {  	s1 =	sadd.s32 $0x300, s31  }
0x8d: {  	[tilespmem:s25], [sflag:$0x2] =	stream.indirect.gather [hbm4b:s4+s14], $0x10, s1, s14, $0xb8;
	[tilespmem:$0xB600] =	vst v63  }
0x8e: {  	s1 =	sadd.s32 $0x380, s31  }
0x8f: {  	[tilespmem:s26], [sflag:$0x2] =	stream.indirect.gather [hbm4b:s4+s14], $0x10, s1, s14, $0xb8;
	[tilespmem:$0xB600] =	vst v63  }
0x90: {  	_ =	swait.ge [sflag:s28], $0x7D0  }
0x91: {  	[sflag:s28] =	ssyncset.done $0x0  }
0x92: {  	[sflag:s28] =	ssyncadd.s32 $0xFFFFF830  }
0x93: {  	_ =	swait.ge [sflag:s28], $0x7D0  }
0x94: {  	[sflag:s28] =	ssyncset.done $0x0  }
0x95: {  	[sflag:s28] =	ssyncadd.s32 $0xFFFFF830  }
0x96: {  	_ =	swait.ge [sflag:s28], $0x7D0  }
0x97: {  	[sflag:s28] =	ssyncset.done $0x0  }
0x98: {  	[sflag:s28] =	ssyncadd.s32 $0xFFFFF830  }
0x99: {  	_ =	swait.ge [sflag:s28], $0x7D0  }
0x9a: {  	[sflag:s28] =	ssyncset.done $0x0  }
0x9b: {  	[sflag:s28] =	ssyncadd.s32 $0xFFFFF830  }
0x9c: {  	_ =	swait.ge [sflag:s29], $0x7D0  }
0x9d: {  	[sflag:s29] =	ssyncset.done $0x0  }
0x9e: {  	[sflag:s29] =	ssyncadd.s32 $0xFFFFF830  }
0x9f: {  	_ =	swait.ge [sflag:s29], $0x7D0  }
0xa0: {  	[sflag:s29] =	ssyncset.done $0x0  }
0xa1: {  	[sflag:s29] =	ssyncadd.s32 $0xFFFFF830  }
0xa2: {  	_ =	swait.ge [sflag:s29], $0x7D0  }
0xa3: {  	[sflag:s29] =	ssyncset.done $0x0  }
0xa4: {  	[sflag:s29] =	ssyncadd.s32 $0xFFFFF830  }
0xa5: {  	_ =	swait.ge [sflag:s29], $0x7D0  }
0xa6: {  	[sflag:s29] =	ssyncset.done $0x0  }
0xa7: {  	s1 =	sadd.s32 $0x2A00, s31;
	[sflag:s29] =	ssyncadd.s32 $0xFFFFF830  }
0xa8: {  	[spmem:s2] =	stream.indirect.scatter.add.f32 [tilespmem:s23], [sflag:$0x4], $0x10, s1, s14, $0xb8;
	[tilespmem:$0xB600] =	vst v63  }
0xa9: {  	s1 =	sadd.s32 $0x2A80, s31  }
0xaa: {  	[spmem:s2] =	stream.indirect.scatter.add.f32 [tilespmem:s24], [sflag:$0x4], $0x10, s1, s14, $0xb8;
	[tilespmem:$0xB600] =	vst v63  }
0xab: {  	s1 =	sadd.s32 $0x2B00, s31  }
0xac: {  	[spmem:s2] =	stream.indirect.scatter.add.f32 [tilespmem:s25], [sflag:$0x4], $0x10, s1, s14, $0xb8;
	[tilespmem:$0xB600] =	vst v63  }
0xad: {  	s1 =	sadd.s32 $0x2B80, s31  }
0xae: {  	[spmem:s2] =	stream.indirect.scatter.add.f32 [tilespmem:s26], [sflag:$0x4], $0x10, s1, s14, $0xb8;
	[tilespmem:$0xB600] =	vst v63  }
0xaf: {  	s1 =	sadd.s32 $0x400, s31  }
0xb0: {  	[tilespmem:s15], [sflag:$0x1] =	stream.indirect.gather [hbm4b:s4+s14], $0x10, s1, s14, $0xb8;
	[tilespmem:$0xB600] =	vst v63  }
0xb1: {  	s1 =	sadd.s32 $0x480, s31  }
0xb2: {  	[tilespmem:s17], [sflag:$0x1] =	stream.indirect.gather [hbm4b:s4+s14], $0x10, s1, s14, $0xb8;
	[tilespmem:$0xB600] =	vst v63  }
0xb3: {  	s1 =	sadd.s32 $0x500, s31  }
0xb4: {  	[tilespmem:s19], [sflag:$0x1] =	stream.indirect.gather [hbm4b:s4+s14], $0x10, s1, s14, $0xb8;
	[tilespmem:$0xB600] =	vst v63  }
0xb5: {  	s1 =	sadd.s32 $0x580, s31  }
0xb6: {  	[tilespmem:s21], [sflag:$0x1] =	stream.indirect.gather [hbm4b:s4+s14], $0x10, s1, s14, $0xb8;
	[tilespmem:$0xB600] =	vst v63  }
0xb7: {  	_ =	swait.ge [sflag:s30], $0x7D0  }
0xb8: {  	[sflag:s30] =	ssyncset.done $0x0  }
0xb9: {  	[sflag:s30] =	ssyncadd.s32 $0xFFFFF830  }
0xba: {  	_ =	swait.ge [sflag:s30], $0x7D0  }
0xbb: {  	[sflag:s30] =	ssyncset.done $0x0  }
0xbc: {  	[sflag:s30] =	ssyncadd.s32 $0xFFFFF830  }
.Ltmp0:
0xbd: {  	_ =	swait.ge [sflag:s30], $0x7D0;
	(pc) =	sbr.rel @p0 .LBB2_2-.Ltmp0, $4  }
0xbe: {  	[sflag:s30] =	ssyncset.done $0x0  }
0xbf: {  	[sflag:s30] =	ssyncadd.s32 $0xFFFFF830  }
0xc0: {  	_ =	swait.ge [sflag:s30], $0x7D0  }
0xc1: {  	[sflag:s30] =	ssyncset.done $0x0  }
0xc2: {  	[sflag:s30] =	ssyncadd.s32 $0xFFFFF830  }
0xc3: {  	_ =	swait.ge [sflag:s22], $0x7D0  }
0xc4: {  	[sflag:s22] =	ssyncset.done $0x0  }
0xc5: {  	[sflag:s22] =	ssyncadd.s32 $0xFFFFF830  }
0xc6: {  	_ =	swait.ge [sflag:s22], $0x7D0  }
0xc7: {  	[sflag:s22] =	ssyncset.done $0x0  }
0xc8: {  	[sflag:s22] =	ssyncadd.s32 $0xFFFFF830  }
0xc9: {  	_ =	swait.ge [sflag:s22], $0x7D0  }
0xca: {  	[sflag:s22] =	ssyncset.done $0x0  }
0xcb: {  	[sflag:s22] =	ssyncadd.s32 $0xFFFFF830  }
0xcc: {  	_ =	swait.ge [sflag:s22], $0x7D0  }
0xcd: {  	[sflag:s22] =	ssyncset.done $0x0  }
0xce: {  	s1 =	simm.s32 $0x4C00;
	[sflag:s22] =	ssyncadd.s32 $0xFFFFF830  }
0xcf: {  	[spmem:s2] =	stream.indirect.scatter.add.f32 [tilespmem:s15], [sflag:$0x3], $0x10, s1, s14, $0xb8;
	[tilespmem:$0xB600] =	vst v63  }
0xd0: {  	s20 =	simm.s32 $0x4C80  }
0xd1: {  	[spmem:s2] =	stream.indirect.scatter.add.f32 [tilespmem:s17], [sflag:$0x3], $0x10, s20, s14, $0xb8;
	[tilespmem:$0xB600] =	vst v63  }
0xd2: {  	s31 =	simm.s32 $0x4D00  }
0xd3: {  	[spmem:s2] =	stream.indirect.scatter.add.f32 [tilespmem:s19], [sflag:$0x3], $0x10, s31, s14, $0xb8;
	[tilespmem:$0xB600] =	vst v63  }
0xd4: {  	s20 =	simm.s32 $0x4D80  }
0xd5: {  	[spmem:s2] =	stream.indirect.scatter.add.f32 [tilespmem:s21], [sflag:$0x3], $0x10, s20, s14, $0xb8;
	[tilespmem:$0xB600] =	vst v63  }
0xd6: {  	s31 =	simm.s32 $0x2600  }
0xd7: {  	[tilespmem:s23], [sflag:$0x2] =	stream.indirect.gather [hbm4b:s4+s14], $0x10, s31, s14, $0xb8;
	[tilespmem:$0xB600] =	vst v63  }
0xd8: {  	s20 =	simm.s32 $0x2680  }
0xd9: {  	[tilespmem:s24], [sflag:$0x2] =	stream.indirect.gather [hbm4b:s4+s14], $0x10, s20, s14, $0xb8;
	[tilespmem:$0xB600] =	vst v63  }
0xda: {  	s31 =	simm.s32 $0x2700  }
0xdb: {  	[tilespmem:s25], [sflag:$0x2] =	stream.indirect.gather [hbm4b:s4+s14], $0x10, s31, s14, $0xb8;
	[tilespmem:$0xB600] =	vst v63  }
0xdc: {  	s20 =	simm.s32 $0x2780  }
0xdd: {  	[tilespmem:s26], [sflag:$0x2] =	stream.indirect.gather [hbm4b:s4+s14], $0x10, s20, s14, $0xb8;
	[tilespmem:$0xB600] =	vst v63  }
0xde: {  	_ =	swait.ge [sflag:s28], $0x7D0  }
0xdf: {  	[sflag:s28] =	ssyncset.done $0x0  }
0xe0: {  	[sflag:s28] =	ssyncadd.s32 $0xFFFFF830  }
0xe1: {  	_ =	swait.ge [sflag:s28], $0x7D0  }
0xe2: {  	[sflag:s28] =	ssyncset.done $0x0  }
0xe3: {  	[sflag:s28] =	ssyncadd.s32 $0xFFFFF830  }
0xe4: {  	_ =	swait.ge [sflag:s28], $0x7D0  }
0xe5: {  	[sflag:s28] =	ssyncset.done $0x0  }
0xe6: {  	[sflag:s28] =	ssyncadd.s32 $0xFFFFF830  }
0xe7: {  	_ =	swait.ge [sflag:s28], $0x7D0  }
0xe8: {  	[sflag:s28] =	ssyncset.done $0x0  }
0xe9: {  	[sflag:s28] =	ssyncadd.s32 $0xFFFFF830  }
0xea: {  	_ =	swait.ge [sflag:s29], $0x7D0  }
0xeb: {  	[sflag:s29] =	ssyncset.done $0x0  }
0xec: {  	[sflag:s29] =	ssyncadd.s32 $0xFFFFF830  }
0xed: {  	_ =	swait.ge [sflag:s29], $0x7D0  }
0xee: {  	[sflag:s29] =	ssyncset.done $0x0  }
0xef: {  	[sflag:s29] =	ssyncadd.s32 $0xFFFFF830  }
0xf0: {  	_ =	swait.ge [sflag:s29], $0x7D0  }
0xf1: {  	[sflag:s29] =	ssyncset.done $0x0  }
0xf2: {  	[sflag:s29] =	ssyncadd.s32 $0xFFFFF830  }
0xf3: {  	_ =	swait.ge [sflag:s29], $0x7D0  }
0xf4: {  	[sflag:s29] =	ssyncset.done $0x0  }
0xf5: {  	s31 =	simm.s32 $0x4E00;
	[sflag:s29] =	ssyncadd.s32 $0xFFFFF830  }
0xf6: {  	[spmem:s2] =	stream.indirect.scatter.add.f32 [tilespmem:s23], [sflag:$0x4], $0x10, s31, s14, $0xb8;
	[tilespmem:$0xB600] =	vst v63  }
0xf7: {  	_ = 	snop  }
0xf8: {  	[spmem:s2] =	stream.indirect.scatter.add.f32 [tilespmem:s24], [sflag:$0x4], $0x10, s0, s14, $0xb8;
	[tilespmem:$0xB600] =	vst v63  }
0xf9: {  	_ = 	snop  }
0xfa: {  	[spmem:s2] =	stream.indirect.scatter.add.f32 [tilespmem:s25], [sflag:$0x4], $0x10, s13, s14, $0xb8;
	[tilespmem:$0xB600] =	vst v63  }
0xfb: {  	_ = 	snop  }
0xfc: {  	[spmem:s2] =	stream.indirect.scatter.add.f32 [tilespmem:s26], [sflag:$0x4], $0x10, s16, s14, $0xb8;
	[tilespmem:$0xB600] =	vst v63  }
0xfd: {  	_ =	swait.ge [sflag:s30], $0x7D0  }
0xfe: {  	[sflag:s30] =	ssyncset.done $0x0  }
0xff: {  	[sflag:s30] =	ssyncadd.s32 $0xFFFFF830  }
0x100: {  	_ =	swait.ge [sflag:s30], $0x7D0  }
0x101: {  	[sflag:s30] =	ssyncset.done $0x0  }
0x102: {  	[sflag:s30] =	ssyncadd.s32 $0xFFFFF830  }
0x103: {  	_ =	swait.ge [sflag:s30], $0x7D0  }
0x104: {  	[sflag:s30] =	ssyncset.done $0x0  }
0x105: {  	[sflag:s30] =	ssyncadd.s32 $0xFFFFF830  }
0x106: {  	_ =	swait.ge [sflag:s30], $0x7D0  }
0x107: {  	s18 =	sadd.s32 $0x1, s18;
	[sflag:s30] =	ssyncset.done $0x0  }
0x108: {  	p0 =	sne.s32 s18, s10;
	[sflag:s30] =	ssyncadd.s32 $0xFFFFF830  }
.Ltmp1:
0x109: {  	[bflag:$0x0] =	sbarrier.arrive $0xFFFF;
	(pc) =	sbr.rel @p0 .LBB2_1-.Ltmp1, $4  }
0x10a: {  	[hbm:s9], [sflag:s6] =	dma.local [spmem:s11], $0x4F0  }
0x10b: {  	_ =	swait.ge [sflag:s12], $0x4F0  }
0x10c: {  	[sflag:s12] =	ssyncset.done $0x0  }
0x10d: {  	[sflag:s12] =	ssyncadd.s32 $0xFFFFFB10  }
0x10e: {  	_ =	sfence.sel $0x180000  }
0x10f: {  	[bflag:$0x0] =	sbarrier.arrive $0xFFFF  }
0x110: {  	_ =	strace $0x9000004A  }
0x111: {  	s0 =	stileid.u32;
	[bflag:$0x2] =	sbarrier.arrive $0xFFFF  }
0x112: {  	p0 =	sne.s32 s0, $0x0;
	s0 =	rddreg [dreg:$0x3]  }
0x113: {  	s0 =	sadd.s32 @!p0 $0x100000, s0  }
0x114: {  	[sflag:s0] =	ssyncadd.tile.s32 @!p0 $0x1;
	_ =	shalt  }
.Lfunc_end2:
_tile_overlayer_lowered:
.L_overlay_start_2:
0x115: {  	(tag) =	ssettag $0x2  }
0x116: {  	s0 =	rddreg [dreg:$0x0];
	s2 =	stileid.u32  }
0x117: {  	s1 =	rddreg [dreg:$0x1];
	p0 =	sne.s32 s2, $0x0  }
0x118: {  	s3 =	rddreg [dreg:$0x2];
	[bflag:$0x3] =	sbarrier.arrive $0xFFFF;
	s2 =	simm.s32 @!p0 $0x1C05  }
0x119: {  	[timem:s3], [sflag:s2] =	dma.local @!p0 [hbm:s0], s1  }
0x11a: {  	s0 =	simm.s32 @!p0 $0x5  }
0x11b: {  	_ =	swait.ge @!p0 [sflag:s0], s1  }
0x11c: {  	s1 =	ssub.s32 @!p0 $0x0, s1;
	[sflag:s0] =	ssyncset.done @!p0 $0x0  }
0x11d: {  	[sflag:s0] =	ssyncadd.s32 @!p0 s1  }
0x11e: {  	[bflag:$0x3] =	sbarrier.arrive $0xFFFF  }
0x11f: {  	_ =	shalt  }

// kernel: kernel.7.cloned.1.call-start
scs
__scs_entry_jumppad:
0x0: {  	(pc) =	sbr.rel $0x88, $3  }
0x1: {  	(tag) =	ssettag $0x0;
	lr =	simm.s32 $0x1  }
0x2: {  	[smem:$0x3F99] =	sst lr;
	_ =	strace $0xD0000000  }
0x3: {  	_ = 	snop  }
0x4: {  	_ = 	snop  }
0x5: {  	_ = 	snop  }
0x6: {  	_ = 	snop  }
0x7: {  	_ = 	snop  }
__scs_overlays_trampoline_lowered:
0x8: {  	[smem:$0x3FA8] =	sst s0  }
0x9: {  	[smem:$0x3FA9] =	sst s1  }
0xa: {  	[smem:$0x3FAA] =	sst s2  }
0xb: {  	[smem:$0x3FAB] =	sst s3  }
0xc: {  	[smem:$0x3FAC] =	sst s4  }
0xd: {  	[smem:$0x3FAD] =	sst s5  }
0xe: {  	[smem:$0x3FAE] =	sst s6  }
0xf: {  	[smem:$0x3FAF] =	sst s7  }
0x10: {  	[smem:$0x3FB0] =	sst s8  }
0x11: {  	[smem:$0x3FB1] =	sst s9;
	s0 =	simm.s32 @!p0 $0x0  }
0x12: {  	s1 =	sld [smem:$0x3F97];
	s0 =	simm.s32 @p0 $0x1  }
0x13: {  	[smem:$0x3FB2] =	sst s0;
	s0 =	simm.s32 @!p1 $0x0  }
0x14: {  	s2 =	sld [smem:$0x3F96];
	s0 =	simm.s32 @p1 $0x1  }
0x15: {  	[smem:$0x3FB3] =	sst s0;
	s0 =	simm.s32 @!p2 $0x0  }
0x16: {  	s3 =	sld [smem:$0x3FDB];
	s0 =	simm.s32 @p2 $0x1  }
0x17: {  	s4 =	simm.s32 $0x1BF5;
	[smem:$0x3FB5] =	sst s0  }
0x18: {  	s0 =	sld [smem:$0x3F98];
	_ =	swait.ge [sflag:s4], $0x0  }
0x19: {  	s7 =	sld [smem:$0x3F99]  }
0x1a: {  	s8 =	sadd.s32 $0xFFFFE003, lr  }
0x1b: {  	s9 =	sadd.s32 $0xFFFFFEF7, lr;
	s5 =	simm.s32 $0xFFFFFFFF;
	p2 =	slt.u32 s8, $0xFFFFF086  }
0x1c: {  	p1 =	slt.u32 s9, $0xF7A;
	s5 =	simm.s32 @!p2 $0x0  }
0x1d: {  	s5 =	simm.s32 @p1 $0x1;
	p0 =	seq.s32 s7, s2  }
0x1e: {  	s7 =	smul.u32 @!p0 $0xF7A, s2;
	p2 =	seq.s32 @!p0 s5, $0x0  }
0x1f: {  	s9 =	smul.u32 $0xF7A, s1;
	s8 =	simm.s32 @!p0 $0x1BF5;
	p2 =	por !p2, p0  }
0x20: {  	[sflag:s8] =	ssyncset.s32 @!p0 $0xFFFFF086;
	s6 =	sadd.s32 @!p0 s3, s7;
	s7 =	simm.s32 @!p0 $0x108  }
0x21: {  	s3 =	sadd.s32 s3, s9;
	s6 =	sadd.s32 @!p0 $0x88, s6;
	s7 =	simm.s32 @p2 $0x1082  }
0x22: {  	[simem:s7], [sflag:s8] =	dma.local @!p0 [hbm:s6], $0xF7A  }
0x23: {  	s9 =	sor.u32 $0xD0000000, s2;
	s6 =	simm.s32 $0x108;
	_ =	swait.ge @!p0 [sflag:s8], $0x0  }
0x24: {  	s3 =	sadd.s32 $0x88, s3;
	s6 =	simm.s32 @!p1 $0x1082;
	[sflag:s4] =	ssyncset.s32 $0xFFFFF086  }
0x25: {  	[simem:s6], [sflag:s4] =	dma.local [hbm:s3], $0xF7A  }
0x26: {  	[smem:$0x3F99] =	sst s1;
	(tag) =	ssettag s2;
	_ =	strace s9  }
0x27: {  	s1 =	sld [smem:$0x3FA9]  }
0x28: {  	s2 =	sld [smem:$0x3FAA]  }
0x29: {  	s4 =	sld [smem:$0x3FAC]  }
0x2a: {  	p0 =	seq.s32 s5, $0x0;
	s5 =	sld [smem:$0x3FAD]  }
0x2b: {  	s6 =	sld [smem:$0x3FAE]  }
0x2c: {  	s7 =	sld [smem:$0x3FAF]  }
0x2d: {  	s3 =	simm.s32 $0x108;
	s8 =	sld [smem:$0x3FB0]  }
0x2e: {  	s3 =	simm.s32 @!p0 $0x1082;
	s9 =	sld [smem:$0x3FB1]  }
0x2f: {  	lr =	sadd.s32 s0, s3;
	s0 =	sld [smem:$0x3FA8]  }
0x30: {  	s3 =	sld [smem:$0x3FAB]  }
0x31: {  	[smem:$0x3FB4] =	sst s10  }
0x32: {  	s10 =	sld [smem:$0x3FB2];
	_ =	sdelay $0x3  }
0x33: {  	p0 =	seq.s32 s10, $0x1;
	s10 =	sld [smem:$0x3FB4];
	_ =	sdelay $0x3  }
0x34: {  	[smem:$0x3FB4] =	sst s10  }
0x35: {  	s10 =	sld [smem:$0x3FB3];
	_ =	sdelay $0x3  }
0x36: {  	p1 =	seq.s32 s10, $0x1;
	s10 =	sld [smem:$0x3FB4];
	_ =	sdelay $0x3  }
0x37: {  	[smem:$0x3FB4] =	sst s10  }
0x38: {  	s10 =	sld [smem:$0x3FB5]  }
0x39: {  	_ = 	snop;
	(pc) =	sbr.ind lr, $3  }
0x3a: {  	_ = 	snop  }
0x3b: {  	_ = 	snop  }
0x3c: {  	p2 =	seq.s32 s10, $0x1;
	s10 =	sld [smem:$0x3FB4]  }
0x3d: {  	_ =	shalt  }
0x3e: {  	_ =	shalt  }
0x3f: {  	_ =	shalt  }
0x40: {  	_ =	shalt  }
0x41: {  	_ =	shalt  }
0x42: {  	_ =	shalt  }
0x43: {  	_ =	shalt  }
0x44: {  	_ =	shalt  }
0x45: {  	_ =	shalt  }
0x46: {  	_ =	shalt  }
0x47: {  	_ =	shalt  }
0x48: {  	_ =	shalt  }
0x49: {  	_ =	shalt  }
0x4a: {  	_ =	shalt  }
0x4b: {  	_ =	shalt  }
0x4c: {  	_ =	shalt  }
0x4d: {  	_ =	shalt  }
0x4e: {  	_ =	shalt  }
0x4f: {  	_ =	shalt  }
0x50: {  	_ =	shalt  }
0x51: {  	_ =	shalt  }
0x52: {  	_ =	shalt  }
0x53: {  	_ =	shalt  }
0x54: {  	_ =	shalt  }
0x55: {  	_ =	shalt  }
0x56: {  	_ =	shalt  }
0x57: {  	_ =	shalt  }
0x58: {  	_ =	shalt  }
0x59: {  	_ =	shalt  }
0x5a: {  	_ =	shalt  }
0x5b: {  	_ =	shalt  }
0x5c: {  	_ =	shalt  }
0x5d: {  	_ =	shalt  }
0x5e: {  	_ =	shalt  }
0x5f: {  	_ =	shalt  }
0x60: {  	_ =	shalt  }
0x61: {  	_ =	shalt  }
0x62: {  	_ =	shalt  }
0x63: {  	_ =	shalt  }
0x64: {  	_ =	shalt  }
0x65: {  	_ =	shalt  }
0x66: {  	_ =	shalt  }
0x67: {  	_ =	shalt  }
0x68: {  	_ =	shalt  }
0x69: {  	_ =	shalt  }
0x6a: {  	_ =	shalt  }
0x6b: {  	_ =	shalt  }
0x6c: {  	_ =	shalt  }
0x6d: {  	_ =	shalt  }
0x6e: {  	_ =	shalt  }
0x6f: {  	_ =	shalt  }
0x70: {  	_ =	shalt  }
0x71: {  	_ =	shalt  }
0x72: {  	_ =	shalt  }
0x73: {  	_ =	shalt  }
0x74: {  	_ =	shalt  }
0x75: {  	_ =	shalt  }
0x76: {  	_ =	shalt  }
0x77: {  	_ =	shalt  }
0x78: {  	_ =	shalt  }
0x79: {  	_ =	shalt  }
0x7a: {  	_ =	shalt  }
0x7b: {  	_ =	shalt  }
0x7c: {  	_ =	shalt  }
0x7d: {  	_ =	shalt  }
0x7e: {  	_ =	shalt  }
0x7f: {  	_ =	shalt  }
0x80: {  	_ =	shalt  }
0x81: {  	_ =	shalt  }
0x82: {  	_ =	shalt  }
0x83: {  	_ =	shalt  }
0x84: {  	_ =	shalt  }
0x85: {  	_ =	shalt  }
0x86: {  	_ =	shalt  }
0x87: {  	_ =	shalt  }
.Lfunc_end0:
.L_simem_size_0:
called_computation_lowered:
.L_overlay_start_0:
0x88: {  	s2 =	sld [smem:$0x3FD9]  }
0x89: {  	s3 =	sld [smem:$0x3FFE];
	_ =	sdelay $0x1  }
0x8a: {  	s1 =	srdreg.scid  }
0x8b: {  	s0 =	sand.u32 $0x1, s1  }
0x8c: {  	s17 =	sshll.u32 s0, $0xA;
	s2 =	sadd.s32 s3, s2  }
0x8d: {  	s2 =	sadd.s32 s2, s17  }
0x8e: {  	[smem:$0x3FC0] =	sst s2  }
0x8f: {  	_ = 	snop  }
0x90: {  	s2 =	sld [smem:$0x3FD0];
	(tm) =	ssettm $0x1  }
0x91: {  	s18 =	sld [smem:$0x3FFB];
	_ =	sdelay $0x3  }
0x92: {  	_ =	strace s18  }
0x93: {  	s3 =	sld [smem:$0x3FFC];
	_ =	sdelay $0x3  }
0x94: {  	_ =	strace s3  }
0x95: {  	s3 =	sld [smem:$0x3FFD];
	_ =	sdelay $0x3  }
0x96: {  	_ =	strace s3  }
0x97: {  	_ =	strace $0x8FFFFFFF  }
0x98: {  	s19 =	sld [smem:$0x3FDB];
	_ =	sdelay $0x1  }
0x99: {  	s4 =	simm.s32 $_scs_section_size  }
0x9a: {  	s5 =	simm.s32 $_size__tile_overlayer_lowered;
	s6 =	simm.s32 $_tile_overlayer_lowered  }
0x9b: {  	s22 =	simm.s32 $0x1BFF;
	s21 =	sshll.u32 s6, $0x1;
	s3 =	sadd.s32 s4, s19  }
0x9c: {  	s7 =	simm.s32 $0x0;
	s20 =	sshll.u32 s5, $0x1;
	s5 =	sadd.s32 s21, s3  }
0x9d: {  	[timem:s7], [sflag:s22] =	dma.local [hbm:s5], s20  }
0x9e: {  	_ =	swait.ge [sflag:s22], s20  }
0x9f: {  	s4 =	ssub.s32 $0x0, s20;
	[sflag:s22] =	ssyncset.done $0x0  }
0xa0: {  	[sflag:s22] =	ssyncadd.s32 s4;
	_ =	sdelay $0x1  }
0xa1: {  	s23 =	simm.s32 $0x1B8B  }
0xa2: {  	_ =	swait.ge [sflag:s23], $0x1  }
0xa3: {  	[sflag:s23] =	ssyncset.done $0x0  }
0xa4: {  	s25 =	simm.s32 $0x1B8E;
	s24 =	sld [smem:$0x3FFE];
	[sflag:s23] =	ssyncadd.s32 $0xFFFFFFFF  }
0xa5: {  	s26 =	simm.s32 $execute0_lowered;
	[smem:$0x3FD2] =	sst s25  }
0xa6: {  	s5 =	sshll.u32 s26, $0x1;
	_ =	strace $0x80000046;
	[dreg:$0x1] =	wrdreg $0xFFFFFFFF  }
0xa7: {  	s28 =	simm.s32 $_size_execute0_lowered;
	s3 =	sadd.s32 s3, s5;
	[dreg:$0x0] =	wrdreg $0x0  }
0xa8: {  	s5 =	sshll.u32 s28, $0x1;
	[dreg:$0x2] =	wrdreg s3  }
0xa9: {  	[dreg:$0x3] =	wrdreg s5  }
0xaa: {  	[dreg:$0x4] =	wrdreg $0xC0  }
0xab: {  	_ =	task [dreg:s7], $0x5FFFF  }
0xac: {  	[dreg:$0x1] =	wrdreg $0xFFFFFFFF  }
0xad: {  	[dreg:$0x0] =	wrdreg $0x60  }
0xae: {  	[dreg:$0x2] =	wrdreg s24  }
0xaf: {  	[dreg:$0x3] =	wrdreg s2  }
0xb0: {  	[dreg:$0x4] =	wrdreg $0x8E800  }
0xb1: {  	[dreg:$0x5] =	wrdreg $0xBDD00  }
0xb2: {  	[dreg:$0x6] =	wrdreg $0x9  }
0xb3: {  	_ =	task.clear_ibuf [dreg:s7], $0x7FFFF;
	_ =	strace $0x90000046  }
0xb4: {  	s29 =	simm.s32 $0x9;
	_ =	strace $0x80000048  }
0xb5: {  	_ =	swait.ge [sflag:s29], $0x1  }
0xb6: {  	[sflag:s29] =	ssyncadd.s32 $0xFFFFFFFF  }
0xb7: {  	_ =	strace $0x90000048  }
0xb8: {  	_ =	sfence  }
0xb9: {  	s30 =	sld [smem:$0x0];
	_ =	sdelay $0x2  }
0xba: {  	s31 =	sshll.u32 s1, $0xD;
	s1 =	sshrl.u32 s1, $0x2  }
0xbb: {  	s3 =	sand.u32 $0x4000, s31;
	s1 =	sadd.s32 s1, s30  }
0xbc: {  	s0 =	sor.u32 s3, s0;
	s1 =	sshll.u32 s1, $0x11  }
0xbd: {  	s0 =	sor.u32 s1, s0  }
0xbe: {  	s0 =	sadd.s32 $0x8F2B, s0  }
0xbf: {  	[sflag:s0] =	ssyncadd.remote.s32 $0x1  }
0xc0: {  	_ =	sfence.sel $0xFFFF  }
0xc1: {  	[dreg:$0x0] =	wrdreg $0xFFFFFFFF;
	(pc) =	sbr.abs _section_cstart, $3  }
0xc2: {  	[dreg:$0x1] =	wrdreg $0xFFFFFFFF  }
0xc3: {  	_ =	task.clear_ibuf [dreg:s7], $0x2FFFF;
	_ =	strace $0x9FFFFFFF  }
0xc4: {  	(tm) =	ssettm $0x7FFFFFFF  }
0xc5: {  	_ =	shalt  }
tec
execute0_lowered:
.L_overlay_start_1:
0x0: {  	(tag) =	ssettag $0x1  }
0x1: {  	s0 =	srdreg.scid;
	s1 =	rddreg [dreg:$0x0]  }
0x2: {  	s7 =	rddreg [dreg:$0x1];
	s13 =	stileid.u32  }
0x3: {  	s2 =	rddreg [dreg:$0x2];
	s15 =	simm.s32 $0x5;
	s17 =	simm.s32 $0xB600  }
0x4: {  	s19 =	simm.s32 $0x7D;
	s20 =	simm.s32 $0x5000;
	s22 =	simm.s32 $0x57D0  }
0x5: {  	s28 =	simm.s32 $0x1;
	s29 =	simm.s32 $0x6F40;
	s30 =	simm.s32 $0x7710  }
0x6: {  	s31 =	simm.s32 $0x7EE0;
	s18 =	simm.s32 $0x2;
	s21 =	simm.s32 $0x4  }
0x7: {  	s0 =	sand.u32 $0x1, s0;
	s10 =	smul.u32 $0x2780, s13;
	s5 =	sadd.s32 $0xBA00, s1  }
0x8: {  	s6 =	sadd.s32 $0x10C00, s1;
	s12 =	sadd.s32 $0x10A00, s1;
	s24 =	sshll.u32 s13, $0x6  }
0x9: {  	s3 =	sshll.u32 s0, $0x4;
	s8 =	smul.u32 $0x27800, s0;
	s0 =	ssub.s32 $0x2, s0  }
0xa: {  	s4 =	sor.u32 s13, s3;
	s3 =	rddreg [dreg:$0x3];
	s23 =	sshrl.u32 s0, $0x1  }
0xb: {  	s14 =	sadd.s32 s10, s2;
	s9 =	smul.u32 $0x500, s4;
	s4 =	simm.s32 $0x0  }
0xc: {  	s8 =	sadd.s32 s10, s8;
	s0 =	ssub.s32 s0, s23;
	s16 =	sadd.s32 s10, s3  }
0xd: {  	s14 =	sshrl.u32 s14, $0x3;
	s23 =	simm.s32 $0x0;
	[smem:$0x7FF] =	sst s4  }
0xe: {  	s8 =	sshrl.u32 s8, $0x3;
	s0 =	smax.u32 s0, $0x1;
	s16 =	sshrl.u32 s16, $0x3  }
0xf: {  	_ =	strace $0x80000047;
	s11 =	sadd.s32 s9, s1;
	[dreg:$0x5] =	wrdreg s12  }
0x10: {  	s1 =	sadd.s32 s8, s1;
	s7 =	sadd.s32 s7, s9;
	[dreg:$0xa] =	wrdreg s0  }
0x11: {  	s8 =	sor.u32 $0x1C05, s24;
	[dreg:$0x6] =	wrdreg s7;
	s25 =	sadd.s32 $0x1A00, s11  }
0x12: {  	s24 =	simm.s32 $0x5FA0;
	s26 =	sadd.s32 $0x1B000, s1;
	[dreg:$0x7] =	wrdreg s25  }
0x13: {  	s0 =	simm.s32 $0x3;
	s1 =	sadd.s32 $0x11200, s1;
	[dreg:$0x8] =	wrdreg s26  }
0x14: {  	[dreg:$0x9] =	wrdreg s1;
	s26 =	simm.s32 $0x6770;
	s1 =	simm.s32 $0x86B0  }
.LBB2_1:
0x15: {  	[spmem:s14], [sflag:s8] =	dma.local [hbm:s6], $0x4F0  }
0x16: {  	_ =	swait.ge [sflag:s15], $0x4F0  }
0x17: {  	[sflag:s15] =	ssyncset.done $0x0  }
0x18: {  	[sflag:s15] =	ssyncadd.s32 $0xFFFFFB10  }
0x19: {  	[spmem:s16], [sflag:s8] =	dma.local [hbm:s6], $0x4F0  }
0x1a: {  	_ =	swait.ge [sflag:s15], $0x4F0  }
0x1b: {  	[sflag:s15] =	ssyncset.done $0x0  }
0x1c: {  	s7 =	rddreg [dreg:$0x5];
	[sflag:s15] =	ssyncadd.s32 $0xFFFFFB10  }
0x1d: {  	[tilespmem:s17], [sflag:$0x5] =	stream.linear.gather [hbm4b:s7+s4], $0x7D0, $0x38;
	[tilespmem:$0xE550] =	vst v63  }
0x1e: {  	_ =	swait.ge [sflag:s15], $0x7D0  }
0x1f: {  	[sflag:s15] =	ssyncset.done $0x0  }
0x20: {  	s10 =	rddreg [dreg:$0x6];
	[sflag:s15] =	ssyncadd.s32 $0xFFFFF830  }
0x21: {  	[tilespmem:s4], [sflag:$0x5] =	stream.linear.gather [hbm4b:s10+s4], $0x2800, $0x38;
	[tilespmem:$0xE550] =	vst v63  }
0x22: {  	_ =	swait.ge [sflag:s15], $0x2800  }
0x23: {  	[sflag:s15] =	ssyncset.done $0x0  }
0x24: {  	s9 =	simm.s32 $0x2800;
	s11 =	rddreg [dreg:$0x7];
	[sflag:s15] =	ssyncadd.s32 $0xFFFFD800  }
0x25: {  	[tilespmem:s9], [sflag:$0x5] =	stream.linear.gather [hbm4b:s11+s4], $0x2800, $0x38;
	[tilespmem:$0xE550] =	vst v63  }
0x26: {  	_ =	swait.ge [sflag:s15], $0x2800  }
0x27: {  	[sflag:s15] =	ssyncset.done $0x0  }
0x28: {  	[sflag:s15] =	ssyncadd.s32 $0xFFFFD800  }
0x29: {  	[bflag:$0x0] =	sbarrier.arrive $0xFFFF  }
0x2a: {  	[tilespmem:s20], [sflag:$0x1] =	stream.indirect.gather [hbm4b:s5+s19], $0x10, s4, s19, $0xb8;
	[tilespmem:$0xE550] =	vst v63  }
0x2b: {  	s12 =	simm.s32 $0x80  }
0x2c: {  	[tilespmem:s22], [sflag:$0x1] =	stream.indirect.gather [hbm4b:s5+s19], $0x10, s12, s19, $0xb8;
	[tilespmem:$0xE550] =	vst v63  }
0x2d: {  	s13 =	simm.s32 $0x100  }
0x2e: {  	[tilespmem:s24], [sflag:$0x1] =	stream.indirect.gather [hbm4b:s5+s19], $0x10, s13, s19, $0xb8;
	[tilespmem:$0xE550] =	vst v63  }
0x2f: {  	s25 =	simm.s32 $0x180  }
0x30: {  	[tilespmem:s26], [sflag:$0x1] =	stream.indirect.gather [hbm4b:s5+s19], $0x10, s25, s19, $0xb8;
	[tilespmem:$0xE550] =	vst v63  }
0x31: {  	_ =	swait.ge [sflag:s28], $0x7D0  }
0x32: {  	[sflag:s28] =	ssyncset.done $0x0  }
0x33: {  	[sflag:s28] =	ssyncadd.s32 $0xFFFFF830  }
0x34: {  	_ =	swait.ge [sflag:s28], $0x7D0  }
0x35: {  	[sflag:s28] =	ssyncset.done $0x0  }
0x36: {  	[sflag:s28] =	ssyncadd.s32 $0xFFFFF830  }
0x37: {  	_ =	swait.ge [sflag:s28], $0x7D0  }
0x38: {  	[sflag:s28] =	ssyncset.done $0x0  }
0x39: {  	[sflag:s28] =	ssyncadd.s32 $0xFFFFF830  }
0x3a: {  	_ =	swait.ge [sflag:s28], $0x7D0  }
0x3b: {  	[sflag:s28] =	ssyncset.done $0x0  }
0x3c: {  	s9 =	simm.s32 $0x2800;
	[sflag:s28] =	ssyncadd.s32 $0xFFFFF830  }
0x3d: {  	[spmem:s2] =	stream.indirect.scatter.add.f32 [tilespmem:s20], [sflag:$0x3], $0x10, s9, s19, $0xb8;
	[tilespmem:$0xE550] =	vst v63  }
0x3e: {  	_ = 	snop  }
0x3f: {  	[spmem:s3] =	stream.indirect.scatter.add.f32 [tilespmem:s17], [sflag:$0x3], $0x10, s9, s19, $0xb8;
	[tilespmem:$0xE550] =	vst v63  }
0x40: {  	s10 =	simm.s32 $0x2880  }
0x41: {  	[spmem:s2] =	stream.indirect.scatter.add.f32 [tilespmem:s22], [sflag:$0x3], $0x10, s10, s19, $0xb8;
	[tilespmem:$0xE550] =	vst v63  }
0x42: {  	_ = 	snop  }
0x43: {  	[spmem:s3] =	stream.indirect.scatter.add.f32 [tilespmem:s17], [sflag:$0x3], $0x10, s10, s19, $0xb8;
	[tilespmem:$0xE550] =	vst v63  }
0x44: {  	s11 =	simm.s32 $0x2900  }
0x45: {  	[spmem:s2] =	stream.indirect.scatter.add.f32 [tilespmem:s24], [sflag:$0x3], $0x10, s11, s19, $0xb8;
	[tilespmem:$0xE550] =	vst v63  }
0x46: {  	_ = 	snop  }
0x47: {  	[spmem:s3] =	stream.indirect.scatter.add.f32 [tilespmem:s17], [sflag:$0x3], $0x10, s11, s19, $0xb8;
	[tilespmem:$0xE550] =	vst v63  }
0x48: {  	s12 =	simm.s32 $0x2980  }
0x49: {  	[spmem:s2] =	stream.indirect.scatter.add.f32 [tilespmem:s26], [sflag:$0x3], $0x10, s12, s19, $0xb8;
	[tilespmem:$0xE550] =	vst v63  }
0x4a: {  	_ = 	snop  }
0x4b: {  	[spmem:s3] =	stream.indirect.scatter.add.f32 [tilespmem:s17], [sflag:$0x3], $0x10, s12, s19, $0xb8;
	[tilespmem:$0xE550] =	vst v63  }
0x4c: {  	s13 =	simm.s32 $0x200  }
0x4d: {  	[tilespmem:s29], [sflag:$0x2] =	stream.indirect.gather [hbm4b:s5+s19], $0x10, s13, s19, $0xb8;
	[tilespmem:$0xE550] =	vst v63  }
0x4e: {  	s25 =	simm.s32 $0x280  }
0x4f: {  	[tilespmem:s30], [sflag:$0x2] =	stream.indirect.gather [hbm4b:s5+s19], $0x10, s25, s19, $0xb8;
	[tilespmem:$0xE550] =	vst v63  }
0x50: {  	s9 =	simm.s32 $0x300  }
0x51: {  	[tilespmem:s31], [sflag:$0x2] =	stream.indirect.gather [hbm4b:s5+s19], $0x10, s9, s19, $0xb8;
	[tilespmem:$0xE550] =	vst v63  }
0x52: {  	s10 =	simm.s32 $0x380  }
0x53: {  	[tilespmem:s1], [sflag:$0x2] =	stream.indirect.gather [hbm4b:s5+s19], $0x10, s10, s19, $0xb8;
	[tilespmem:$0xE550] =	vst v63  }
0x54: {  	_ =	swait.ge [sflag:s0], $0x7D0  }
0x55: {  	[sflag:s0] =	ssyncset.done $0x0  }
0x56: {  	[sflag:s0] =	ssyncadd.s32 $0xFFFFF830  }
0x57: {  	_ =	swait.ge [sflag:s0], $0x7D0  }
0x58: {  	[sflag:s0] =	ssyncset.done $0x0  }
0x59: {  	[sflag:s0] =	ssyncadd.s32 $0xFFFFF830  }
0x5a: {  	_ =	swait.ge [sflag:s0], $0x7D0  }
0x5b: {  	[sflag:s0] =	ssyncset.done $0x0  }
0x5c: {  	[sflag:s0] =	ssyncadd.s32 $0xFFFFF830  }
0x5d: {  	_ =	swait.ge [sflag:s0], $0x7D0  }
0x5e: {  	[sflag:s0] =	ssyncset.done $0x0  }
0x5f: {  	[sflag:s0] =	ssyncadd.s32 $0xFFFFF830  }
0x60: {  	_ =	swait.ge [sflag:s0], $0x7D0  }
0x61: {  	[sflag:s0] =	ssyncset.done $0x0  }
0x62: {  	[sflag:s0] =	ssyncadd.s32 $0xFFFFF830  }
0x63: {  	_ =	swait.ge [sflag:s0], $0x7D0  }
0x64: {  	[sflag:s0] =	ssyncset.done $0x0  }
0x65: {  	[sflag:s0] =	ssyncadd.s32 $0xFFFFF830  }
0x66: {  	_ =	swait.ge [sflag:s0], $0x7D0  }
0x67: {  	[sflag:s0] =	ssyncset.done $0x0  }
0x68: {  	[sflag:s0] =	ssyncadd.s32 $0xFFFFF830  }
0x69: {  	_ =	swait.ge [sflag:s0], $0x7D0  }
0x6a: {  	[sflag:s0] =	ssyncset.done $0x0  }
0x6b: {  	[sflag:s0] =	ssyncadd.s32 $0xFFFFF830  }
0x6c: {  	_ =	swait.ge [sflag:s18], $0x7D0  }
0x6d: {  	[sflag:s18] =	ssyncset.done $0x0  }
0x6e: {  	[sflag:s18] =	ssyncadd.s32 $0xFFFFF830  }
0x6f: {  	_ =	swait.ge [sflag:s18], $0x7D0  }
0x70: {  	[sflag:s18] =	ssyncset.done $0x0  }
0x71: {  	[sflag:s18] =	ssyncadd.s32 $0xFFFFF830  }
0x72: {  	_ =	swait.ge [sflag:s18], $0x7D0  }
0x73: {  	[sflag:s18] =	ssyncset.done $0x0  }
0x74: {  	[sflag:s18] =	ssyncadd.s32 $0xFFFFF830  }
0x75: {  	_ =	swait.ge [sflag:s18], $0x7D0  }
0x76: {  	[sflag:s18] =	ssyncset.done $0x0  }
0x77: {  	s11 =	simm.s32 $0x2A00;
	[sflag:s18] =	ssyncadd.s32 $0xFFFFF830  }
0x78: {  	[spmem:s2] =	stream.indirect.scatter.add.f32 [tilespmem:s29], [sflag:$0x4], $0x10, s11, s19, $0xb8;
	[tilespmem:$0xE550] =	vst v63  }
0x79: {  	_ = 	snop  }
0x7a: {  	[spmem:s3] =	stream.indirect.scatter.add.f32 [tilespmem:s17], [sflag:$0x4], $0x10, s11, s19, $0xb8;
	[tilespmem:$0xE550] =	vst v63  }
0x7b: {  	s12 =	simm.s32 $0x2A80  }
0x7c: {  	[spmem:s2] =	stream.indirect.scatter.add.f32 [tilespmem:s30], [sflag:$0x4], $0x10, s12, s19, $0xb8;
	[tilespmem:$0xE550] =	vst v63  }
0x7d: {  	_ = 	snop  }
0x7e: {  	[spmem:s3] =	stream.indirect.scatter.add.f32 [tilespmem:s17], [sflag:$0x4], $0x10, s12, s19, $0xb8;
	[tilespmem:$0xE550] =	vst v63  }
0x7f: {  	s13 =	simm.s32 $0x2B00  }
0x80: {  	[spmem:s2] =	stream.indirect.scatter.add.f32 [tilespmem:s31], [sflag:$0x4], $0x10, s13, s19, $0xb8;
	[tilespmem:$0xE550] =	vst v63  }
0x81: {  	_ = 	snop  }
0x82: {  	[spmem:s3] =	stream.indirect.scatter.add.f32 [tilespmem:s17], [sflag:$0x4], $0x10, s13, s19, $0xb8;
	[tilespmem:$0xE550] =	vst v63  }
0x83: {  	s25 =	simm.s32 $0x2B80  }
0x84: {  	[spmem:s2] =	stream.indirect.scatter.add.f32 [tilespmem:s1], [sflag:$0x4], $0x10, s25, s19, $0xb8;
	[tilespmem:$0xE550] =	vst v63  }
0x85: {  	p0 =	por $0x0, $0x0  }
0x86: {  	[spmem:s3] =	stream.indirect.scatter.add.f32 [tilespmem:s17], [sflag:$0x4], $0x10, s25, s19, $0xb8;
	[tilespmem:$0xE550] =	vst v63  }
0x87: {  	s7 =	simm.s32 @!p0 $0x7D;
	s9 =	simm.s32 @!p0 $0x5000;
	s25 =	simm.s32 @!p0 $0x400  }
0x88: {  	[tilespmem:s9], [sflag:$0x1] =	stream.indirect.gather @!p0 [hbm4b:s5+s7], $0x10, s25, s7, $0xb8;
	[tilespmem:$0xE550] =	vst v63  }
0x89: {  	s9 =	simm.s32 @!p0 $0x480;
	s25 =	simm.s32 @!p0 $0x57D0  }
0x8a: {  	[tilespmem:s25], [sflag:$0x1] =	stream.indirect.gather @!p0 [hbm4b:s5+s7], $0x10, s9, s7, $0xb8;
	[tilespmem:$0xE550] =	vst v63  }
0x8b: {  	s9 =	simm.s32 @!p0 $0x500;
	s25 =	simm.s32 @!p0 $0x5FA0  }
0x8c: {  	[tilespmem:s25], [sflag:$0x1] =	stream.indirect.gather @!p0 [hbm4b:s5+s7], $0x10, s9, s7, $0xb8;
	[tilespmem:$0xE550] =	vst v63  }
0x8d: {  	s9 =	simm.s32 @!p0 $0x580;
	s25 =	simm.s32 @!p0 $0x6770  }
0x8e: {  	[tilespmem:s25], [sflag:$0x1] =	stream.indirect.gather @!p0 [hbm4b:s5+s7], $0x10, s9, s7, $0xb8;
	[tilespmem:$0xE550] =	vst v63  }
0x8f: {  	_ =	swait.ge [sflag:s21], $0x7D0  }
0x90: {  	[sflag:s21] =	ssyncset.done $0x0  }
0x91: {  	[sflag:s21] =	ssyncadd.s32 $0xFFFFF830  }
0x92: {  	_ =	swait.ge [sflag:s21], $0x7D0  }
0x93: {  	[sflag:s21] =	ssyncset.done $0x0  }
0x94: {  	[sflag:s21] =	ssyncadd.s32 $0xFFFFF830  }
0x95: {  	_ =	swait.ge [sflag:s21], $0x7D0  }
0x96: {  	[sflag:s21] =	ssyncset.done $0x0  }
0x97: {  	[sflag:s21] =	ssyncadd.s32 $0xFFFFF830  }
0x98: {  	_ =	swait.ge [sflag:s21], $0x7D0  }
0x99: {  	[sflag:s21] =	ssyncset.done $0x0  }
0x9a: {  	[sflag:s21] =	ssyncadd.s32 $0xFFFFF830  }
0x9b: {  	_ =	swait.ge [sflag:s21], $0x7D0  }
0x9c: {  	[sflag:s21] =	ssyncset.done $0x0  }
0x9d: {  	[sflag:s21] =	ssyncadd.s32 $0xFFFFF830  }
0x9e: {  	_ =	swait.ge [sflag:s21], $0x7D0  }
0x9f: {  	[sflag:s21] =	ssyncset.done $0x0  }
0xa0: {  	[sflag:s21] =	ssyncadd.s32 $0xFFFFF830  }
0xa1: {  	_ =	swait.ge [sflag:s21], $0x7D0  }
0xa2: {  	[sflag:s21] =	ssyncset.done $0x0  }
0xa3: {  	[sflag:s21] =	ssyncadd.s32 $0xFFFFF830  }
0xa4: {  	s25 =	simm.s32 $0x1000;
	_ =	swait.ge [sflag:s21], $0x7D0  }
.LBB2_2:
0xa5: {  	[sflag:s21] =	ssyncset.done $0x0;
	s7 =	smov.u32 s25;
	s25 =	sadd.s32 $0x1000, s25  }
0xa6: {  	p0 =	sne.s32 s25, $0xA000;
	[sflag:s21] =	ssyncadd.s32 $0xFFFFF830  }
0xa7: {  	_ =	swait.ge [sflag:s28], $0x7D0  }
0xa8: {  	[sflag:s28] =	ssyncset.done $0x0  }
0xa9: {  	[sflag:s28] =	ssyncadd.s32 $0xFFFFF830  }
0xaa: {  	_ =	swait.ge [sflag:s28], $0x7D0  }
0xab: {  	[sflag:s28] =	ssyncset.done $0x0  }
0xac: {  	[sflag:s28] =	ssyncadd.s32 $0xFFFFF830  }
0xad: {  	_ =	swait.ge [sflag:s28], $0x7D0  }
0xae: {  	[sflag:s28] =	ssyncset.done $0x0  }
0xaf: {  	[sflag:s28] =	ssyncadd.s32 $0xFFFFF830  }
0xb0: {  	_ =	swait.ge [sflag:s28], $0x7D0  }
0xb1: {  	s9 =	sshra.s32 s7, $0x2;
	[sflag:s28] =	ssyncset.done $0x0  }
0xb2: {  	s10 =	sadd.s32 $0x2800, s9;
	[sflag:s28] =	ssyncadd.s32 $0xFFFFF830  }
0xb3: {  	[spmem:s2] =	stream.indirect.scatter.add.f32 [tilespmem:s20], [sflag:$0x3], $0x10, s10, s19, $0xb8;
	[tilespmem:$0xE550] =	vst v63  }
0xb4: {  	_ = 	snop  }
0xb5: {  	[spmem:s3] =	stream.indirect.scatter.add.f32 [tilespmem:s17], [sflag:$0x3], $0x10, s10, s19, $0xb8;
	[tilespmem:$0xE550] =	vst v63  }
0xb6: {  	s10 =	sadd.s32 $0x2880, s9  }
0xb7: {  	[spmem:s2] =	stream.indirect.scatter.add.f32 [tilespmem:s22], [sflag:$0x3], $0x10, s10, s19, $0xb8;
	[tilespmem:$0xE550] =	vst v63  }
0xb8: {  	_ = 	snop  }
0xb9: {  	[spmem:s3] =	stream.indirect.scatter.add.f32 [tilespmem:s17], [sflag:$0x3], $0x10, s10, s19, $0xb8;
	[tilespmem:$0xE550] =	vst v63  }
0xba: {  	s10 =	sadd.s32 $0x2900, s9  }
0xbb: {  	[spmem:s2] =	stream.indirect.scatter.add.f32 [tilespmem:s24], [sflag:$0x3], $0x10, s10, s19, $0xb8;
	[tilespmem:$0xE550] =	vst v63  }
0xbc: {  	_ = 	snop  }
0xbd: {  	[spmem:s3] =	stream.indirect.scatter.add.f32 [tilespmem:s17], [sflag:$0x3], $0x10, s10, s19, $0xb8;
	[tilespmem:$0xE550] =	vst v63  }
0xbe: {  	s10 =	sadd.s32 $0x2980, s9  }
0xbf: {  	[spmem:s2] =	stream.indirect.scatter.add.f32 [tilespmem:s26], [sflag:$0x3], $0x10, s10, s19, $0xb8;
	[tilespmem:$0xE550] =	vst v63  }
0xc0: {  	_ = 	snop  }
0xc1: {  	[spmem:s3] =	stream.indirect.scatter.add.f32 [tilespmem:s17], [sflag:$0x3], $0x10, s10, s19, $0xb8;
	[tilespmem:$0xE550] =	vst v63  }
0xc2: {  	s10 =	sadd.s32 $0x200, s9  }
0xc3: {  	[tilespmem:s29], [sflag:$0x2] =	stream.indirect.gather [hbm4b:s5+s19], $0x10, s10, s19, $0xb8;
	[tilespmem:$0xE550] =	vst v63  }
0xc4: {  	s10 =	sadd.s32 $0x280, s9  }
0xc5: {  	[tilespmem:s30], [sflag:$0x2] =	stream.indirect.gather [hbm4b:s5+s19], $0x10, s10, s19, $0xb8;
	[tilespmem:$0xE550] =	vst v63  }
0xc6: {  	s10 =	sadd.s32 $0x300, s9  }
0xc7: {  	[tilespmem:s31], [sflag:$0x2] =	stream.indirect.gather [hbm4b:s5+s19], $0x10, s10, s19, $0xb8;
	[tilespmem:$0xE550] =	vst v63  }
0xc8: {  	s10 =	sadd.s32 $0x380, s9  }
0xc9: {  	[tilespmem:s1], [sflag:$0x2] =	stream.indirect.gather [hbm4b:s5+s19], $0x10, s10, s19, $0xb8;
	[tilespmem:$0xE550] =	vst v63  }
0xca: {  	_ =	swait.ge [sflag:s0], $0x7D0  }
0xcb: {  	[sflag:s0] =	ssyncset.done $0x0  }
0xcc: {  	[sflag:s0] =	ssyncadd.s32 $0xFFFFF830  }
0xcd: {  	_ =	swait.ge [sflag:s0], $0x7D0  }
0xce: {  	[sflag:s0] =	ssyncset.done $0x0  }
0xcf: {  	[sflag:s0] =	ssyncadd.s32 $0xFFFFF830  }
0xd0: {  	_ =	swait.ge [sflag:s0], $0x7D0  }
0xd1: {  	[sflag:s0] =	ssyncset.done $0x0  }
0xd2: {  	[sflag:s0] =	ssyncadd.s32 $0xFFFFF830  }
0xd3: {  	_ =	swait.ge [sflag:s0], $0x7D0  }
0xd4: {  	[sflag:s0] =	ssyncset.done $0x0  }
0xd5: {  	[sflag:s0] =	ssyncadd.s32 $0xFFFFF830  }
0xd6: {  	_ =	swait.ge [sflag:s0], $0x7D0  }
0xd7: {  	[sflag:s0] =	ssyncset.done $0x0  }
0xd8: {  	[sflag:s0] =	ssyncadd.s32 $0xFFFFF830  }
0xd9: {  	_ =	swait.ge [sflag:s0], $0x7D0  }
0xda: {  	[sflag:s0] =	ssyncset.done $0x0  }
0xdb: {  	[sflag:s0] =	ssyncadd.s32 $0xFFFFF830  }
0xdc: {  	_ =	swait.ge [sflag:s0], $0x7D0  }
0xdd: {  	[sflag:s0] =	ssyncset.done $0x0  }
0xde: {  	[sflag:s0] =	ssyncadd.s32 $0xFFFFF830  }
0xdf: {  	_ =	swait.ge [sflag:s0], $0x7D0  }
0xe0: {  	[sflag:s0] =	ssyncset.done $0x0  }
0xe1: {  	[sflag:s0] =	ssyncadd.s32 $0xFFFFF830  }
0xe2: {  	_ =	swait.ge [sflag:s18], $0x7D0  }
0xe3: {  	[sflag:s18] =	ssyncset.done $0x0  }
0xe4: {  	[sflag:s18] =	ssyncadd.s32 $0xFFFFF830  }
0xe5: {  	_ =	swait.ge [sflag:s18], $0x7D0  }
0xe6: {  	[sflag:s18] =	ssyncset.done $0x0  }
0xe7: {  	[sflag:s18] =	ssyncadd.s32 $0xFFFFF830  }
0xe8: {  	_ =	swait.ge [sflag:s18], $0x7D0  }
0xe9: {  	[sflag:s18] =	ssyncset.done $0x0  }
0xea: {  	[sflag:s18] =	ssyncadd.s32 $0xFFFFF830  }
0xeb: {  	_ =	swait.ge [sflag:s18], $0x7D0  }
0xec: {  	[sflag:s18] =	ssyncset.done $0x0  }
0xed: {  	s10 =	sadd.s32 $0x2A00, s9;
	[sflag:s18] =	ssyncadd.s32 $0xFFFFF830  }
0xee: {  	[spmem:s2] =	stream.indirect.scatter.add.f32 [tilespmem:s29], [sflag:$0x4], $0x10, s10, s19, $0xb8;
	[tilespmem:$0xE550] =	vst v63  }
0xef: {  	_ = 	snop  }
0xf0: {  	[spmem:s3] =	stream.indirect.scatter.add.f32 [tilespmem:s17], [sflag:$0x4], $0x10, s10, s19, $0xb8;
	[tilespmem:$0xE550] =	vst v63  }
0xf1: {  	s10 =	sadd.s32 $0x2A80, s9  }
0xf2: {  	[spmem:s2] =	stream.indirect.scatter.add.f32 [tilespmem:s30], [sflag:$0x4], $0x10, s10, s19, $0xb8;
	[tilespmem:$0xE550] =	vst v63  }
0xf3: {  	_ = 	snop  }
0xf4: {  	[spmem:s3] =	stream.indirect.scatter.add.f32 [tilespmem:s17], [sflag:$0x4], $0x10, s10, s19, $0xb8;
	[tilespmem:$0xE550] =	vst v63  }
0xf5: {  	s10 =	sadd.s32 $0x2B00, s9  }
0xf6: {  	[spmem:s2] =	stream.indirect.scatter.add.f32 [tilespmem:s31], [sflag:$0x4], $0x10, s10, s19, $0xb8;
	[tilespmem:$0xE550] =	vst v63  }
0xf7: {  	_ = 	snop  }
0xf8: {  	[spmem:s3] =	stream.indirect.scatter.add.f32 [tilespmem:s17], [sflag:$0x4], $0x10, s10, s19, $0xb8;
	[tilespmem:$0xE550] =	vst v63  }
0xf9: {  	s9 =	sadd.s32 $0x2B80, s9  }
0xfa: {  	[spmem:s2] =	stream.indirect.scatter.add.f32 [tilespmem:s1], [sflag:$0x4], $0x10, s9, s19, $0xb8;
	[tilespmem:$0xE550] =	vst v63  }
0xfb: {  	p1 =	seq.s32 s7, $0x9000  }
0xfc: {  	[spmem:s3] =	stream.indirect.scatter.add.f32 [tilespmem:s17], [sflag:$0x4], $0x10, s9, s19, $0xb8;
	[tilespmem:$0xE550] =	vst v63  }
0xfd: {  	s7 =	sshra.s32 @!p1 s7, $0x2;
	s10 =	simm.s32 @!p1 $0x5000;
	s9 =	simm.s32 @!p1 $0x7D  }
0xfe: {  	s13 =	simm.s32 @!p1 $0x57D0;
	s11 =	sadd.s32 @!p1 $0x400, s7;
	s12 =	sadd.s32 @!p1 $0x480, s7  }
0xff: {  	[tilespmem:s10], [sflag:$0x1] =	stream.indirect.gather @!p1 [hbm4b:s5+s9], $0x10, s11, s9, $0xb8;
	[tilespmem:$0xE550] =	vst v63  }
0x100: {  	s10 =	sadd.s32 @!p1 $0x500, s7;
	s11 =	simm.s32 @!p1 $0x5FA0;
	s7 =	sadd.s32 @!p1 $0x580, s7  }
0x101: {  	[tilespmem:s13], [sflag:$0x1] =	stream.indirect.gather @!p1 [hbm4b:s5+s9], $0x10, s12, s9, $0xb8;
	[tilespmem:$0xE550] =	vst v63  }
0x102: {  	s12 =	simm.s32 @!p1 $0x6770  }
0x103: {  	[tilespmem:s11], [sflag:$0x1] =	stream.indirect.gather @!p1 [hbm4b:s5+s9], $0x10, s10, s9, $0xb8;
	[tilespmem:$0xE550] =	vst v63  }
0x104: {  	_ = 	snop  }
0x105: {  	[tilespmem:s12], [sflag:$0x1] =	stream.indirect.gather @!p1 [hbm4b:s5+s9], $0x10, s7, s9, $0xb8;
	[tilespmem:$0xE550] =	vst v63  }
0x106: {  	_ =	swait.ge [sflag:s21], $0x7D0  }
0x107: {  	[sflag:s21] =	ssyncset.done $0x0  }
0x108: {  	[sflag:s21] =	ssyncadd.s32 $0xFFFFF830  }
0x109: {  	_ =	swait.ge [sflag:s21], $0x7D0  }
0x10a: {  	[sflag:s21] =	ssyncset.done $0x0  }
0x10b: {  	[sflag:s21] =	ssyncadd.s32 $0xFFFFF830  }
0x10c: {  	_ =	swait.ge [sflag:s21], $0x7D0  }
0x10d: {  	[sflag:s21] =	ssyncset.done $0x0  }
0x10e: {  	[sflag:s21] =	ssyncadd.s32 $0xFFFFF830  }
0x10f: {  	_ =	swait.ge [sflag:s21], $0x7D0  }
0x110: {  	[sflag:s21] =	ssyncset.done $0x0  }
0x111: {  	[sflag:s21] =	ssyncadd.s32 $0xFFFFF830  }
0x112: {  	_ =	swait.ge [sflag:s21], $0x7D0  }
0x113: {  	[sflag:s21] =	ssyncset.done $0x0  }
0x114: {  	[sflag:s21] =	ssyncadd.s32 $0xFFFFF830  }
0x115: {  	_ =	swait.ge [sflag:s21], $0x7D0  }
0x116: {  	[sflag:s21] =	ssyncset.done $0x0  }
.Ltmp0:
0x117: {  	[sflag:s21] =	ssyncadd.s32 $0xFFFFF830;
	(pc) =	sbr.rel @p0 .LBB2_2-.Ltmp0, $4  }
0x118: {  	_ =	swait.ge [sflag:s21], $0x7D0  }
0x119: {  	[sflag:s21] =	ssyncset.done $0x0  }
0x11a: {  	[sflag:s21] =	ssyncadd.s32 $0xFFFFF830  }
0x11b: {  	_ =	swait.ge [sflag:s21], $0x7D0  }
0x11c: {  	[sflag:s21] =	ssyncset.done $0x0  }
0x11d: {  	[sflag:s21] =	ssyncadd.s32 $0xFFFFF830  }
0x11e: {  	[bflag:$0x0] =	sbarrier.arrive $0xFFFF  }
0x11f: {  	s7 =	rddreg [dreg:$0x8]  }
0x120: {  	[hbm:s7], [sflag:s8] =	dma.local [spmem:s14], $0x4F0  }
0x121: {  	_ =	swait.ge [sflag:s15], $0x4F0  }
0x122: {  	[sflag:s15] =	ssyncset.done $0x0  }
0x123: {  	s13 =	rddreg [dreg:$0x9];
	[sflag:s15] =	ssyncadd.s32 $0xFFFFFB10  }
0x124: {  	[hbm:s13], [sflag:s8] =	dma.local [spmem:s16], $0x4F0  }
0x125: {  	_ =	swait.ge [sflag:s15], $0x4F0  }
0x126: {  	s23 =	sadd.s32 $0x1, s23;
	s25 =	rddreg [dreg:$0xa]  }
0x127: {  	p0 =	sne.s32 s23, s25  }
.Ltmp1:
0x128: {  	_ = 	snop;
	(pc) =	sbr.rel @p0 .LBB2_1-.Ltmp1, $3  }
0x129: {  	_ =	sdelay $0x1  }
0x12a: {  	[sflag:s15] =	ssyncset.done $0x0  }
0x12b: {  	[sflag:s15] =	ssyncadd.s32 $0xFFFFFB10  }
0x12c: {  	_ =	sfence.sel $0x180000  }
0x12d: {  	[bflag:$0x0] =	sbarrier.arrive $0xFFFF  }
0x12e: {  	_ =	strace $0x90000047  }
0x12f: {  	s0 =	stileid.u32;
	[bflag:$0x2] =	sbarrier.arrive $0xFFFF  }
0x130: {  	p0 =	sne.s32 s0, $0x0;
	s0 =	rddreg [dreg:$0x4]  }
0x131: {  	s0 =	sadd.s32 @!p0 $0x100000, s0  }
0x132: {  	[sflag:s0] =	ssyncadd.tile.s32 @!p0 $0x1;
	_ =	shalt  }
.Lfunc_end2:
_tile_overlayer_lowered:
.L_overlay_start_2:
0x133: {  	(tag) =	ssettag $0x2  }
0x134: {  	s0 =	rddreg [dreg:$0x0];
	s2 =	stileid.u32  }
0x135: {  	s1 =	rddreg [dreg:$0x1];
	p0 =	sne.s32 s2, $0x0  }
0x136: {  	s3 =	rddreg [dreg:$0x2];
	[bflag:$0x3] =	sbarrier.arrive $0xFFFF;
	s2 =	simm.s32 @!p0 $0x1C05  }
0x137: {  	[timem:s3], [sflag:s2] =	dma.local @!p0 [hbm:s0], s1  }
0x138: {  	s0 =	simm.s32 @!p0 $0x5  }
0x139: {  	_ =	swait.ge @!p0 [sflag:s0], s1  }
0x13a: {  	s1 =	ssub.s32 @!p0 $0x0, s1;
	[sflag:s0] =	ssyncset.done @!p0 $0x0  }
0x13b: {  	[sflag:s0] =	ssyncadd.s32 @!p0 s1  }
0x13c: {  	[bflag:$0x3] =	sbarrier.arrive $0xFFFF  }
0x13d: {  	_ =	shalt  }

</sc_bundles>
